<compile_context>
chip_gen: v7x
topology: tpu7x:2x2x1
jax: 0.10.2.dev20260603
libtpu: 0.0.44.dev20260713+nightly
codegen_flags: <defaults>
</compile_context>

<pallas_src>
import jax
import jax.numpy as jnp
from jax import lax
from jax.experimental import pallas as pl
from jax.experimental.pallas import tpu as pltpu
from jax.experimental.pallas import tpu_sc as plsc

NN = 10000
EE = 320000
NW = 32
CH = 128
NCH = 80
TOTCH = NW * NCH
BCH = 8
CH0 = 136
CH1 = 24
EPAD = TOTCH * CH
NPAD = 10112
STRIPE = NPAD // 16
DEG_BCH = 16
DEG_NBLK = NCH // DEG_BCH

_SC_MESH = plsc.VectorSubcoreMesh(core_axis_name="c", subcore_axis_name="s")


def _sc_agg_body(p_hbm, src_hbm, dst_hbm, z_hbm, agg_out,
                 idx_s, idx_d, rows, acc_sh, sem0, sem1):
  c = lax.axis_index("c")
  s = lax.axis_index("s")
  sems = (sem0, sem1)
  pltpu.sync_copy(z_hbm, acc_sh.at[pl.ds(s * STRIPE, STRIPE)])
  plsc.subcore_barrier()
  base = CH0 * s + c * (16 * CH0 + (CH1 - CH0) * s)
  nblk = (CH0 // BCH) + c * ((CH1 - CH0) // BCH)

  def start(j, buf):
    pltpu.async_copy(p_hbm.at[idx_s.at[j]], rows.at[buf], sems[buf])

  def finish(j, buf):
    pltpu.make_async_copy(p_hbm.at[idx_s.at[j]], rows.at[buf],
                          sems[buf]).wait()
    pltpu.sync_copy(rows.at[buf], acc_sh.at[idx_d.at[j]], add=True)

  def blk(b, carry):
    r0 = pl.multiple_of(base + b * BCH, 8)
    pltpu.sync_copy(src_hbm.at[pl.ds(r0, BCH)], idx_s)
    pltpu.sync_copy(dst_hbm.at[pl.ds(r0, BCH)], idx_d)
    start(0, 0)

    def pair(k, carry2):
      j0 = 2 * k
      start(j0 + 1, 1)
      finish(j0, 0)

      @pl.when(j0 + 2 < BCH)
      def _():
        start(j0 + 2, 0)

      finish(j0 + 1, 1)
      return carry2

    lax.fori_loop(0, BCH // 2, pair, 0)
    return carry

  lax.fori_loop(0, nblk, blk, 0)
  plsc.subcore_barrier()
  pltpu.sync_copy(acc_sh.at[pl.ds(s * STRIPE, STRIPE)],
                  agg_out.at[c, pl.ds(s * STRIPE, STRIPE)])


_sc_agg = pl.kernel(
    _sc_agg_body,
    out_type=[jax.ShapeDtypeStruct((2, NPAD, 128), jnp.float32)],
    mesh=_SC_MESH,
    scratch_types=[
        pltpu.VMEM((BCH, CH), jnp.int32),
        pltpu.VMEM((BCH, CH), jnp.int32),
        pltpu.VMEM((2, CH, 128), jnp.float32),
        pltpu.VMEM_SHARED((NPAD, 128), jnp.float32),
        pltpu.SemaphoreType.DMA,
        pltpu.SemaphoreType.DMA,
    ])


def _sc_deg_body(dst_hbm, z_hbm, ones_hbm, deg_out, idx_d, ones_v, acc_sh):
  c = lax.axis_index("c")
  s = lax.axis_index("s")
  w = c * 16 + s
  pltpu.sync_copy(z_hbm, acc_sh.at[pl.ds(s * STRIPE, STRIPE)])
  pltpu.sync_copy(ones_hbm, ones_v)
  plsc.subcore_barrier()

  def blk(b, carry):
    pltpu.sync_copy(dst_hbm.at[w, pl.ds(b * DEG_BCH, DEG_BCH)], idx_d)

    def chunk(j, carry2):
      pltpu.sync_copy(ones_v, acc_sh.at[idx_d.at[j]], add=True)
      return carry2

    lax.fori_loop(0, DEG_BCH, chunk, 0)
    return carry

  lax.fori_loop(0, DEG_NBLK, blk, 0)
  plsc.subcore_barrier()
  pltpu.sync_copy(acc_sh.at[pl.ds(s * STRIPE, STRIPE)],
                  deg_out.at[c, pl.ds(s * STRIPE, STRIPE)])


_sc_deg = pl.kernel(
    _sc_deg_body,
    out_type=[jax.ShapeDtypeStruct((2, NPAD, 128), jnp.float32)],
    mesh=_SC_MESH,
    scratch_types=[
        pltpu.VMEM((DEG_BCH, CH), jnp.int32),
        pltpu.VMEM((CH, 128), jnp.float32),
        pltpu.VMEM_SHARED((NPAD, 128), jnp.float32),
    ])

_R = 400


def _mm_body(x_ref, w_ref, o_ref):
  o_ref[...] = jnp.dot(x_ref[...], w_ref[...],
                       preferred_element_type=jnp.float32)


def _mm(x, w):
  n, k = x.shape
  m = w.shape[1]
  return pl.pallas_call(
      _mm_body,
      grid=(n // _R,),
      in_specs=[pl.BlockSpec((_R, k), lambda i: (i, 0)),
                pl.BlockSpec((k, m), lambda i: (0, 0))],
      out_specs=pl.BlockSpec((_R, m), lambda i: (i, 0)),
      out_shape=jax.ShapeDtypeStruct((n, m), jnp.float32),
  )(x, w)


def _combine_body(x_ref, agg_ref, deg_ref, ws_ref, b_ref, wn_ref,
                  h_ref, p_ref):
  aggv = agg_ref[0] + agg_ref[1]
  degv = deg_ref[0, :, 0:1] + deg_ref[1, :, 0:1]
  r = 1.0 / (degv + 1.0)
  h = jnp.maximum(
      jnp.dot(x_ref[...], ws_ref[...], preferred_element_type=jnp.float32)
      + aggv * r + b_ref[...], 0.0)
  h_ref[...] = h
  if p_ref is not None:
    p_ref[...] = jnp.dot(h, wn_ref[...], preferred_element_type=jnp.float32)


def _combine(x, agg, deg, w_self, b, w_next=None):
  in_specs = [
      pl.BlockSpec((_R, 128), lambda i: (i, 0)),
      pl.BlockSpec((2, _R, 128), lambda i: (0, i, 0)),
      pl.BlockSpec((2, _R, 128), lambda i: (0, i, 0)),
      pl.BlockSpec((128, 128), lambda i: (0, 0)),
      pl.BlockSpec((1, 128), lambda i: (0, 0)),
  ]
  out_specs = [pl.BlockSpec((_R, 128), lambda i: (i, 0))]
  out_shape = [jax.ShapeDtypeStruct((NN, 128), jnp.float32)]
  args = [x, agg, deg, w_self, b]
  if w_next is not None:
    dn = w_next.shape[1]
    in_specs.append(pl.BlockSpec((128, dn), lambda i: (0, 0)))
    out_specs.append(pl.BlockSpec((_R, dn), lambda i: (i, 0)))
    out_shape.append(jax.ShapeDtypeStruct((NN, dn), jnp.float32))
    args.append(w_next)
    body = _combine_body
  else:
    body = lambda x_ref, agg_ref, deg_ref, ws_ref, b_ref, h_ref: (
        _combine_body(x_ref, agg_ref, deg_ref, ws_ref, b_ref, None,
                      h_ref, None))
  return pl.pallas_call(
      body,
      grid=(NN // _R,),
      in_specs=in_specs,
      out_specs=out_specs,
      out_shape=out_shape,
  )(*args)


def _final_body(x_ref, agg_ref, deg_ref, ws_ref, wn_ref, b_ref, o_ref):
  aggv = agg_ref[0] + agg_ref[1]
  degv = deg_ref[0, :, 0:1] + deg_ref[1, :, 0:1]
  hn = aggv * (1.0 / (degv + 1.0))
  o_ref[...] = (
      jnp.dot(x_ref[...], ws_ref[...], preferred_element_type=jnp.float32)
      + jnp.dot(hn, wn_ref[...], preferred_element_type=jnp.float32)
      + b_ref[...])


def _final(x, agg, deg, w_self, w_neigh, b):
  dn = w_self.shape[1]
  return pl.pallas_call(
      _final_body,
      grid=(NN // _R,),
      in_specs=[
          pl.BlockSpec((_R, 128), lambda i: (i, 0)),
          pl.BlockSpec((2, _R, 128), lambda i: (0, i, 0)),
          pl.BlockSpec((2, _R, 128), lambda i: (0, i, 0)),
          pl.BlockSpec((128, dn), lambda i: (0, 0)),
          pl.BlockSpec((128, dn), lambda i: (0, 0)),
          pl.BlockSpec((1, dn), lambda i: (0, 0)),
      ],
      out_specs=pl.BlockSpec((_R, dn), lambda i: (i, 0)),
      out_shape=jax.ShapeDtypeStruct((NN, dn), jnp.float32),
  )(x, agg, deg, w_self, w_neigh, b)


def kernel(features, edge_index, W_self1, W_neigh1, b1,
           W_self2, W_neigh2, b2, W_self3, W_neigh3, b3):
  src = edge_index[0].astype(jnp.int32)
  dst = edge_index[1].astype(jnp.int32)
  npad = EPAD - EE
  srcp = jnp.concatenate([src, jnp.zeros((npad,), jnp.int32)]).reshape(
      TOTCH, CH)
  dstp = jnp.concatenate([dst, jnp.full((npad,), NN, jnp.int32)]).reshape(
      TOTCH, CH)
  dstp3 = dstp.reshape(NW, NCH, CH)
  z128 = jnp.zeros((STRIPE, 128), jnp.float32)
  ones = jnp.ones((CH, 128), jnp.float32)

  deg, = _sc_deg(dstp3, z128, ones)
  p1 = _mm(features, W_neigh1)
  agg1, = _sc_agg(p1, srcp, dstp, z128)
  h1, p2 = _combine(features, agg1, deg, W_self1,
                    b1.reshape(1, -1), W_neigh2)
  agg2, = _sc_agg(p2, srcp, dstp, z128)
  h2, = _combine(h1, agg2, deg, W_self2, b2.reshape(1, -1))
  agg3, = _sc_agg(h2, srcp, dstp, z128)
  return _final(h2, agg3, deg, W_self3, W_neigh3, b3.reshape(1, -1))

# --- scband reference (transcript-rebuilt; emitter-appended) ---
"""Pipeline reference for scband-graph-sage-57475252355193 (READ-ONLY COPY).

The authoritative reference and input builder live on the scoring server;
editing this copy changes nothing except your own understanding.
"""

import jax, jax.numpy as jnp
import numpy as np

N, E, D_IN, D_H, D_OUT = 10000, 320000, 128, 128, 64
NORM_BIAS = 1.0


def setup_inputs(seed: int = 0) -> dict:
    key = jax.random.key(seed)
    ks = jax.random.split(key, 12)
    x = jax.random.normal(ks[0], (N, D_IN), dtype=jnp.float32)
    edge_index = jax.random.randint(ks[1], (2, E), 0, N, dtype=jnp.int32)
    s = 0.05
    return {
        "features": x,
        "edge_index": edge_index,
        "W_self1": jax.random.normal(ks[2], (D_IN, D_H), dtype=jnp.float32) * s,
        "W_neigh1": jax.random.normal(ks[3], (D_IN, D_H), dtype=jnp.float32) * s,
        "b1": jnp.zeros((D_H,), dtype=jnp.float32),
        "W_self2": jax.random.normal(ks[4], (D_H, D_H), dtype=jnp.float32) * s,
        "W_neigh2": jax.random.normal(ks[5], (D_H, D_H), dtype=jnp.float32) * s,
        "b2": jnp.zeros((D_H,), dtype=jnp.float32),
        "W_self3": jax.random.normal(ks[6], (D_H, D_OUT), dtype=jnp.float32) * s,
        "W_neigh3": jax.random.normal(ks[7], (D_H, D_OUT), dtype=jnp.float32) * s,
        "b3": jnp.zeros((D_OUT,), dtype=jnp.float32),
    }


def _sage_layer(h, src, dst, W_self, W_neigh, b):
    # message: gather source node features along each edge
    m = jnp.take(h, src, axis=0)
    # scatter-add messages to destination nodes (SpMM)
    agg = jax.ops.segment_sum(m, dst, num_segments=N)
    deg = jax.ops.segment_sum(jnp.ones((src.shape[0],), dtype=h.dtype), dst, num_segments=N)
    # 'right' norm with norm_bias=1 (mean aggregator with degree bias)
    h_neigh = agg / (deg[:, None] + NORM_BIAS)
    return h @ W_self + h_neigh @ W_neigh + b


def reference(features, edge_index, W_self1, W_neigh1, b1, W_self2, W_neigh2, b2, W_self3, W_neigh3, b3):
    src = edge_index[0]
    dst = edge_index[1]
    h = features  # dropout p=0.0 is identity
    h = _sage_layer(h, src, dst, W_self1, W_neigh1, b1)
    h = jax.nn.relu(h)
    h = _sage_layer(h, src, dst, W_self2, W_neigh2, b2)
    h = jax.nn.relu(h)
    h = _sage_layer(h, src, dst, W_self3, W_neigh3, b3)
    return h

if __name__ == "__main__":
    import jax
    _d = setup_inputs()
    print(jax.jit(kernel)(*tuple(_d.values())))

</pallas_src>

<mosaic_0001>
#map = affine_map<(d0, d1) -> (0, 0)>
#map1 = affine_map<(d0, d1) -> (0, 0, 0)>
module attributes {stable_mosaic.version = 14 : i64} {
  func.func @_sc_agg_body(%arg0: i32, %arg1: i32, %arg2: memref<10000x128xf32, #tpu.memory_space<hbm>>, %arg3: memref<2560x128xi32, #tpu.memory_space<hbm>>, %arg4: memref<2560x128xi32, #tpu.memory_space<hbm>>, %arg5: memref<632x128xf32, #tpu.memory_space<hbm>>, %arg6: memref<2x10112x128xf32, #tpu.memory_space<hbm>>, %arg7: memref<8x128xi32, #tpu.memory_space<vmem>>, %arg8: memref<8x128xi32, #tpu.memory_space<vmem>>, %arg9: memref<2x128x128xf32, #tpu.memory_space<vmem>>, %arg10: memref<10112x128xf32, #tpu.memory_space<vmem_shared>>, %arg11: memref<!tpu.dma_semaphore, #tpu.memory_space<semaphore_mem>>, %arg12: memref<!tpu.dma_semaphore, #tpu.memory_space<semaphore_mem>>) attributes {dimension_semantics = [#tpu.dimension_semantics<core_parallel>, #tpu.dimension_semantics<subcore_parallel>], iteration_bounds = array<i64: 2, 16>, scalar_prefetch = 0 : i64, scratch_operands = 6 : i64, tpu.core_type = #tpu.core_type<sc_vector_subcore>, window_params = [{transform_indices = #map}, {transform_indices = #map}, {transform_indices = #map}, {transform_indices = #map}, {transform_indices = #map1}]} {
    %mul3A = arith.constant 632 : i32
    %mul3A_0 = arith.muli %arg1, %mul3A : i32
    "tpu.region"() ({
      %run_scoped3A = tpu.sem_alloc : memref<!tpu.dma_semaphore, #tpu.memory_space<semaphore_mem>>
      %dma_start3A = arith.constant 0 : i32
      %dma_start3A_26 = tpu.memref_slice %arg10[%mul3A_0, %dma_start3A] : memref<10112x128xf32, #tpu.memory_space<vmem_shared>> -> memref<632x128xf32, #tpu.memory_space<vmem_shared>>
      tpu.enqueue_dma source(%arg5 : memref<632x128xf32, #tpu.memory_space<hbm>>) target(%dma_start3A_26 : memref<632x128xf32, #tpu.memory_space<vmem_shared>>) target_semaphore(%run_scoped3A : memref<!tpu.dma_semaphore, #tpu.memory_space<semaphore_mem>>)
      %dma_wait3A = arith.constant 0 : i32
      %dma_wait3A_27 = tpu.memref_slice %arg10[%mul3A_0, %dma_wait3A] : memref<10112x128xf32, #tpu.memory_space<vmem_shared>> -> memref<632x128xf32, #tpu.memory_space<vmem_shared>>
      tpu.wait_dma2 semaphore(%run_scoped3A : memref<!tpu.dma_semaphore, #tpu.memory_space<semaphore_mem>>) src(%arg5 : memref<632x128xf32, #tpu.memory_space<hbm>>) dst(%dma_wait3A_27 : memref<632x128xf32, #tpu.memory_space<vmem_shared>>)
      tpu.yield
    }) : () -> ()
    %barrier3A = arith.constant 0 : index
    tpu.barrier barrier_id(%barrier3A)
    %mul3A_1 = arith.constant 136 : i32
    %mul3A_2 = arith.muli %mul3A_1, %arg1 : i32
    %mul3A_3 = arith.constant -112 : i32
    %mul3A_4 = arith.muli %mul3A_3, %arg1 : i32
    %add3A = arith.constant 2176 : i32
    %add3A_5 = arith.addi %add3A, %mul3A_4 : i32
    %mul3A_6 = arith.muli %arg0, %add3A_5 : i32
    %add3A_7 = arith.addi %mul3A_2, %mul3A_6 : i32
    %mul3A_8 = arith.constant -14 : i32
    %mul3A_9 = arith.muli %arg0, %mul3A_8 : i32
    %add3A_10 = arith.constant 17 : i32
    %add3A_11 = arith.addi %add3A_10, %mul3A_9 : i32
    %while3A = arith.constant 0 : i32
    %while3A_12 = arith.constant 0 : i32
    %while3A_13 = arith.subi %add3A_11, %while3A_12 : i32
    %while3A_14 = arith.addi %while3A_12, %while3A_13 : i32
    %while3A_15 = arith.constant 1 : i32
    %while3A_16 = arith.divsi %while3A_13, %while3A_15 : i32
    %while3A_17 = arith.muli %while3A_16, %while3A_15 : i32
    %while3A_18 = arith.addi %while3A_12, %while3A_17 : i32
    %while3A_19 = arith.constant 1 : i32
    scf.for %while3A_26 = %while3A_12 to %while3A_18 step %while3A_19  : i32 {
      %mul3A_27 = arith.constant 8 : i32
      %mul3A_28 = arith.muli %while3A_26, %mul3A_27 : i32
      %add3A_29 = arith.addi %add3A_7, %mul3A_28 : i32
      %multiple_of3A = tpu.assume_multiple %add3A_29, 8 : i32
      "tpu.region"() ({
        %run_scoped3A = tpu.sem_alloc : memref<!tpu.dma_semaphore, #tpu.memory_space<semaphore_mem>>
        %dma_start3A_46 = arith.constant 0 : i32
        %dma_start3A_47 = tpu.memref_slice %arg3[%multiple_of3A, %dma_start3A_46] : memref<2560x128xi32, #tpu.memory_space<hbm>> -> memref<8x128xi32, #tpu.memory_space<hbm>>
        %dma_start3A_48 = arith.constant 0 : i32
        %dma_start3A_49 = tpu.memref_slice %arg3[%multiple_of3A, %dma_start3A_48] : memref<2560x128xi32, #tpu.memory_space<hbm>> -> memref<8x128xi32, #tpu.memory_space<hbm>>
        tpu.enqueue_dma source(%dma_start3A_49 : memref<8x128xi32, #tpu.memory_space<hbm>>) target(%arg7 : memref<8x128xi32, #tpu.memory_space<vmem>>) target_semaphore(%run_scoped3A : memref<!tpu.dma_semaphore, #tpu.memory_space<semaphore_mem>>)
        %dma_wait3A = arith.constant 0 : i32
        %dma_wait3A_50 = tpu.memref_slice %arg3[%multiple_of3A, %dma_wait3A] : memref<2560x128xi32, #tpu.memory_space<hbm>> -> memref<8x128xi32, #tpu.memory_space<hbm>>
        %dma_wait3A_51 = arith.constant 0 : i32
        %dma_wait3A_52 = tpu.memref_slice %arg3[%multiple_of3A, %dma_wait3A_51] : memref<2560x128xi32, #tpu.memory_space<hbm>> -> memref<8x128xi32, #tpu.memory_space<hbm>>
        tpu.wait_dma2 semaphore(%run_scoped3A : memref<!tpu.dma_semaphore, #tpu.memory_space<semaphore_mem>>) src(%dma_wait3A_52 : memref<8x128xi32, #tpu.memory_space<hbm>>) dst(%arg7 : memref<8x128xi32, #tpu.memory_space<vmem>>)
        tpu.yield
      }) : () -> ()
      "tpu.region"() ({
        %run_scoped3A = tpu.sem_alloc : memref<!tpu.dma_semaphore, #tpu.memory_space<semaphore_mem>>
        %dma_start3A_46 = arith.constant 0 : i32
        %dma_start3A_47 = tpu.memref_slice %arg4[%multiple_of3A, %dma_start3A_46] : memref<2560x128xi32, #tpu.memory_space<hbm>> -> memref<8x128xi32, #tpu.memory_space<hbm>>
        %dma_start3A_48 = arith.constant 0 : i32
        %dma_start3A_49 = tpu.memref_slice %arg4[%multiple_of3A, %dma_start3A_48] : memref<2560x128xi32, #tpu.memory_space<hbm>> -> memref<8x128xi32, #tpu.memory_space<hbm>>
        tpu.enqueue_dma source(%dma_start3A_49 : memref<8x128xi32, #tpu.memory_space<hbm>>) target(%arg8 : memref<8x128xi32, #tpu.memory_space<vmem>>) target_semaphore(%run_scoped3A : memref<!tpu.dma_semaphore, #tpu.memory_space<semaphore_mem>>)
        %dma_wait3A = arith.constant 0 : i32
        %dma_wait3A_50 = tpu.memref_slice %arg4[%multiple_of3A, %dma_wait3A] : memref<2560x128xi32, #tpu.memory_space<hbm>> -> memref<8x128xi32, #tpu.memory_space<hbm>>
        %dma_wait3A_51 = arith.constant 0 : i32
        %dma_wait3A_52 = tpu.memref_slice %arg4[%multiple_of3A, %dma_wait3A_51] : memref<2560x128xi32, #tpu.memory_space<hbm>> -> memref<8x128xi32, #tpu.memory_space<hbm>>
        tpu.wait_dma2 semaphore(%run_scoped3A : memref<!tpu.dma_semaphore, #tpu.memory_space<semaphore_mem>>) src(%dma_wait3A_52 : memref<8x128xi32, #tpu.memory_space<hbm>>) dst(%arg8 : memref<8x128xi32, #tpu.memory_space<vmem>>)
        tpu.yield
      }) : () -> ()
      %dma_start3A = arith.constant 0 : i32
      %dma_start3A_30 = arith.constant 0 : i32
      %dma_start3A_31 = arith.constant 0 : i32
      %dma_start3A_32 = arith.constant 0 : i32
      %dma_start3A_33 = tpu.memref_slice %arg9[%dma_start3A_30, %dma_start3A_31, %dma_start3A_32] : memref<2x128x128xf32, #tpu.memory_space<vmem>> -> memref<1x128x128xf32, #tpu.memory_space<vmem>>
      %dma_start3A_34 = tpu.memref_squeeze %dma_start3A_33 : memref<1x128x128xf32, #tpu.memory_space<vmem>> -> memref<128x128xf32, #tpu.memory_space<vmem>>
      %dma_start3A_35 = arith.constant 0 : i32
      %dma_start3A_36 = tpu.memref_slice %arg7[%dma_start3A, %dma_start3A_35] : memref<8x128xi32, #tpu.memory_space<vmem>> -> memref<1x128xi32, #tpu.memory_space<vmem>>
      %dma_start3A_37 = tpu.memref_squeeze %dma_start3A_36 : memref<1x128xi32, #tpu.memory_space<vmem>> -> memref<128xi32, #tpu.memory_space<vmem>>
      %dma_start3A_38 = arith.constant 0 : i32
      %dma_start3A_39 = arith.constant 0 : i32
      %dma_start3A_40 = tpu.memref_slice %arg2[%dma_start3A_38, %dma_start3A_39] : memref<10000x128xf32, #tpu.memory_space<hbm>> -> memref<10000x128xf32, #tpu.memory_space<hbm>>
      tpu.enqueue_indirect_dma source(%dma_start3A_40 : memref<10000x128xf32, #tpu.memory_space<hbm>>) target(%dma_start3A_34 : memref<128x128xf32, #tpu.memory_space<vmem>>) offsets(%dma_start3A_37 : memref<128xi32, #tpu.memory_space<vmem>>) semaphore(%arg11 : memref<!tpu.dma_semaphore, #tpu.memory_space<semaphore_mem>>)
      %scan3A = arith.constant 0 : i32
      %scan3A_41 = arith.constant 0 : i32
      %scan3A_42 = arith.constant 4 : i32
      %scan3A_43 = arith.addi %scan3A_41, %scan3A_42 : i32
      %scan3A_44 = arith.constant 1 : i32
      scf.for %scan3A_46 = %scan3A_41 to %scan3A_43 step %scan3A_44  : i32 {
        %mul3A_47 = arith.constant 2 : i32
        %mul3A_48 = arith.muli %mul3A_47, %scan3A_46 : i32
        %add3A_49 = arith.constant 1 : i32
        %add3A_50 = arith.addi %mul3A_48, %add3A_49 : i32
        %dma_start3A_51 = arith.constant 1 : i32
        %dma_start3A_52 = arith.constant 0 : i32
        %dma_start3A_53 = arith.constant 0 : i32
        %dma_start3A_54 = tpu.memref_slice %arg9[%dma_start3A_51, %dma_start3A_52, %dma_start3A_53] : memref<2x128x128xf32, #tpu.memory_space<vmem>> -> memref<1x128x128xf32, #tpu.memory_space<vmem>>
        %dma_start3A_55 = tpu.memref_squeeze %dma_start3A_54 : memref<1x128x128xf32, #tpu.memory_space<vmem>> -> memref<128x128xf32, #tpu.memory_space<vmem>>
        %dma_start3A_56 = arith.constant 0 : i32
        %dma_start3A_57 = tpu.memref_slice %arg7[%add3A_50, %dma_start3A_56] : memref<8x128xi32, #tpu.memory_space<vmem>> -> memref<1x128xi32, #tpu.memory_space<vmem>>
        %dma_start3A_58 = tpu.memref_squeeze %dma_start3A_57 : memref<1x128xi32, #tpu.memory_space<vmem>> -> memref<128xi32, #tpu.memory_space<vmem>>
        %dma_start3A_59 = arith.constant 0 : i32
        %dma_start3A_60 = arith.constant 0 : i32
        %dma_start3A_61 = tpu.memref_slice %arg2[%dma_start3A_59, %dma_start3A_60] : memref<10000x128xf32, #tpu.memory_space<hbm>> -> memref<10000x128xf32, #tpu.memory_space<hbm>>
        tpu.enqueue_indirect_dma source(%dma_start3A_61 : memref<10000x128xf32, #tpu.memory_space<hbm>>) target(%dma_start3A_55 : memref<128x128xf32, #tpu.memory_space<vmem>>) offsets(%dma_start3A_58 : memref<128xi32, #tpu.memory_space<vmem>>) semaphore(%arg12 : memref<!tpu.dma_semaphore, #tpu.memory_space<semaphore_mem>>)
        %dma_wait3A = arith.constant 0 : i32
        %dma_wait3A_62 = arith.constant 0 : i32
        %dma_wait3A_63 = arith.constant 0 : i32
        %dma_wait3A_64 = tpu.memref_slice %arg9[%dma_wait3A, %dma_wait3A_62, %dma_wait3A_63] : memref<2x128x128xf32, #tpu.memory_space<vmem>> -> memref<1x128x128xf32, #tpu.memory_space<vmem>>
        %dma_wait3A_65 = tpu.memref_squeeze %dma_wait3A_64 : memref<1x128x128xf32, #tpu.memory_space<vmem>> -> memref<128x128xf32, #tpu.memory_space<vmem>>
        %dma_wait3A_66 = arith.constant 0 : i32
        %dma_wait3A_67 = tpu.memref_slice %arg7[%mul3A_48, %dma_wait3A_66] : memref<8x128xi32, #tpu.memory_space<vmem>> -> memref<1x128xi32, #tpu.memory_space<vmem>>
        %dma_wait3A_68 = tpu.memref_squeeze %dma_wait3A_67 : memref<1x128xi32, #tpu.memory_space<vmem>> -> memref<128xi32, #tpu.memory_space<vmem>>
        %dma_wait3A_69 = arith.constant 0 : i32
        %dma_wait3A_70 = arith.constant 0 : i32
        %dma_wait3A_71 = tpu.memref_slice %arg2[%dma_wait3A_69, %dma_wait3A_70] : memref<10000x128xf32, #tpu.memory_space<hbm>> -> memref<10000x128xf32, #tpu.memory_space<hbm>>
        tpu.wait_indirect_dma semaphore(%arg11 : memref<!tpu.dma_semaphore, #tpu.memory_space<semaphore_mem>>) src(%dma_wait3A_71 : memref<10000x128xf32, #tpu.memory_space<hbm>>) dst(%dma_wait3A_65 : memref<128x128xf32, #tpu.memory_space<vmem>>)
        %run_scoped3A = arith.constant 0 : i32
        "tpu.region"() ({
          %run_scoped3A_90 = tpu.sem_alloc : memref<!tpu.dma_semaphore, #tpu.memory_space<semaphore_mem>>
          %dma_start3A_91 = arith.constant 0 : i32
          %dma_start3A_92 = arith.constant 0 : i32
          %dma_start3A_93 = tpu.memref_slice %arg9[%run_scoped3A, %dma_start3A_91, %dma_start3A_92] : memref<2x128x128xf32, #tpu.memory_space<vmem>> -> memref<1x128x128xf32, #tpu.memory_space<vmem>>
          %dma_start3A_94 = tpu.memref_squeeze %dma_start3A_93 : memref<1x128x128xf32, #tpu.memory_space<vmem>> -> memref<128x128xf32, #tpu.memory_space<vmem>>
          %dma_start3A_95 = arith.constant 0 : i32
          %dma_start3A_96 = tpu.memref_slice %arg8[%mul3A_48, %dma_start3A_95] : memref<8x128xi32, #tpu.memory_space<vmem>> -> memref<1x128xi32, #tpu.memory_space<vmem>>
          %dma_start3A_97 = tpu.memref_squeeze %dma_start3A_96 : memref<1x128xi32, #tpu.memory_space<vmem>> -> memref<128xi32, #tpu.memory_space<vmem>>
          %dma_start3A_98 = arith.constant 0 : i32
          %dma_start3A_99 = arith.constant 0 : i32
          %dma_start3A_100 = tpu.memref_slice %arg10[%dma_start3A_98, %dma_start3A_99] : memref<10112x128xf32, #tpu.memory_space<vmem_shared>> -> memref<10112x128xf32, #tpu.memory_space<vmem_shared>>
          tpu.enqueue_indirect_dma source(%dma_start3A_94 : memref<128x128xf32, #tpu.memory_space<vmem>>) target(%dma_start3A_100 : memref<10112x128xf32, #tpu.memory_space<vmem_shared>>) offsets(%dma_start3A_97 : memref<128xi32, #tpu.memory_space<vmem>>) semaphore(%run_scoped3A_90 : memref<!tpu.dma_semaphore, #tpu.memory_space<semaphore_mem>>) {add = true}
          %dma_wait3A_101 = arith.constant 0 : i32
          %dma_wait3A_102 = arith.constant 0 : i32
          %dma_wait3A_103 = tpu.memref_slice %arg9[%run_scoped3A, %dma_wait3A_101, %dma_wait3A_102] : memref<2x128x128xf32, #tpu.memory_space<vmem>> -> memref<1x128x128xf32, #tpu.memory_space<vmem>>
          %dma_wait3A_104 = tpu.memref_squeeze %dma_wait3A_103 : memref<1x128x128xf32, #tpu.memory_space<vmem>> -> memref<128x128xf32, #tpu.memory_space<vmem>>
          %dma_wait3A_105 = arith.constant 0 : i32
          %dma_wait3A_106 = tpu.memref_slice %arg8[%mul3A_48, %dma_wait3A_105] : memref<8x128xi32, #tpu.memory_space<vmem>> -> memref<1x128xi32, #tpu.memory_space<vmem>>
          %dma_wait3A_107 = tpu.memref_squeeze %dma_wait3A_106 : memref<1x128xi32, #tpu.memory_space<vmem>> -> memref<128xi32, #tpu.memory_space<vmem>>
          %dma_wait3A_108 = arith.constant 0 : i32
          %dma_wait3A_109 = arith.constant 0 : i32
          %dma_wait3A_110 = tpu.memref_slice %arg10[%dma_wait3A_108, %dma_wait3A_109] : memref<10112x128xf32, #tpu.memory_space<vmem_shared>> -> memref<10112x128xf32, #tpu.memory_space<vmem_shared>>
          tpu.wait_indirect_dma semaphore(%run_scoped3A_90 : memref<!tpu.dma_semaphore, #tpu.memory_space<semaphore_mem>>) src(%dma_wait3A_104 : memref<128x128xf32, #tpu.memory_space<vmem>>) dst(%dma_wait3A_110 : memref<10112x128xf32, #tpu.memory_space<vmem_shared>>)
          tpu.yield
        }) : () -> ()
        %add3A_72 = arith.constant 2 : i32
        %add3A_73 = arith.addi %mul3A_48, %add3A_72 : i32
        %lt3A = arith.constant 8 : i32
        %lt3A_74 = arith.cmpi slt, %add3A_73, %lt3A : i32
        %convert_element_type3A = arith.extui %lt3A_74 : i1 to i32
        %cond3A = arith.constant 0 : i32
        %cond3A_75 = arith.cmpi ne, %convert_element_type3A, %cond3A : i32
        scf.if %cond3A_75 {
          %add3A_90 = arith.constant 2 : i32
          %add3A_91 = arith.addi %mul3A_48, %add3A_90 : i32
          %dma_start3A_92 = arith.constant 0 : i32
          %dma_start3A_93 = arith.constant 0 : i32
          %dma_start3A_94 = arith.constant 0 : i32
          %dma_start3A_95 = tpu.memref_slice %arg9[%dma_start3A_92, %dma_start3A_93, %dma_start3A_94] : memref<2x128x128xf32, #tpu.memory_space<vmem>> -> memref<1x128x128xf32, #tpu.memory_space<vmem>>
          %dma_start3A_96 = tpu.memref_squeeze %dma_start3A_95 : memref<1x128x128xf32, #tpu.memory_space<vmem>> -> memref<128x128xf32, #tpu.memory_space<vmem>>
          %dma_start3A_97 = arith.constant 0 : i32
          %dma_start3A_98 = tpu.memref_slice %arg7[%add3A_91, %dma_start3A_97] : memref<8x128xi32, #tpu.memory_space<vmem>> -> memref<1x128xi32, #tpu.memory_space<vmem>>
          %dma_start3A_99 = tpu.memref_squeeze %dma_start3A_98 : memref<1x128xi32, #tpu.memory_space<vmem>> -> memref<128xi32, #tpu.memory_space<vmem>>
          %dma_start3A_100 = arith.constant 0 : i32
          %dma_start3A_101 = arith.constant 0 : i32
          %dma_start3A_102 = tpu.memref_slice %arg2[%dma_start3A_100, %dma_start3A_101] : memref<10000x128xf32, #tpu.memory_space<hbm>> -> memref<10000x128xf32, #tpu.memory_space<hbm>>
          tpu.enqueue_indirect_dma source(%dma_start3A_102 : memref<10000x128xf32, #tpu.memory_space<hbm>>) target(%dma_start3A_96 : memref<128x128xf32, #tpu.memory_space<vmem>>) offsets(%dma_start3A_99 : memref<128xi32, #tpu.memory_space<vmem>>) semaphore(%arg11 : memref<!tpu.dma_semaphore, #tpu.memory_space<semaphore_mem>>)
        } else {
        }
        %add3A_76 = arith.constant 1 : i32
        %add3A_77 = arith.addi %mul3A_48, %add3A_76 : i32
        %dma_wait3A_78 = arith.constant 1 : i32
        %dma_wait3A_79 = arith.constant 0 : i32
        %dma_wait3A_80 = arith.constant 0 : i32
        %dma_wait3A_81 = tpu.memref_slice %arg9[%dma_wait3A_78, %dma_wait3A_79, %dma_wait3A_80] : memref<2x128x128xf32, #tpu.memory_space<vmem>> -> memref<1x128x128xf32, #tpu.memory_space<vmem>>
        %dma_wait3A_82 = tpu.memref_squeeze %dma_wait3A_81 : memref<1x128x128xf32, #tpu.memory_space<vmem>> -> memref<128x128xf32, #tpu.memory_space<vmem>>
        %dma_wait3A_83 = arith.constant 0 : i32
        %dma_wait3A_84 = tpu.memref_slice %arg7[%add3A_77, %dma_wait3A_83] : memref<8x128xi32, #tpu.memory_space<vmem>> -> memref<1x128xi32, #tpu.memory_space<vmem>>
        %dma_wait3A_85 = tpu.memref_squeeze %dma_wait3A_84 : memref<1x128xi32, #tpu.memory_space<vmem>> -> memref<128xi32, #tpu.memory_space<vmem>>
        %dma_wait3A_86 = arith.constant 0 : i32
        %dma_wait3A_87 = arith.constant 0 : i32
        %dma_wait3A_88 = tpu.memref_slice %arg2[%dma_wait3A_86, %dma_wait3A_87] : memref<10000x128xf32, #tpu.memory_space<hbm>> -> memref<10000x128xf32, #tpu.memory_space<hbm>>
        tpu.wait_indirect_dma semaphore(%arg12 : memref<!tpu.dma_semaphore, #tpu.memory_space<semaphore_mem>>) src(%dma_wait3A_88 : memref<10000x128xf32, #tpu.memory_space<hbm>>) dst(%dma_wait3A_82 : memref<128x128xf32, #tpu.memory_space<vmem>>)
        %run_scoped3A_89 = arith.constant 1 : i32
        "tpu.region"() ({
          %run_scoped3A_90 = tpu.sem_alloc : memref<!tpu.dma_semaphore, #tpu.memory_space<semaphore_mem>>
          %dma_start3A_91 = arith.constant 0 : i32
          %dma_start3A_92 = arith.constant 0 : i32
          %dma_start3A_93 = tpu.memref_slice %arg9[%run_scoped3A_89, %dma_start3A_91, %dma_start3A_92] : memref<2x128x128xf32, #tpu.memory_space<vmem>> -> memref<1x128x128xf32, #tpu.memory_space<vmem>>
          %dma_start3A_94 = tpu.memref_squeeze %dma_start3A_93 : memref<1x128x128xf32, #tpu.memory_space<vmem>> -> memref<128x128xf32, #tpu.memory_space<vmem>>
          %dma_start3A_95 = arith.constant 0 : i32
          %dma_start3A_96 = tpu.memref_slice %arg8[%add3A_77, %dma_start3A_95] : memref<8x128xi32, #tpu.memory_space<vmem>> -> memref<1x128xi32, #tpu.memory_space<vmem>>
          %dma_start3A_97 = tpu.memref_squeeze %dma_start3A_96 : memref<1x128xi32, #tpu.memory_space<vmem>> -> memref<128xi32, #tpu.memory_space<vmem>>
          %dma_start3A_98 = arith.constant 0 : i32
          %dma_start3A_99 = arith.constant 0 : i32
          %dma_start3A_100 = tpu.memref_slice %arg10[%dma_start3A_98, %dma_start3A_99] : memref<10112x128xf32, #tpu.memory_space<vmem_shared>> -> memref<10112x128xf32, #tpu.memory_space<vmem_shared>>
          tpu.enqueue_indirect_dma source(%dma_start3A_94 : memref<128x128xf32, #tpu.memory_space<vmem>>) target(%dma_start3A_100 : memref<10112x128xf32, #tpu.memory_space<vmem_shared>>) offsets(%dma_start3A_97 : memref<128xi32, #tpu.memory_space<vmem>>) semaphore(%run_scoped3A_90 : memref<!tpu.dma_semaphore, #tpu.memory_space<semaphore_mem>>) {add = true}
          %dma_wait3A_101 = arith.constant 0 : i32
          %dma_wait3A_102 = arith.constant 0 : i32
          %dma_wait3A_103 = tpu.memref_slice %arg9[%run_scoped3A_89, %dma_wait3A_101, %dma_wait3A_102] : memref<2x128x128xf32, #tpu.memory_space<vmem>> -> memref<1x128x128xf32, #tpu.memory_space<vmem>>
          %dma_wait3A_104 = tpu.memref_squeeze %dma_wait3A_103 : memref<1x128x128xf32, #tpu.memory_space<vmem>> -> memref<128x128xf32, #tpu.memory_space<vmem>>
          %dma_wait3A_105 = arith.constant 0 : i32
          %dma_wait3A_106 = tpu.memref_slice %arg8[%add3A_77, %dma_wait3A_105] : memref<8x128xi32, #tpu.memory_space<vmem>> -> memref<1x128xi32, #tpu.memory_space<vmem>>
          %dma_wait3A_107 = tpu.memref_squeeze %dma_wait3A_106 : memref<1x128xi32, #tpu.memory_space<vmem>> -> memref<128xi32, #tpu.memory_space<vmem>>
          %dma_wait3A_108 = arith.constant 0 : i32
          %dma_wait3A_109 = arith.constant 0 : i32
          %dma_wait3A_110 = tpu.memref_slice %arg10[%dma_wait3A_108, %dma_wait3A_109] : memref<10112x128xf32, #tpu.memory_space<vmem_shared>> -> memref<10112x128xf32, #tpu.memory_space<vmem_shared>>
          tpu.wait_indirect_dma semaphore(%run_scoped3A_90 : memref<!tpu.dma_semaphore, #tpu.memory_space<semaphore_mem>>) src(%dma_wait3A_104 : memref<128x128xf32, #tpu.memory_space<vmem>>) dst(%dma_wait3A_110 : memref<10112x128xf32, #tpu.memory_space<vmem_shared>>)
          tpu.yield
        }) : () -> ()
      }
      %scan3A_45 = arith.constant 4 : i32
    }
    %while3A_20 = arith.constant 1 : i32
    scf.for %while3A_26 = %while3A_18 to %while3A_14 step %while3A_20  : i32 {
      %mul3A_27 = arith.constant 8 : i32
      %mul3A_28 = arith.muli %while3A_26, %mul3A_27 : i32
      %add3A_29 = arith.addi %add3A_7, %mul3A_28 : i32
      %multiple_of3A = tpu.assume_multiple %add3A_29, 8 : i32
      "tpu.region"() ({
        %run_scoped3A = tpu.sem_alloc : memref<!tpu.dma_semaphore, #tpu.memory_space<semaphore_mem>>
        %dma_start3A_46 = arith.constant 0 : i32
        %dma_start3A_47 = tpu.memref_slice %arg3[%multiple_of3A, %dma_start3A_46] : memref<2560x128xi32, #tpu.memory_space<hbm>> -> memref<8x128xi32, #tpu.memory_space<hbm>>
        %dma_start3A_48 = arith.constant 0 : i32
        %dma_start3A_49 = tpu.memref_slice %arg3[%multiple_of3A, %dma_start3A_48] : memref<2560x128xi32, #tpu.memory_space<hbm>> -> memref<8x128xi32, #tpu.memory_space<hbm>>
        tpu.enqueue_dma source(%dma_start3A_49 : memref<8x128xi32, #tpu.memory_space<hbm>>) target(%arg7 : memref<8x128xi32, #tpu.memory_space<vmem>>) target_semaphore(%run_scoped3A : memref<!tpu.dma_semaphore, #tpu.memory_space<semaphore_mem>>)
        %dma_wait3A = arith.constant 0 : i32
        %dma_wait3A_50 = tpu.memref_slice %arg3[%multiple_of3A, %dma_wait3A] : memref<2560x128xi32, #tpu.memory_space<hbm>> -> memref<8x128xi32, #tpu.memory_space<hbm>>
        %dma_wait3A_51 = arith.constant 0 : i32
        %dma_wait3A_52 = tpu.memref_slice %arg3[%multiple_of3A, %dma_wait3A_51] : memref<2560x128xi32, #tpu.memory_space<hbm>> -> memref<8x128xi32, #tpu.memory_space<hbm>>
        tpu.wait_dma2 semaphore(%run_scoped3A : memref<!tpu.dma_semaphore, #tpu.memory_space<semaphore_mem>>) src(%dma_wait3A_52 : memref<8x128xi32, #tpu.memory_space<hbm>>) dst(%arg7 : memref<8x128xi32, #tpu.memory_space<vmem>>)
        tpu.yield
      }) : () -> ()
      "tpu.region"() ({
        %run_scoped3A = tpu.sem_alloc : memref<!tpu.dma_semaphore, #tpu.memory_space<semaphore_mem>>
        %dma_start3A_46 = arith.constant 0 : i32
        %dma_start3A_47 = tpu.memref_slice %arg4[%multiple_of3A, %dma_start3A_46] : memref<2560x128xi32, #tpu.memory_space<hbm>> -> memref<8x128xi32, #tpu.memory_space<hbm>>
        %dma_start3A_48 = arith.constant 0 : i32
        %dma_start3A_49 = tpu.memref_slice %arg4[%multiple_of3A, %dma_start3A_48] : memref<2560x128xi32, #tpu.memory_space<hbm>> -> memref<8x128xi32, #tpu.memory_space<hbm>>
        tpu.enqueue_dma source(%dma_start3A_49 : memref<8x128xi32, #tpu.memory_space<hbm>>) target(%arg8 : memref<8x128xi32, #tpu.memory_space<vmem>>) target_semaphore(%run_scoped3A : memref<!tpu.dma_semaphore, #tpu.memory_space<semaphore_mem>>)
        %dma_wait3A = arith.constant 0 : i32
        %dma_wait3A_50 = tpu.memref_slice %arg4[%multiple_of3A, %dma_wait3A] : memref<2560x128xi32, #tpu.memory_space<hbm>> -> memref<8x128xi32, #tpu.memory_space<hbm>>
        %dma_wait3A_51 = arith.constant 0 : i32
        %dma_wait3A_52 = tpu.memref_slice %arg4[%multiple_of3A, %dma_wait3A_51] : memref<2560x128xi32, #tpu.memory_space<hbm>> -> memref<8x128xi32, #tpu.memory_space<hbm>>
        tpu.wait_dma2 semaphore(%run_scoped3A : memref<!tpu.dma_semaphore, #tpu.memory_space<semaphore_mem>>) src(%dma_wait3A_52 : memref<8x128xi32, #tpu.memory_space<hbm>>) dst(%arg8 : memref<8x128xi32, #tpu.memory_space<vmem>>)
        tpu.yield
      }) : () -> ()
      %dma_start3A = arith.constant 0 : i32
      %dma_start3A_30 = arith.constant 0 : i32
      %dma_start3A_31 = arith.constant 0 : i32
      %dma_start3A_32 = arith.constant 0 : i32
      %dma_start3A_33 = tpu.memref_slice %arg9[%dma_start3A_30, %dma_start3A_31, %dma_start3A_32] : memref<2x128x128xf32, #tpu.memory_space<vmem>> -> memref<1x128x128xf32, #tpu.memory_space<vmem>>
      %dma_start3A_34 = tpu.memref_squeeze %dma_start3A_33 : memref<1x128x128xf32, #tpu.memory_space<vmem>> -> memref<128x128xf32, #tpu.memory_space<vmem>>
      %dma_start3A_35 = arith.constant 0 : i32
      %dma_start3A_36 = tpu.memref_slice %arg7[%dma_start3A, %dma_start3A_35] : memref<8x128xi32, #tpu.memory_space<vmem>> -> memref<1x128xi32, #tpu.memory_space<vmem>>
      %dma_start3A_37 = tpu.memref_squeeze %dma_start3A_36 : memref<1x128xi32, #tpu.memory_space<vmem>> -> memref<128xi32, #tpu.memory_space<vmem>>
      %dma_start3A_38 = arith.constant 0 : i32
      %dma_start3A_39 = arith.constant 0 : i32
      %dma_start3A_40 = tpu.memref_slice %arg2[%dma_start3A_38, %dma_start3A_39] : memref<10000x128xf32, #tpu.memory_space<hbm>> -> memref<10000x128xf32, #tpu.memory_space<hbm>>
      tpu.enqueue_indirect_dma source(%dma_start3A_40 : memref<10000x128xf32, #tpu.memory_space<hbm>>) target(%dma_start3A_34 : memref<128x128xf32, #tpu.memory_space<vmem>>) offsets(%dma_start3A_37 : memref<128xi32, #tpu.memory_space<vmem>>) semaphore(%arg11 : memref<!tpu.dma_semaphore, #tpu.memory_space<semaphore_mem>>)
      %scan3A = arith.constant 0 : i32
      %scan3A_41 = arith.constant 0 : i32
      %scan3A_42 = arith.constant 4 : i32
      %scan3A_43 = arith.addi %scan3A_41, %scan3A_42 : i32
      %scan3A_44 = arith.constant 1 : i32
      scf.for %scan3A_46 = %scan3A_41 to %scan3A_43 step %scan3A_44  : i32 {
        %mul3A_47 = arith.constant 2 : i32
        %mul3A_48 = arith.muli %mul3A_47, %scan3A_46 : i32
        %add3A_49 = arith.constant 1 : i32
        %add3A_50 = arith.addi %mul3A_48, %add3A_49 : i32
        %dma_start3A_51 = arith.constant 1 : i32
        %dma_start3A_52 = arith.constant 0 : i32
        %dma_start3A_53 = arith.constant 0 : i32
        %dma_start3A_54 = tpu.memref_slice %arg9[%dma_start3A_51, %dma_start3A_52, %dma_start3A_53] : memref<2x128x128xf32, #tpu.memory_space<vmem>> -> memref<1x128x128xf32, #tpu.memory_space<vmem>>
        %dma_start3A_55 = tpu.memref_squeeze %dma_start3A_54 : memref<1x128x128xf32, #tpu.memory_space<vmem>> -> memref<128x128xf32, #tpu.memory_space<vmem>>
        %dma_start3A_56 = arith.constant 0 : i32
        %dma_start3A_57 = tpu.memref_slice %arg7[%add3A_50, %dma_start3A_56] : memref<8x128xi32, #tpu.memory_space<vmem>> -> memref<1x128xi32, #tpu.memory_space<vmem>>
        %dma_start3A_58 = tpu.memref_squeeze %dma_start3A_57 : memref<1x128xi32, #tpu.memory_space<vmem>> -> memref<128xi32, #tpu.memory_space<vmem>>
        %dma_start3A_59 = arith.constant 0 : i32
        %dma_start3A_60 = arith.constant 0 : i32
        %dma_start3A_61 = tpu.memref_slice %arg2[%dma_start3A_59, %dma_start3A_60] : memref<10000x128xf32, #tpu.memory_space<hbm>> -> memref<10000x128xf32, #tpu.memory_space<hbm>>
        tpu.enqueue_indirect_dma source(%dma_start3A_61 : memref<10000x128xf32, #tpu.memory_space<hbm>>) target(%dma_start3A_55 : memref<128x128xf32, #tpu.memory_space<vmem>>) offsets(%dma_start3A_58 : memref<128xi32, #tpu.memory_space<vmem>>) semaphore(%arg12 : memref<!tpu.dma_semaphore, #tpu.memory_space<semaphore_mem>>)
        %dma_wait3A = arith.constant 0 : i32
        %dma_wait3A_62 = arith.constant 0 : i32
        %dma_wait3A_63 = arith.constant 0 : i32
        %dma_wait3A_64 = tpu.memref_slice %arg9[%dma_wait3A, %dma_wait3A_62, %dma_wait3A_63] : memref<2x128x128xf32, #tpu.memory_space<vmem>> -> memref<1x128x128xf32, #tpu.memory_space<vmem>>
        %dma_wait3A_65 = tpu.memref_squeeze %dma_wait3A_64 : memref<1x128x128xf32, #tpu.memory_space<vmem>> -> memref<128x128xf32, #tpu.memory_space<vmem>>
        %dma_wait3A_66 = arith.constant 0 : i32
        %dma_wait3A_67 = tpu.memref_slice %arg7[%mul3A_48, %dma_wait3A_66] : memref<8x128xi32, #tpu.memory_space<vmem>> -> memref<1x128xi32, #tpu.memory_space<vmem>>
        %dma_wait3A_68 = tpu.memref_squeeze %dma_wait3A_67 : memref<1x128xi32, #tpu.memory_space<vmem>> -> memref<128xi32, #tpu.memory_space<vmem>>
        %dma_wait3A_69 = arith.constant 0 : i32
        %dma_wait3A_70 = arith.constant 0 : i32
        %dma_wait3A_71 = tpu.memref_slice %arg2[%dma_wait3A_69, %dma_wait3A_70] : memref<10000x128xf32, #tpu.memory_space<hbm>> -> memref<10000x128xf32, #tpu.memory_space<hbm>>
        tpu.wait_indirect_dma semaphore(%arg11 : memref<!tpu.dma_semaphore, #tpu.memory_space<semaphore_mem>>) src(%dma_wait3A_71 : memref<10000x128xf32, #tpu.memory_space<hbm>>) dst(%dma_wait3A_65 : memref<128x128xf32, #tpu.memory_space<vmem>>)
        %run_scoped3A = arith.constant 0 : i32
        "tpu.region"() ({
          %run_scoped3A_90 = tpu.sem_alloc : memref<!tpu.dma_semaphore, #tpu.memory_space<semaphore_mem>>
          %dma_start3A_91 = arith.constant 0 : i32
          %dma_start3A_92 = arith.constant 0 : i32
          %dma_start3A_93 = tpu.memref_slice %arg9[%run_scoped3A, %dma_start3A_91, %dma_start3A_92] : memref<2x128x128xf32, #tpu.memory_space<vmem>> -> memref<1x128x128xf32, #tpu.memory_space<vmem>>
          %dma_start3A_94 = tpu.memref_squeeze %dma_start3A_93 : memref<1x128x128xf32, #tpu.memory_space<vmem>> -> memref<128x128xf32, #tpu.memory_space<vmem>>
          %dma_start3A_95 = arith.constant 0 : i32
          %dma_start3A_96 = tpu.memref_slice %arg8[%mul3A_48, %dma_start3A_95] : memref<8x128xi32, #tpu.memory_space<vmem>> -> memref<1x128xi32, #tpu.memory_space<vmem>>
          %dma_start3A_97 = tpu.memref_squeeze %dma_start3A_96 : memref<1x128xi32, #tpu.memory_space<vmem>> -> memref<128xi32, #tpu.memory_space<vmem>>
          %dma_start3A_98 = arith.constant 0 : i32
          %dma_start3A_99 = arith.constant 0 : i32
          %dma_start3A_100 = tpu.memref_slice %arg10[%dma_start3A_98, %dma_start3A_99] : memref<10112x128xf32, #tpu.memory_space<vmem_shared>> -> memref<10112x128xf32, #tpu.memory_space<vmem_shared>>
          tpu.enqueue_indirect_dma source(%dma_start3A_94 : memref<128x128xf32, #tpu.memory_space<vmem>>) target(%dma_start3A_100 : memref<10112x128xf32, #tpu.memory_space<vmem_shared>>) offsets(%dma_start3A_97 : memref<128xi32, #tpu.memory_space<vmem>>) semaphore(%run_scoped3A_90 : memref<!tpu.dma_semaphore, #tpu.memory_space<semaphore_mem>>) {add = true}
          %dma_wait3A_101 = arith.constant 0 : i32
          %dma_wait3A_102 = arith.constant 0 : i32
          %dma_wait3A_103 = tpu.memref_slice %arg9[%run_scoped3A, %dma_wait3A_101, %dma_wait3A_102] : memref<2x128x128xf32, #tpu.memory_space<vmem>> -> memref<1x128x128xf32, #tpu.memory_space<vmem>>
          %dma_wait3A_104 = tpu.memref_squeeze %dma_wait3A_103 : memref<1x128x128xf32, #tpu.memory_space<vmem>> -> memref<128x128xf32, #tpu.memory_space<vmem>>
          %dma_wait3A_105 = arith.constant 0 : i32
          %dma_wait3A_106 = tpu.memref_slice %arg8[%mul3A_48, %dma_wait3A_105] : memref<8x128xi32, #tpu.memory_space<vmem>> -> memref<1x128xi32, #tpu.memory_space<vmem>>
          %dma_wait3A_107 = tpu.memref_squeeze %dma_wait3A_106 : memref<1x128xi32, #tpu.memory_space<vmem>> -> memref<128xi32, #tpu.memory_space<vmem>>
          %dma_wait3A_108 = arith.constant 0 : i32
          %dma_wait3A_109 = arith.constant 0 : i32
          %dma_wait3A_110 = tpu.memref_slice %arg10[%dma_wait3A_108, %dma_wait3A_109] : memref<10112x128xf32, #tpu.memory_space<vmem_shared>> -> memref<10112x128xf32, #tpu.memory_space<vmem_shared>>
          tpu.wait_indirect_dma semaphore(%run_scoped3A_90 : memref<!tpu.dma_semaphore, #tpu.memory_space<semaphore_mem>>) src(%dma_wait3A_104 : memref<128x128xf32, #tpu.memory_space<vmem>>) dst(%dma_wait3A_110 : memref<10112x128xf32, #tpu.memory_space<vmem_shared>>)
          tpu.yield
        }) : () -> ()
        %add3A_72 = arith.constant 2 : i32
        %add3A_73 = arith.addi %mul3A_48, %add3A_72 : i32
        %lt3A = arith.constant 8 : i32
        %lt3A_74 = arith.cmpi slt, %add3A_73, %lt3A : i32
        %convert_element_type3A = arith.extui %lt3A_74 : i1 to i32
        %cond3A = arith.constant 0 : i32
        %cond3A_75 = arith.cmpi ne, %convert_element_type3A, %cond3A : i32
        scf.if %cond3A_75 {
          %add3A_90 = arith.constant 2 : i32
          %add3A_91 = arith.addi %mul3A_48, %add3A_90 : i32
          %dma_start3A_92 = arith.constant 0 : i32
          %dma_start3A_93 = arith.constant 0 : i32
          %dma_start3A_94 = arith.constant 0 : i32
          %dma_start3A_95 = tpu.memref_slice %arg9[%dma_start3A_92, %dma_start3A_93, %dma_start3A_94] : memref<2x128x128xf32, #tpu.memory_space<vmem>> -> memref<1x128x128xf32, #tpu.memory_space<vmem>>
          %dma_start3A_96 = tpu.memref_squeeze %dma_start3A_95 : memref<1x128x128xf32, #tpu.memory_space<vmem>> -> memref<128x128xf32, #tpu.memory_space<vmem>>
          %dma_start3A_97 = arith.constant 0 : i32
          %dma_start3A_98 = tpu.memref_slice %arg7[%add3A_91, %dma_start3A_97] : memref<8x128xi32, #tpu.memory_space<vmem>> -> memref<1x128xi32, #tpu.memory_space<vmem>>
          %dma_start3A_99 = tpu.memref_squeeze %dma_start3A_98 : memref<1x128xi32, #tpu.memory_space<vmem>> -> memref<128xi32, #tpu.memory_space<vmem>>
          %dma_start3A_100 = arith.constant 0 : i32
          %dma_start3A_101 = arith.constant 0 : i32
          %dma_start3A_102 = tpu.memref_slice %arg2[%dma_start3A_100, %dma_start3A_101] : memref<10000x128xf32, #tpu.memory_space<hbm>> -> memref<10000x128xf32, #tpu.memory_space<hbm>>
          tpu.enqueue_indirect_dma source(%dma_start3A_102 : memref<10000x128xf32, #tpu.memory_space<hbm>>) target(%dma_start3A_96 : memref<128x128xf32, #tpu.memory_space<vmem>>) offsets(%dma_start3A_99 : memref<128xi32, #tpu.memory_space<vmem>>) semaphore(%arg11 : memref<!tpu.dma_semaphore, #tpu.memory_space<semaphore_mem>>)
        } else {
        }
        %add3A_76 = arith.constant 1 : i32
        %add3A_77 = arith.addi %mul3A_48, %add3A_76 : i32
        %dma_wait3A_78 = arith.constant 1 : i32
        %dma_wait3A_79 = arith.constant 0 : i32
        %dma_wait3A_80 = arith.constant 0 : i32
        %dma_wait3A_81 = tpu.memref_slice %arg9[%dma_wait3A_78, %dma_wait3A_79, %dma_wait3A_80] : memref<2x128x128xf32, #tpu.memory_space<vmem>> -> memref<1x128x128xf32, #tpu.memory_space<vmem>>
        %dma_wait3A_82 = tpu.memref_squeeze %dma_wait3A_81 : memref<1x128x128xf32, #tpu.memory_space<vmem>> -> memref<128x128xf32, #tpu.memory_space<vmem>>
        %dma_wait3A_83 = arith.constant 0 : i32
        %dma_wait3A_84 = tpu.memref_slice %arg7[%add3A_77, %dma_wait3A_83] : memref<8x128xi32, #tpu.memory_space<vmem>> -> memref<1x128xi32, #tpu.memory_space<vmem>>
        %dma_wait3A_85 = tpu.memref_squeeze %dma_wait3A_84 : memref<1x128xi32, #tpu.memory_space<vmem>> -> memref<128xi32, #tpu.memory_space<vmem>>
        %dma_wait3A_86 = arith.constant 0 : i32
        %dma_wait3A_87 = arith.constant 0 : i32
        %dma_wait3A_88 = tpu.memref_slice %arg2[%dma_wait3A_86, %dma_wait3A_87] : memref<10000x128xf32, #tpu.memory_space<hbm>> -> memref<10000x128xf32, #tpu.memory_space<hbm>>
        tpu.wait_indirect_dma semaphore(%arg12 : memref<!tpu.dma_semaphore, #tpu.memory_space<semaphore_mem>>) src(%dma_wait3A_88 : memref<10000x128xf32, #tpu.memory_space<hbm>>) dst(%dma_wait3A_82 : memref<128x128xf32, #tpu.memory_space<vmem>>)
        %run_scoped3A_89 = arith.constant 1 : i32
        "tpu.region"() ({
          %run_scoped3A_90 = tpu.sem_alloc : memref<!tpu.dma_semaphore, #tpu.memory_space<semaphore_mem>>
          %dma_start3A_91 = arith.constant 0 : i32
          %dma_start3A_92 = arith.constant 0 : i32
          %dma_start3A_93 = tpu.memref_slice %arg9[%run_scoped3A_89, %dma_start3A_91, %dma_start3A_92] : memref<2x128x128xf32, #tpu.memory_space<vmem>> -> memref<1x128x128xf32, #tpu.memory_space<vmem>>
          %dma_start3A_94 = tpu.memref_squeeze %dma_start3A_93 : memref<1x128x128xf32, #tpu.memory_space<vmem>> -> memref<128x128xf32, #tpu.memory_space<vmem>>
          %dma_start3A_95 = arith.constant 0 : i32
          %dma_start3A_96 = tpu.memref_slice %arg8[%add3A_77, %dma_start3A_95] : memref<8x128xi32, #tpu.memory_space<vmem>> -> memref<1x128xi32, #tpu.memory_space<vmem>>
          %dma_start3A_97 = tpu.memref_squeeze %dma_start3A_96 : memref<1x128xi32, #tpu.memory_space<vmem>> -> memref<128xi32, #tpu.memory_space<vmem>>
          %dma_start3A_98 = arith.constant 0 : i32
          %dma_start3A_99 = arith.constant 0 : i32
          %dma_start3A_100 = tpu.memref_slice %arg10[%dma_start3A_98, %dma_start3A_99] : memref<10112x128xf32, #tpu.memory_space<vmem_shared>> -> memref<10112x128xf32, #tpu.memory_space<vmem_shared>>
          tpu.enqueue_indirect_dma source(%dma_start3A_94 : memref<128x128xf32, #tpu.memory_space<vmem>>) target(%dma_start3A_100 : memref<10112x128xf32, #tpu.memory_space<vmem_shared>>) offsets(%dma_start3A_97 : memref<128xi32, #tpu.memory_space<vmem>>) semaphore(%run_scoped3A_90 : memref<!tpu.dma_semaphore, #tpu.memory_space<semaphore_mem>>) {add = true}
          %dma_wait3A_101 = arith.constant 0 : i32
          %dma_wait3A_102 = arith.constant 0 : i32
          %dma_wait3A_103 = tpu.memref_slice %arg9[%run_scoped3A_89, %dma_wait3A_101, %dma_wait3A_102] : memref<2x128x128xf32, #tpu.memory_space<vmem>> -> memref<1x128x128xf32, #tpu.memory_space<vmem>>
          %dma_wait3A_104 = tpu.memref_squeeze %dma_wait3A_103 : memref<1x128x128xf32, #tpu.memory_space<vmem>> -> memref<128x128xf32, #tpu.memory_space<vmem>>
          %dma_wait3A_105 = arith.constant 0 : i32
          %dma_wait3A_106 = tpu.memref_slice %arg8[%add3A_77, %dma_wait3A_105] : memref<8x128xi32, #tpu.memory_space<vmem>> -> memref<1x128xi32, #tpu.memory_space<vmem>>
          %dma_wait3A_107 = tpu.memref_squeeze %dma_wait3A_106 : memref<1x128xi32, #tpu.memory_space<vmem>> -> memref<128xi32, #tpu.memory_space<vmem>>
          %dma_wait3A_108 = arith.constant 0 : i32
          %dma_wait3A_109 = arith.constant 0 : i32
          %dma_wait3A_110 = tpu.memref_slice %arg10[%dma_wait3A_108, %dma_wait3A_109] : memref<10112x128xf32, #tpu.memory_space<vmem_shared>> -> memref<10112x128xf32, #tpu.memory_space<vmem_shared>>
          tpu.wait_indirect_dma semaphore(%run_scoped3A_90 : memref<!tpu.dma_semaphore, #tpu.memory_space<semaphore_mem>>) src(%dma_wait3A_104 : memref<128x128xf32, #tpu.memory_space<vmem>>) dst(%dma_wait3A_110 : memref<10112x128xf32, #tpu.memory_space<vmem_shared>>)
          tpu.yield
        }) : () -> ()
      }
      %scan3A_45 = arith.constant 4 : i32
    }
    %barrier3A_21 = arith.constant 0 : index
    tpu.barrier barrier_id(%barrier3A_21)
    %mul3A_22 = arith.constant 632 : i32
    %mul3A_23 = arith.muli %arg1, %mul3A_22 : i32
    %mul3A_24 = arith.constant 632 : i32
    %mul3A_25 = arith.muli %arg1, %mul3A_24 : i32
    "tpu.region"() ({
      %run_scoped3A = tpu.sem_alloc : memref<!tpu.dma_semaphore, #tpu.memory_space<semaphore_mem>>
      %dma_start3A = arith.constant 0 : i32
      %dma_start3A_26 = tpu.memref_slice %arg6[%arg0, %mul3A_25, %dma_start3A] : memref<2x10112x128xf32, #tpu.memory_space<hbm>> -> memref<1x632x128xf32, #tpu.memory_space<hbm>>
      %dma_start3A_27 = tpu.memref_squeeze %dma_start3A_26 : memref<1x632x128xf32, #tpu.memory_space<hbm>> -> memref<632x128xf32, #tpu.memory_space<hbm>>
      %dma_start3A_28 = arith.constant 0 : i32
      %dma_start3A_29 = tpu.memref_slice %arg10[%mul3A_23, %dma_start3A_28] : memref<10112x128xf32, #tpu.memory_space<vmem_shared>> -> memref<632x128xf32, #tpu.memory_space<vmem_shared>>
      tpu.enqueue_dma source(%dma_start3A_29 : memref<632x128xf32, #tpu.memory_space<vmem_shared>>) target(%dma_start3A_27 : memref<632x128xf32, #tpu.memory_space<hbm>>) target_semaphore(%run_scoped3A : memref<!tpu.dma_semaphore, #tpu.memory_space<semaphore_mem>>)
      %dma_wait3A = arith.constant 0 : i32
      %dma_wait3A_30 = tpu.memref_slice %arg6[%arg0, %mul3A_25, %dma_wait3A] : memref<2x10112x128xf32, #tpu.memory_space<hbm>> -> memref<1x632x128xf32, #tpu.memory_space<hbm>>
      %dma_wait3A_31 = tpu.memref_squeeze %dma_wait3A_30 : memref<1x632x128xf32, #tpu.memory_space<hbm>> -> memref<632x128xf32, #tpu.memory_space<hbm>>
      %dma_wait3A_32 = arith.constant 0 : i32
      %dma_wait3A_33 = tpu.memref_slice %arg10[%mul3A_23, %dma_wait3A_32] : memref<10112x128xf32, #tpu.memory_space<vmem_shared>> -> memref<632x128xf32, #tpu.memory_space<vmem_shared>>
      tpu.wait_dma2 semaphore(%run_scoped3A : memref<!tpu.dma_semaphore, #tpu.memory_space<semaphore_mem>>) src(%dma_wait3A_33 : memref<632x128xf32, #tpu.memory_space<vmem_shared>>) dst(%dma_wait3A_31 : memref<632x128xf32, #tpu.memory_space<hbm>>)
      tpu.yield
    }) : () -> ()
    return
  }
}

#map = affine_map<(d0, d1) -> (0, 0)>
#map1 = affine_map<(d0, d1) -> (0, 0, 0)>
module attributes {stable_mosaic.version = 14 : i64} {
  func.func @_sc_agg_body(%arg0: i32, %arg1: i32, %arg2: memref<10000x128xf32, #tpu.memory_space<hbm>>, %arg3: memref<2560x128xi32, #tpu.memory_space<hbm>>, %arg4: memref<2560x128xi32, #tpu.memory_space<hbm>>, %arg5: memref<632x128xf32, #tpu.memory_space<hbm>>, %arg6: memref<2x10112x128xf32, #tpu.memory_space<hbm>>, %arg7: memref<8x128xi32, #tpu.memory_space<vmem>>, %arg8: memref<8x128xi32, #tpu.memory_space<vmem>>, %arg9: memref<2x128x128xf32, #tpu.memory_space<vmem>>, %arg10: memref<10112x128xf32, #tpu.memory_space<vmem_shared>>, %arg11: memref<!tpu.dma_semaphore, #tpu.memory_space<semaphore_mem>>, %arg12: memref<!tpu.dma_semaphore, #tpu.memory_space<semaphore_mem>>) attributes {dimension_semantics = [#tpu.dimension_semantics<core_parallel>, #tpu.dimension_semantics<subcore_parallel>], iteration_bounds = array<i64: 2, 16>, scalar_prefetch = 0 : i64, scratch_operands = 6 : i64, tpu.core_type = #tpu.core_type<sc_vector_subcore>, window_params = [{transform_indices = #map}, {transform_indices = #map}, {transform_indices = #map}, {transform_indices = #map}, {transform_indices = #map1}]} {
    %mul3A = arith.constant 632 : i32
    %mul3A_0 = arith.muli %arg1, %mul3A : i32
    "tpu.region"() ({
      %run_scoped3A = tpu.sem_alloc : memref<!tpu.dma_semaphore, #tpu.memory_space<semaphore_mem>>
      %dma_start3A = arith.constant 0 : i32
      %dma_start3A_26 = tpu.memref_slice %arg10[%mul3A_0, %dma_start3A] : memref<10112x128xf32, #tpu.memory_space<vmem_shared>> -> memref<632x128xf32, #tpu.memory_space<vmem_shared>>
      tpu.enqueue_dma source(%arg5 : memref<632x128xf32, #tpu.memory_space<hbm>>) target(%dma_start3A_26 : memref<632x128xf32, #tpu.memory_space<vmem_shared>>) target_semaphore(%run_scoped3A : memref<!tpu.dma_semaphore, #tpu.memory_space<semaphore_mem>>)
      %dma_wait3A = arith.constant 0 : i32
      %dma_wait3A_27 = tpu.memref_slice %arg10[%mul3A_0, %dma_wait3A] : memref<10112x128xf32, #tpu.memory_space<vmem_shared>> -> memref<632x128xf32, #tpu.memory_space<vmem_shared>>
      tpu.wait_dma2 semaphore(%run_scoped3A : memref<!tpu.dma_semaphore, #tpu.memory_space<semaphore_mem>>) src(%arg5 : memref<632x128xf32, #tpu.memory_space<hbm>>) dst(%dma_wait3A_27 : memref<632x128xf32, #tpu.memory_space<vmem_shared>>)
      tpu.yield
    }) : () -> ()
    %barrier3A = arith.constant 0 : index
    tpu.barrier barrier_id(%barrier3A)
    %mul3A_1 = arith.constant 136 : i32
    %mul3A_2 = arith.muli %mul3A_1, %arg1 : i32
    %mul3A_3 = arith.constant -112 : i32
    %mul3A_4 = arith.muli %mul3A_3, %arg1 : i32
    %add3A = arith.constant 2176 : i32
    %add3A_5 = arith.addi %add3A, %mul3A_4 : i32
    %mul3A_6 = arith.muli %arg0, %add3A_5 : i32
    %add3A_7 = arith.addi %mul3A_2, %mul3A_6 : i32
    %mul3A_8 = arith.constant -14 : i32
    %mul3A_9 = arith.muli %arg0, %mul3A_8 : i32
    %add3A_10 = arith.constant 17 : i32
    %add3A_11 = arith.addi %add3A_10, %mul3A_9 : i32
    %while3A = arith.constant 0 : i32
    %while3A_12 = arith.constant 0 : i32
    %while3A_13 = arith.subi %add3A_11, %while3A_12 : i32
    %while3A_14 = arith.addi %while3A_12, %while3A_13 : i32
    %while3A_15 = arith.constant 1 : i32
    %while3A_16 = arith.divsi %while3A_13, %while3A_15 : i32
    %while3A_17 = arith.muli %while3A_16, %while3A_15 : i32
    %while3A_18 = arith.addi %while3A_12, %while3A_17 : i32
    %while3A_19 = arith.constant 1 : i32
    scf.for %while3A_26 = %while3A_12 to %while3A_18 step %while3A_19  : i32 {
      %mul3A_27 = arith.constant 8 : i32
      %mul3A_28 = arith.muli %while3A_26, %mul3A_27 : i32
      %add3A_29 = arith.addi %add3A_7, %mul3A_28 : i32
      %multiple_of3A = tpu.assume_multiple %add3A_29, 8 : i32
      "tpu.region"() ({
        %run_scoped3A = tpu.sem_alloc : memref<!tpu.dma_semaphore, #tpu.memory_space<semaphore_mem>>
        %dma_start3A_46 = arith.constant 0 : i32
        %dma_start3A_47 = tpu.memref_slice %arg3[%multiple_of3A, %dma_start3A_46] : memref<2560x128xi32, #tpu.memory_space<hbm>> -> memref<8x128xi32, #tpu.memory_space<hbm>>
        %dma_start3A_48 = arith.constant 0 : i32
        %dma_start3A_49 = tpu.memref_slice %arg3[%multiple_of3A, %dma_start3A_48] : memref<2560x128xi32, #tpu.memory_space<hbm>> -> memref<8x128xi32, #tpu.memory_space<hbm>>
        tpu.enqueue_dma source(%dma_start3A_49 : memref<8x128xi32, #tpu.memory_space<hbm>>) target(%arg7 : memref<8x128xi32, #tpu.memory_space<vmem>>) target_semaphore(%run_scoped3A : memref<!tpu.dma_semaphore, #tpu.memory_space<semaphore_mem>>)
        %dma_wait3A = arith.constant 0 : i32
        %dma_wait3A_50 = tpu.memref_slice %arg3[%multiple_of3A, %dma_wait3A] : memref<2560x128xi32, #tpu.memory_space<hbm>> -> memref<8x128xi32, #tpu.memory_space<hbm>>
        %dma_wait3A_51 = arith.constant 0 : i32
        %dma_wait3A_52 = tpu.memref_slice %arg3[%multiple_of3A, %dma_wait3A_51] : memref<2560x128xi32, #tpu.memory_space<hbm>> -> memref<8x128xi32, #tpu.memory_space<hbm>>
        tpu.wait_dma2 semaphore(%run_scoped3A : memref<!tpu.dma_semaphore, #tpu.memory_space<semaphore_mem>>) src(%dma_wait3A_52 : memref<8x128xi32, #tpu.memory_space<hbm>>) dst(%arg7 : memref<8x128xi32, #tpu.memory_space<vmem>>)
        tpu.yield
      }) : () -> ()
      "tpu.region"() ({
        %run_scoped3A = tpu.sem_alloc : memref<!tpu.dma_semaphore, #tpu.memory_space<semaphore_mem>>
        %dma_start3A_46 = arith.constant 0 : i32
        %dma_start3A_47 = tpu.memref_slice %arg4[%multiple_of3A, %dma_start3A_46] : memref<2560x128xi32, #tpu.memory_space<hbm>> -> memref<8x128xi32, #tpu.memory_space<hbm>>
        %dma_start3A_48 = arith.constant 0 : i32
        %dma_start3A_49 = tpu.memref_slice %arg4[%multiple_of3A, %dma_start3A_48] : memref<2560x128xi32, #tpu.memory_space<hbm>> -> memref<8x128xi32, #tpu.memory_space<hbm>>
        tpu.enqueue_dma source(%dma_start3A_49 : memref<8x128xi32, #tpu.memory_space<hbm>>) target(%arg8 : memref<8x128xi32, #tpu.memory_space<vmem>>) target_semaphore(%run_scoped3A : memref<!tpu.dma_semaphore, #tpu.memory_space<semaphore_mem>>)
        %dma_wait3A = arith.constant 0 : i32
        %dma_wait3A_50 = tpu.memref_slice %arg4[%multiple_of3A, %dma_wait3A] : memref<2560x128xi32, #tpu.memory_space<hbm>> -> memref<8x128xi32, #tpu.memory_space<hbm>>
        %dma_wait3A_51 = arith.constant 0 : i32
        %dma_wait3A_52 = tpu.memref_slice %arg4[%multiple_of3A, %dma_wait3A_51] : memref<2560x128xi32, #tpu.memory_space<hbm>> -> memref<8x128xi32, #tpu.memory_space<hbm>>
        tpu.wait_dma2 semaphore(%run_scoped3A : memref<!tpu.dma_semaphore, #tpu.memory_space<semaphore_mem>>) src(%dma_wait3A_52 : memref<8x128xi32, #tpu.memory_space<hbm>>) dst(%arg8 : memref<8x128xi32, #tpu.memory_space<vmem>>)
        tpu.yield
      }) : () -> ()
      %dma_start3A = arith.constant 0 : i32
      %dma_start3A_30 = arith.constant 0 : i32
      %dma_start3A_31 = arith.constant 0 : i32
      %dma_start3A_32 = arith.constant 0 : i32
      %dma_start3A_33 = tpu.memref_slice %arg9[%dma_start3A_30, %dma_start3A_31, %dma_start3A_32] : memref<2x128x128xf32, #tpu.memory_space<vmem>> -> memref<1x128x128xf32, #tpu.memory_space<vmem>>
      %dma_start3A_34 = tpu.memref_squeeze %dma_start3A_33 : memref<1x128x128xf32, #tpu.memory_space<vmem>> -> memref<128x128xf32, #tpu.memory_space<vmem>>
      %dma_start3A_35 = arith.constant 0 : i32
      %dma_start3A_36 = tpu.memref_slice %arg7[%dma_start3A, %dma_start3A_35] : memref<8x128xi32, #tpu.memory_space<vmem>> -> memref<1x128xi32, #tpu.memory_space<vmem>>
      %dma_start3A_37 = tpu.memref_squeeze %dma_start3A_36 : memref<1x128xi32, #tpu.memory_space<vmem>> -> memref<128xi32, #tpu.memory_space<vmem>>
      %dma_start3A_38 = arith.constant 0 : i32
      %dma_start3A_39 = arith.constant 0 : i32
      %dma_start3A_40 = tpu.memref_slice %arg2[%dma_start3A_38, %dma_start3A_39] : memref<10000x128xf32, #tpu.memory_space<hbm>> -> memref<10000x128xf32, #tpu.memory_space<hbm>>
      tpu.enqueue_indirect_dma source(%dma_start3A_40 : memref<10000x128xf32, #tpu.memory_space<hbm>>) target(%dma_start3A_34 : memref<128x128xf32, #tpu.memory_space<vmem>>) offsets(%dma_start3A_37 : memref<128xi32, #tpu.memory_space<vmem>>) semaphore(%arg11 : memref<!tpu.dma_semaphore, #tpu.memory_space<semaphore_mem>>)
      %scan3A = arith.constant 0 : i32
      %scan3A_41 = arith.constant 0 : i32
      %scan3A_42 = arith.constant 4 : i32
      %scan3A_43 = arith.addi %scan3A_41, %scan3A_42 : i32
      %scan3A_44 = arith.constant 1 : i32
      scf.for %scan3A_46 = %scan3A_41 to %scan3A_43 step %scan3A_44  : i32 {
        %mul3A_47 = arith.constant 2 : i32
        %mul3A_48 = arith.muli %mul3A_47, %scan3A_46 : i32
        %add3A_49 = arith.constant 1 : i32
        %add3A_50 = arith.addi %mul3A_48, %add3A_49 : i32
        %dma_start3A_51 = arith.constant 1 : i32
        %dma_start3A_52 = arith.constant 0 : i32
        %dma_start3A_53 = arith.constant 0 : i32
        %dma_start3A_54 = tpu.memref_slice %arg9[%dma_start3A_51, %dma_start3A_52, %dma_start3A_53] : memref<2x128x128xf32, #tpu.memory_space<vmem>> -> memref<1x128x128xf32, #tpu.memory_space<vmem>>
        %dma_start3A_55 = tpu.memref_squeeze %dma_start3A_54 : memref<1x128x128xf32, #tpu.memory_space<vmem>> -> memref<128x128xf32, #tpu.memory_space<vmem>>
        %dma_start3A_56 = arith.constant 0 : i32
        %dma_start3A_57 = tpu.memref_slice %arg7[%add3A_50, %dma_start3A_56] : memref<8x128xi32, #tpu.memory_space<vmem>> -> memref<1x128xi32, #tpu.memory_space<vmem>>
        %dma_start3A_58 = tpu.memref_squeeze %dma_start3A_57 : memref<1x128xi32, #tpu.memory_space<vmem>> -> memref<128xi32, #tpu.memory_space<vmem>>
        %dma_start3A_59 = arith.constant 0 : i32
        %dma_start3A_60 = arith.constant 0 : i32
        %dma_start3A_61 = tpu.memref_slice %arg2[%dma_start3A_59, %dma_start3A_60] : memref<10000x128xf32, #tpu.memory_space<hbm>> -> memref<10000x128xf32, #tpu.memory_space<hbm>>
        tpu.enqueue_indirect_dma source(%dma_start3A_61 : memref<10000x128xf32, #tpu.memory_space<hbm>>) target(%dma_start3A_55 : memref<128x128xf32, #tpu.memory_space<vmem>>) offsets(%dma_start3A_58 : memref<128xi32, #tpu.memory_space<vmem>>) semaphore(%arg12 : memref<!tpu.dma_semaphore, #tpu.memory_space<semaphore_mem>>)
        %dma_wait3A = arith.constant 0 : i32
        %dma_wait3A_62 = arith.constant 0 : i32
        %dma_wait3A_63 = arith.constant 0 : i32
        %dma_wait3A_64 = tpu.memref_slice %arg9[%dma_wait3A, %dma_wait3A_62, %dma_wait3A_63] : memref<2x128x128xf32, #tpu.memory_space<vmem>> -> memref<1x128x128xf32, #tpu.memory_space<vmem>>
        %dma_wait3A_65 = tpu.memref_squeeze %dma_wait3A_64 : memref<1x128x128xf32, #tpu.memory_space<vmem>> -> memref<128x128xf32, #tpu.memory_space<vmem>>
        %dma_wait3A_66 = arith.constant 0 : i32
        %dma_wait3A_67 = tpu.memref_slice %arg7[%mul3A_48, %dma_wait3A_66] : memref<8x128xi32, #tpu.memory_space<vmem>> -> memref<1x128xi32, #tpu.memory_space<vmem>>
        %dma_wait3A_68 = tpu.memref_squeeze %dma_wait3A_67 : memref<1x128xi32, #tpu.memory_space<vmem>> -> memref<128xi32, #tpu.memory_space<vmem>>
        %dma_wait3A_69 = arith.constant 0 : i32
        %dma_wait3A_70 = arith.constant 0 : i32
        %dma_wait3A_71 = tpu.memref_slice %arg2[%dma_wait3A_69, %dma_wait3A_70] : memref<10000x128xf32, #tpu.memory_space<hbm>> -> memref<10000x128xf32, #tpu.memory_space<hbm>>
        tpu.wait_indirect_dma semaphore(%arg11 : memref<!tpu.dma_semaphore, #tpu.memory_space<semaphore_mem>>) src(%dma_wait3A_71 : memref<10000x128xf32, #tpu.memory_space<hbm>>) dst(%dma_wait3A_65 : memref<128x128xf32, #tpu.memory_space<vmem>>)
        %run_scoped3A = arith.constant 0 : i32
        "tpu.region"() ({
          %run_scoped3A_90 = tpu.sem_alloc : memref<!tpu.dma_semaphore, #tpu.memory_space<semaphore_mem>>
          %dma_start3A_91 = arith.constant 0 : i32
          %dma_start3A_92 = arith.constant 0 : i32
          %dma_start3A_93 = tpu.memref_slice %arg9[%run_scoped3A, %dma_start3A_91, %dma_start3A_92] : memref<2x128x128xf32, #tpu.memory_space<vmem>> -> memref<1x128x128xf32, #tpu.memory_space<vmem>>
          %dma_start3A_94 = tpu.memref_squeeze %dma_start3A_93 : memref<1x128x128xf32, #tpu.memory_space<vmem>> -> memref<128x128xf32, #tpu.memory_space<vmem>>
          %dma_start3A_95 = arith.constant 0 : i32
          %dma_start3A_96 = tpu.memref_slice %arg8[%mul3A_48, %dma_start3A_95] : memref<8x128xi32, #tpu.memory_space<vmem>> -> memref<1x128xi32, #tpu.memory_space<vmem>>
          %dma_start3A_97 = tpu.memref_squeeze %dma_start3A_96 : memref<1x128xi32, #tpu.memory_space<vmem>> -> memref<128xi32, #tpu.memory_space<vmem>>
          %dma_start3A_98 = arith.constant 0 : i32
          %dma_start3A_99 = arith.constant 0 : i32
          %dma_start3A_100 = tpu.memref_slice %arg10[%dma_start3A_98, %dma_start3A_99] : memref<10112x128xf32, #tpu.memory_space<vmem_shared>> -> memref<10112x128xf32, #tpu.memory_space<vmem_shared>>
          tpu.enqueue_indirect_dma source(%dma_start3A_94 : memref<128x128xf32, #tpu.memory_space<vmem>>) target(%dma_start3A_100 : memref<10112x128xf32, #tpu.memory_space<vmem_shared>>) offsets(%dma_start3A_97 : memref<128xi32, #tpu.memory_space<vmem>>) semaphore(%run_scoped3A_90 : memref<!tpu.dma_semaphore, #tpu.memory_space<semaphore_mem>>) {add = true}
          %dma_wait3A_101 = arith.constant 0 : i32
          %dma_wait3A_102 = arith.constant 0 : i32
          %dma_wait3A_103 = tpu.memref_slice %arg9[%run_scoped3A, %dma_wait3A_101, %dma_wait3A_102] : memref<2x128x128xf32, #tpu.memory_space<vmem>> -> memref<1x128x128xf32, #tpu.memory_space<vmem>>
          %dma_wait3A_104 = tpu.memref_squeeze %dma_wait3A_103 : memref<1x128x128xf32, #tpu.memory_space<vmem>> -> memref<128x128xf32, #tpu.memory_space<vmem>>
          %dma_wait3A_105 = arith.constant 0 : i32
          %dma_wait3A_106 = tpu.memref_slice %arg8[%mul3A_48, %dma_wait3A_105] : memref<8x128xi32, #tpu.memory_space<vmem>> -> memref<1x128xi32, #tpu.memory_space<vmem>>
          %dma_wait3A_107 = tpu.memref_squeeze %dma_wait3A_106 : memref<1x128xi32, #tpu.memory_space<vmem>> -> memref<128xi32, #tpu.memory_space<vmem>>
          %dma_wait3A_108 = arith.constant 0 : i32
          %dma_wait3A_109 = arith.constant 0 : i32
          %dma_wait3A_110 = tpu.memref_slice %arg10[%dma_wait3A_108, %dma_wait3A_109] : memref<10112x128xf32, #tpu.memory_space<vmem_shared>> -> memref<10112x128xf32, #tpu.memory_space<vmem_shared>>
          tpu.wait_indirect_dma semaphore(%run_scoped3A_90 : memref<!tpu.dma_semaphore, #tpu.memory_space<semaphore_mem>>) src(%dma_wait3A_104 : memref<128x128xf32, #tpu.memory_space<vmem>>) dst(%dma_wait3A_110 : memref<10112x128xf32, #tpu.memory_space<vmem_shared>>)
          tpu.yield
        }) : () -> ()
        %add3A_72 = arith.constant 2 : i32
        %add3A_73 = arith.addi %mul3A_48, %add3A_72 : i32
        %lt3A = arith.constant 8 : i32
        %lt3A_74 = arith.cmpi slt, %add3A_73, %lt3A : i32
        %convert_element_type3A = arith.extui %lt3A_74 : i1 to i32
        %cond3A = arith.constant 0 : i32
        %cond3A_75 = arith.cmpi ne, %convert_element_type3A, %cond3A : i32
        scf.if %cond3A_75 {
          %add3A_90 = arith.constant 2 : i32
          %add3A_91 = arith.addi %mul3A_48, %add3A_90 : i32
          %dma_start3A_92 = arith.constant 0 : i32
          %dma_start3A_93 = arith.constant 0 : i32
          %dma_start3A_94 = arith.constant 0 : i32
          %dma_start3A_95 = tpu.memref_slice %arg9[%dma_start3A_92, %dma_start3A_93, %dma_start3A_94] : memref<2x128x128xf32, #tpu.memory_space<vmem>> -> memref<1x128x128xf32, #tpu.memory_space<vmem>>
          %dma_start3A_96 = tpu.memref_squeeze %dma_start3A_95 : memref<1x128x128xf32, #tpu.memory_space<vmem>> -> memref<128x128xf32, #tpu.memory_space<vmem>>
          %dma_start3A_97 = arith.constant 0 : i32
          %dma_start3A_98 = tpu.memref_slice %arg7[%add3A_91, %dma_start3A_97] : memref<8x128xi32, #tpu.memory_space<vmem>> -> memref<1x128xi32, #tpu.memory_space<vmem>>
          %dma_start3A_99 = tpu.memref_squeeze %dma_start3A_98 : memref<1x128xi32, #tpu.memory_space<vmem>> -> memref<128xi32, #tpu.memory_space<vmem>>
          %dma_start3A_100 = arith.constant 0 : i32
          %dma_start3A_101 = arith.constant 0 : i32
          %dma_start3A_102 = tpu.memref_slice %arg2[%dma_start3A_100, %dma_start3A_101] : memref<10000x128xf32, #tpu.memory_space<hbm>> -> memref<10000x128xf32, #tpu.memory_space<hbm>>
          tpu.enqueue_indirect_dma source(%dma_start3A_102 : memref<10000x128xf32, #tpu.memory_space<hbm>>) target(%dma_start3A_96 : memref<128x128xf32, #tpu.memory_space<vmem>>) offsets(%dma_start3A_99 : memref<128xi32, #tpu.memory_space<vmem>>) semaphore(%arg11 : memref<!tpu.dma_semaphore, #tpu.memory_space<semaphore_mem>>)
        } else {
        }
        %add3A_76 = arith.constant 1 : i32
        %add3A_77 = arith.addi %mul3A_48, %add3A_76 : i32
        %dma_wait3A_78 = arith.constant 1 : i32
        %dma_wait3A_79 = arith.constant 0 : i32
        %dma_wait3A_80 = arith.constant 0 : i32
        %dma_wait3A_81 = tpu.memref_slice %arg9[%dma_wait3A_78, %dma_wait3A_79, %dma_wait3A_80] : memref<2x128x128xf32, #tpu.memory_space<vmem>> -> memref<1x128x128xf32, #tpu.memory_space<vmem>>
        %dma_wait3A_82 = tpu.memref_squeeze %dma_wait3A_81 : memref<1x128x128xf32, #tpu.memory_space<vmem>> -> memref<128x128xf32, #tpu.memory_space<vmem>>
        %dma_wait3A_83 = arith.constant 0 : i32
        %dma_wait3A_84 = tpu.memref_slice %arg7[%add3A_77, %dma_wait3A_83] : memref<8x128xi32, #tpu.memory_space<vmem>> -> memref<1x128xi32, #tpu.memory_space<vmem>>
        %dma_wait3A_85 = tpu.memref_squeeze %dma_wait3A_84 : memref<1x128xi32, #tpu.memory_space<vmem>> -> memref<128xi32, #tpu.memory_space<vmem>>
        %dma_wait3A_86 = arith.constant 0 : i32
        %dma_wait3A_87 = arith.constant 0 : i32
        %dma_wait3A_88 = tpu.memref_slice %arg2[%dma_wait3A_86, %dma_wait3A_87] : memref<10000x128xf32, #tpu.memory_space<hbm>> -> memref<10000x128xf32, #tpu.memory_space<hbm>>
        tpu.wait_indirect_dma semaphore(%arg12 : memref<!tpu.dma_semaphore, #tpu.memory_space<semaphore_mem>>) src(%dma_wait3A_88 : memref<10000x128xf32, #tpu.memory_space<hbm>>) dst(%dma_wait3A_82 : memref<128x128xf32, #tpu.memory_space<vmem>>)
        %run_scoped3A_89 = arith.constant 1 : i32
        "tpu.region"() ({
          %run_scoped3A_90 = tpu.sem_alloc : memref<!tpu.dma_semaphore, #tpu.memory_space<semaphore_mem>>
          %dma_start3A_91 = arith.constant 0 : i32
          %dma_start3A_92 = arith.constant 0 : i32
          %dma_start3A_93 = tpu.memref_slice %arg9[%run_scoped3A_89, %dma_start3A_91, %dma_start3A_92] : memref<2x128x128xf32, #tpu.memory_space<vmem>> -> memref<1x128x128xf32, #tpu.memory_space<vmem>>
          %dma_start3A_94 = tpu.memref_squeeze %dma_start3A_93 : memref<1x128x128xf32, #tpu.memory_space<vmem>> -> memref<128x128xf32, #tpu.memory_space<vmem>>
          %dma_start3A_95 = arith.constant 0 : i32
          %dma_start3A_96 = tpu.memref_slice %arg8[%add3A_77, %dma_start3A_95] : memref<8x128xi32, #tpu.memory_space<vmem>> -> memref<1x128xi32, #tpu.memory_space<vmem>>
          %dma_start3A_97 = tpu.memref_squeeze %dma_start3A_96 : memref<1x128xi32, #tpu.memory_space<vmem>> -> memref<128xi32, #tpu.memory_space<vmem>>
          %dma_start3A_98 = arith.constant 0 : i32
          %dma_start3A_99 = arith.constant 0 : i32
          %dma_start3A_100 = tpu.memref_slice %arg10[%dma_start3A_98, %dma_start3A_99] : memref<10112x128xf32, #tpu.memory_space<vmem_shared>> -> memref<10112x128xf32, #tpu.memory_space<vmem_shared>>
          tpu.enqueue_indirect_dma source(%dma_start3A_94 : memref<128x128xf32, #tpu.memory_space<vmem>>) target(%dma_start3A_100 : memref<10112x128xf32, #tpu.memory_space<vmem_shared>>) offsets(%dma_start3A_97 : memref<128xi32, #tpu.memory_space<vmem>>) semaphore(%run_scoped3A_90 : memref<!tpu.dma_semaphore, #tpu.memory_space<semaphore_mem>>) {add = true}
          %dma_wait3A_101 = arith.constant 0 : i32
          %dma_wait3A_102 = arith.constant 0 : i32
          %dma_wait3A_103 = tpu.memref_slice %arg9[%run_scoped3A_89, %dma_wait3A_101, %dma_wait3A_102] : memref<2x128x128xf32, #tpu.memory_space<vmem>> -> memref<1x128x128xf32, #tpu.memory_space<vmem>>
          %dma_wait3A_104 = tpu.memref_squeeze %dma_wait3A_103 : memref<1x128x128xf32, #tpu.memory_space<vmem>> -> memref<128x128xf32, #tpu.memory_space<vmem>>
          %dma_wait3A_105 = arith.constant 0 : i32
          %dma_wait3A_106 = tpu.memref_slice %arg8[%add3A_77, %dma_wait3A_105] : memref<8x128xi32, #tpu.memory_space<vmem>> -> memref<1x128xi32, #tpu.memory_space<vmem>>
          %dma_wait3A_107 = tpu.memref_squeeze %dma_wait3A_106 : memref<1x128xi32, #tpu.memory_space<vmem>> -> memref<128xi32, #tpu.memory_space<vmem>>
          %dma_wait3A_108 = arith.constant 0 : i32
          %dma_wait3A_109 = arith.constant 0 : i32
          %dma_wait3A_110 = tpu.memref_slice %arg10[%dma_wait3A_108, %dma_wait3A_109] : memref<10112x128xf32, #tpu.memory_space<vmem_shared>> -> memref<10112x128xf32, #tpu.memory_space<vmem_shared>>
          tpu.wait_indirect_dma semaphore(%run_scoped3A_90 : memref<!tpu.dma_semaphore, #tpu.memory_space<semaphore_mem>>) src(%dma_wait3A_104 : memref<128x128xf32, #tpu.memory_space<vmem>>) dst(%dma_wait3A_110 : memref<10112x128xf32, #tpu.memory_space<vmem_shared>>)
          tpu.yield
        }) : () -> ()
      }
      %scan3A_45 = arith.constant 4 : i32
    }
    %while3A_20 = arith.constant 1 : i32
    scf.for %while3A_26 = %while3A_18 to %while3A_14 step %while3A_20  : i32 {
      %mul3A_27 = arith.constant 8 : i32
      %mul3A_28 = arith.muli %while3A_26, %mul3A_27 : i32
      %add3A_29 = arith.addi %add3A_7, %mul3A_28 : i32
      %multiple_of3A = tpu.assume_multiple %add3A_29, 8 : i32
      "tpu.region"() ({
        %run_scoped3A = tpu.sem_alloc : memref<!tpu.dma_semaphore, #tpu.memory_space<semaphore_mem>>
        %dma_start3A_46 = arith.constant 0 : i32
        %dma_start3A_47 = tpu.memref_slice %arg3[%multiple_of3A, %dma_start3A_46] : memref<2560x128xi32, #tpu.memory_space<hbm>> -> memref<8x128xi32, #tpu.memory_space<hbm>>
        %dma_start3A_48 = arith.constant 0 : i32
        %dma_start3A_49 = tpu.memref_slice %arg3[%multiple_of3A, %dma_start3A_48] : memref<2560x128xi32, #tpu.memory_space<hbm>> -> memref<8x128xi32, #tpu.memory_space<hbm>>
        tpu.enqueue_dma source(%dma_start3A_49 : memref<8x128xi32, #tpu.memory_space<hbm>>) target(%arg7 : memref<8x128xi32, #tpu.memory_space<vmem>>) target_semaphore(%run_scoped3A : memref<!tpu.dma_semaphore, #tpu.memory_space<semaphore_mem>>)
        %dma_wait3A = arith.constant 0 : i32
        %dma_wait3A_50 = tpu.memref_slice %arg3[%multiple_of3A, %dma_wait3A] : memref<2560x128xi32, #tpu.memory_space<hbm>> -> memref<8x128xi32, #tpu.memory_space<hbm>>
        %dma_wait3A_51 = arith.constant 0 : i32
        %dma_wait3A_52 = tpu.memref_slice %arg3[%multiple_of3A, %dma_wait3A_51] : memref<2560x128xi32, #tpu.memory_space<hbm>> -> memref<8x128xi32, #tpu.memory_space<hbm>>
        tpu.wait_dma2 semaphore(%run_scoped3A : memref<!tpu.dma_semaphore, #tpu.memory_space<semaphore_mem>>) src(%dma_wait3A_52 : memref<8x128xi32, #tpu.memory_space<hbm>>) dst(%arg7 : memref<8x128xi32, #tpu.memory_space<vmem>>)
        tpu.yield
      }) : () -> ()
      "tpu.region"() ({
        %run_scoped3A = tpu.sem_alloc : memref<!tpu.dma_semaphore, #tpu.memory_space<semaphore_mem>>
        %dma_start3A_46 = arith.constant 0 : i32
        %dma_start3A_47 = tpu.memref_slice %arg4[%multiple_of3A, %dma_start3A_46] : memref<2560x128xi32, #tpu.memory_space<hbm>> -> memref<8x128xi32, #tpu.memory_space<hbm>>
        %dma_start3A_48 = arith.constant 0 : i32
        %dma_start3A_49 = tpu.memref_slice %arg4[%multiple_of3A, %dma_start3A_48] : memref<2560x128xi32, #tpu.memory_space<hbm>> -> memref<8x128xi32, #tpu.memory_space<hbm>>
        tpu.enqueue_dma source(%dma_start3A_49 : memref<8x128xi32, #tpu.memory_space<hbm>>) target(%arg8 : memref<8x128xi32, #tpu.memory_space<vmem>>) target_semaphore(%run_scoped3A : memref<!tpu.dma_semaphore, #tpu.memory_space<semaphore_mem>>)
        %dma_wait3A = arith.constant 0 : i32
        %dma_wait3A_50 = tpu.memref_slice %arg4[%multiple_of3A, %dma_wait3A] : memref<2560x128xi32, #tpu.memory_space<hbm>> -> memref<8x128xi32, #tpu.memory_space<hbm>>
        %dma_wait3A_51 = arith.constant 0 : i32
        %dma_wait3A_52 = tpu.memref_slice %arg4[%multiple_of3A, %dma_wait3A_51] : memref<2560x128xi32, #tpu.memory_space<hbm>> -> memref<8x128xi32, #tpu.memory_space<hbm>>
        tpu.wait_dma2 semaphore(%run_scoped3A : memref<!tpu.dma_semaphore, #tpu.memory_space<semaphore_mem>>) src(%dma_wait3A_52 : memref<8x128xi32, #tpu.memory_space<hbm>>) dst(%arg8 : memref<8x128xi32, #tpu.memory_space<vmem>>)
        tpu.yield
      }) : () -> ()
      %dma_start3A = arith.constant 0 : i32
      %dma_start3A_30 = arith.constant 0 : i32
      %dma_start3A_31 = arith.constant 0 : i32
      %dma_start3A_32 = arith.constant 0 : i32
      %dma_start3A_33 = tpu.memref_slice %arg9[%dma_start3A_30, %dma_start3A_31, %dma_start3A_32] : memref<2x128x128xf32, #tpu.memory_space<vmem>> -> memref<1x128x128xf32, #tpu.memory_space<vmem>>
      %dma_start3A_34 = tpu.memref_squeeze %dma_start3A_33 : memref<1x128x128xf32, #tpu.memory_space<vmem>> -> memref<128x128xf32, #tpu.memory_space<vmem>>
      %dma_start3A_35 = arith.constant 0 : i32
      %dma_start3A_36 = tpu.memref_slice %arg7[%dma_start3A, %dma_start3A_35] : memref<8x128xi32, #tpu.memory_space<vmem>> -> memref<1x128xi32, #tpu.memory_space<vmem>>
      %dma_start3A_37 = tpu.memref_squeeze %dma_start3A_36 : memref<1x128xi32, #tpu.memory_space<vmem>> -> memref<128xi32, #tpu.memory_space<vmem>>
      %dma_start3A_38 = arith.constant 0 : i32
      %dma_start3A_39 = arith.constant 0 : i32
      %dma_start3A_40 = tpu.memref_slice %arg2[%dma_start3A_38, %dma_start3A_39] : memref<10000x128xf32, #tpu.memory_space<hbm>> -> memref<10000x128xf32, #tpu.memory_space<hbm>>
      tpu.enqueue_indirect_dma source(%dma_start3A_40 : memref<10000x128xf32, #tpu.memory_space<hbm>>) target(%dma_start3A_34 : memref<128x128xf32, #tpu.memory_space<vmem>>) offsets(%dma_start3A_37 : memref<128xi32, #tpu.memory_space<vmem>>) semaphore(%arg11 : memref<!tpu.dma_semaphore, #tpu.memory_space<semaphore_mem>>)
      %scan3A = arith.constant 0 : i32
      %scan3A_41 = arith.constant 0 : i32
      %scan3A_42 = arith.constant 4 : i32
      %scan3A_43 = arith.addi %scan3A_41, %scan3A_42 : i32
      %scan3A_44 = arith.constant 1 : i32
      scf.for %scan3A_46 = %scan3A_41 to %scan3A_43 step %scan3A_44  : i32 {
        %mul3A_47 = arith.constant 2 : i32
        %mul3A_48 = arith.muli %mul3A_47, %scan3A_46 : i32
        %add3A_49 = arith.constant 1 : i32
        %add3A_50 = arith.addi %mul3A_48, %add3A_49 : i32
        %dma_start3A_51 = arith.constant 1 : i32
        %dma_start3A_52 = arith.constant 0 : i32
        %dma_start3A_53 = arith.constant 0 : i32
        %dma_start3A_54 = tpu.memref_slice %arg9[%dma_start3A_51, %dma_start3A_52, %dma_start3A_53] : memref<2x128x128xf32, #tpu.memory_space<vmem>> -> memref<1x128x128xf32, #tpu.memory_space<vmem>>
        %dma_start3A_55 = tpu.memref_squeeze %dma_start3A_54 : memref<1x128x128xf32, #tpu.memory_space<vmem>> -> memref<128x128xf32, #tpu.memory_space<vmem>>
        %dma_start3A_56 = arith.constant 0 : i32
        %dma_start3A_57 = tpu.memref_slice %arg7[%add3A_50, %dma_start3A_56] : memref<8x128xi32, #tpu.memory_space<vmem>> -> memref<1x128xi32, #tpu.memory_space<vmem>>
        %dma_start3A_58 = tpu.memref_squeeze %dma_start3A_57 : memref<1x128xi32, #tpu.memory_space<vmem>> -> memref<128xi32, #tpu.memory_space<vmem>>
        %dma_start3A_59 = arith.constant 0 : i32
        %dma_start3A_60 = arith.constant 0 : i32
        %dma_start3A_61 = tpu.memref_slice %arg2[%dma_start3A_59, %dma_start3A_60] : memref<10000x128xf32, #tpu.memory_space<hbm>> -> memref<10000x128xf32, #tpu.memory_space<hbm>>
        tpu.enqueue_indirect_dma source(%dma_start3A_61 : memref<10000x128xf32, #tpu.memory_space<hbm>>) target(%dma_start3A_55 : memref<128x128xf32, #tpu.memory_space<vmem>>) offsets(%dma_start3A_58 : memref<128xi32, #tpu.memory_space<vmem>>) semaphore(%arg12 : memref<!tpu.dma_semaphore, #tpu.memory_space<semaphore_mem>>)
        %dma_wait3A = arith.constant 0 : i32
        %dma_wait3A_62 = arith.constant 0 : i32
        %dma_wait3A_63 = arith.constant 0 : i32
        %dma_wait3A_64 = tpu.memref_slice %arg9[%dma_wait3A, %dma_wait3A_62, %dma_wait3A_63] : memref<2x128x128xf32, #tpu.memory_space<vmem>> -> memref<1x128x128xf32, #tpu.memory_space<vmem>>
        %dma_wait3A_65 = tpu.memref_squeeze %dma_wait3A_64 : memref<1x128x128xf32, #tpu.memory_space<vmem>> -> memref<128x128xf32, #tpu.memory_space<vmem>>
        %dma_wait3A_66 = arith.constant 0 : i32
        %dma_wait3A_67 = tpu.memref_slice %arg7[%mul3A_48, %dma_wait3A_66] : memref<8x128xi32, #tpu.memory_space<vmem>> -> memref<1x128xi32, #tpu.memory_space<vmem>>
        %dma_wait3A_68 = tpu.memref_squeeze %dma_wait3A_67 : memref<1x128xi32, #tpu.memory_space<vmem>> -> memref<128xi32, #tpu.memory_space<vmem>>
        %dma_wait3A_69 = arith.constant 0 : i32
        %dma_wait3A_70 = arith.constant 0 : i32
        %dma_wait3A_71 = tpu.memref_slice %arg2[%dma_wait3A_69, %dma_wait3A_70] : memref<10000x128xf32, #tpu.memory_space<hbm>> -> memref<10000x128xf32, #tpu.memory_space<hbm>>
        tpu.wait_indirect_dma semaphore(%arg11 : memref<!tpu.dma_semaphore, #tpu.memory_space<semaphore_mem>>) src(%dma_wait3A_71 : memref<10000x128xf32, #tpu.memory_space<hbm>>) dst(%dma_wait3A_65 : memref<128x128xf32, #tpu.memory_space<vmem>>)
        %run_scoped3A = arith.constant 0 : i32
        "tpu.region"() ({
          %run_scoped3A_90 = tpu.sem_alloc : memref<!tpu.dma_semaphore, #tpu.memory_space<semaphore_mem>>
          %dma_start3A_91 = arith.constant 0 : i32
          %dma_start3A_92 = arith.constant 0 : i32
          %dma_start3A_93 = tpu.memref_slice %arg9[%run_scoped3A, %dma_start3A_91, %dma_start3A_92] : memref<2x128x128xf32, #tpu.memory_space<vmem>> -> memref<1x128x128xf32, #tpu.memory_space<vmem>>
          %dma_start3A_94 = tpu.memref_squeeze %dma_start3A_93 : memref<1x128x128xf32, #tpu.memory_space<vmem>> -> memref<128x128xf32, #tpu.memory_space<vmem>>
          %dma_start3A_95 = arith.constant 0 : i32
          %dma_start3A_96 = tpu.memref_slice %arg8[%mul3A_48, %dma_start3A_95] : memref<8x128xi32, #tpu.memory_space<vmem>> -> memref<1x128xi32, #tpu.memory_space<vmem>>
          %dma_start3A_97 = tpu.memref_squeeze %dma_start3A_96 : memref<1x128xi32, #tpu.memory_space<vmem>> -> memref<128xi32, #tpu.memory_space<vmem>>
          %dma_start3A_98 = arith.constant 0 : i32
          %dma_start3A_99 = arith.constant 0 : i32
          %dma_start3A_100 = tpu.memref_slice %arg10[%dma_start3A_98, %dma_start3A_99] : memref<10112x128xf32, #tpu.memory_space<vmem_shared>> -> memref<10112x128xf32, #tpu.memory_space<vmem_shared>>
          tpu.enqueue_indirect_dma source(%dma_start3A_94 : memref<128x128xf32, #tpu.memory_space<vmem>>) target(%dma_start3A_100 : memref<10112x128xf32, #tpu.memory_space<vmem_shared>>) offsets(%dma_start3A_97 : memref<128xi32, #tpu.memory_space<vmem>>) semaphore(%run_scoped3A_90 : memref<!tpu.dma_semaphore, #tpu.memory_space<semaphore_mem>>) {add = true}
          %dma_wait3A_101 = arith.constant 0 : i32
          %dma_wait3A_102 = arith.constant 0 : i32
          %dma_wait3A_103 = tpu.memref_slice %arg9[%run_scoped3A, %dma_wait3A_101, %dma_wait3A_102] : memref<2x128x128xf32, #tpu.memory_space<vmem>> -> memref<1x128x128xf32, #tpu.memory_space<vmem>>
          %dma_wait3A_104 = tpu.memref_squeeze %dma_wait3A_103 : memref<1x128x128xf32, #tpu.memory_space<vmem>> -> memref<128x128xf32, #tpu.memory_space<vmem>>
          %dma_wait3A_105 = arith.constant 0 : i32
          %dma_wait3A_106 = tpu.memref_slice %arg8[%mul3A_48, %dma_wait3A_105] : memref<8x128xi32, #tpu.memory_space<vmem>> -> memref<1x128xi32, #tpu.memory_space<vmem>>
          %dma_wait3A_107 = tpu.memref_squeeze %dma_wait3A_106 : memref<1x128xi32, #tpu.memory_space<vmem>> -> memref<128xi32, #tpu.memory_space<vmem>>
          %dma_wait3A_108 = arith.constant 0 : i32
          %dma_wait3A_109 = arith.constant 0 : i32
          %dma_wait3A_110 = tpu.memref_slice %arg10[%dma_wait3A_108, %dma_wait3A_109] : memref<10112x128xf32, #tpu.memory_space<vmem_shared>> -> memref<10112x128xf32, #tpu.memory_space<vmem_shared>>
          tpu.wait_indirect_dma semaphore(%run_scoped3A_90 : memref<!tpu.dma_semaphore, #tpu.memory_space<semaphore_mem>>) src(%dma_wait3A_104 : memref<128x128xf32, #tpu.memory_space<vmem>>) dst(%dma_wait3A_110 : memref<10112x128xf32, #tpu.memory_space<vmem_shared>>)
          tpu.yield
        }) : () -> ()
        %add3A_72 = arith.constant 2 : i32
        %add3A_73 = arith.addi %mul3A_48, %add3A_72 : i32
        %lt3A = arith.constant 8 : i32
        %lt3A_74 = arith.cmpi slt, %add3A_73, %lt3A : i32
        %convert_element_type3A = arith.extui %lt3A_74 : i1 to i32
        %cond3A = arith.constant 0 : i32
        %cond3A_75 = arith.cmpi ne, %convert_element_type3A, %cond3A : i32
        scf.if %cond3A_75 {
          %add3A_90 = arith.constant 2 : i32
          %add3A_91 = arith.addi %mul3A_48, %add3A_90 : i32
          %dma_start3A_92 = arith.constant 0 : i32
          %dma_start3A_93 = arith.constant 0 : i32
          %dma_start3A_94 = arith.constant 0 : i32
          %dma_start3A_95 = tpu.memref_slice %arg9[%dma_start3A_92, %dma_start3A_93, %dma_start3A_94] : memref<2x128x128xf32, #tpu.memory_space<vmem>> -> memref<1x128x128xf32, #tpu.memory_space<vmem>>
          %dma_start3A_96 = tpu.memref_squeeze %dma_start3A_95 : memref<1x128x128xf32, #tpu.memory_space<vmem>> -> memref<128x128xf32, #tpu.memory_space<vmem>>
          %dma_start3A_97 = arith.constant 0 : i32
          %dma_start3A_98 = tpu.memref_slice %arg7[%add3A_91, %dma_start3A_97] : memref<8x128xi32, #tpu.memory_space<vmem>> -> memref<1x128xi32, #tpu.memory_space<vmem>>
          %dma_start3A_99 = tpu.memref_squeeze %dma_start3A_98 : memref<1x128xi32, #tpu.memory_space<vmem>> -> memref<128xi32, #tpu.memory_space<vmem>>
          %dma_start3A_100 = arith.constant 0 : i32
          %dma_start3A_101 = arith.constant 0 : i32
          %dma_start3A_102 = tpu.memref_slice %arg2[%dma_start3A_100, %dma_start3A_101] : memref<10000x128xf32, #tpu.memory_space<hbm>> -> memref<10000x128xf32, #tpu.memory_space<hbm>>
          tpu.enqueue_indirect_dma source(%dma_start3A_102 : memref<10000x128xf32, #tpu.memory_space<hbm>>) target(%dma_start3A_96 : memref<128x128xf32, #tpu.memory_space<vmem>>) offsets(%dma_start3A_99 : memref<128xi32, #tpu.memory_space<vmem>>) semaphore(%arg11 : memref<!tpu.dma_semaphore, #tpu.memory_space<semaphore_mem>>)
        } else {
        }
        %add3A_76 = arith.constant 1 : i32
        %add3A_77 = arith.addi %mul3A_48, %add3A_76 : i32
        %dma_wait3A_78 = arith.constant 1 : i32
        %dma_wait3A_79 = arith.constant 0 : i32
        %dma_wait3A_80 = arith.constant 0 : i32
        %dma_wait3A_81 = tpu.memref_slice %arg9[%dma_wait3A_78, %dma_wait3A_79, %dma_wait3A_80] : memref<2x128x128xf32, #tpu.memory_space<vmem>> -> memref<1x128x128xf32, #tpu.memory_space<vmem>>
        %dma_wait3A_82 = tpu.memref_squeeze %dma_wait3A_81 : memref<1x128x128xf32, #tpu.memory_space<vmem>> -> memref<128x128xf32, #tpu.memory_space<vmem>>
        %dma_wait3A_83 = arith.constant 0 : i32
        %dma_wait3A_84 = tpu.memref_slice %arg7[%add3A_77, %dma_wait3A_83] : memref<8x128xi32, #tpu.memory_space<vmem>> -> memref<1x128xi32, #tpu.memory_space<vmem>>
        %dma_wait3A_85 = tpu.memref_squeeze %dma_wait3A_84 : memref<1x128xi32, #tpu.memory_space<vmem>> -> memref<128xi32, #tpu.memory_space<vmem>>
        %dma_wait3A_86 = arith.constant 0 : i32
        %dma_wait3A_87 = arith.constant 0 : i32
        %dma_wait3A_88 = tpu.memref_slice %arg2[%dma_wait3A_86, %dma_wait3A_87] : memref<10000x128xf32, #tpu.memory_space<hbm>> -> memref<10000x128xf32, #tpu.memory_space<hbm>>
        tpu.wait_indirect_dma semaphore(%arg12 : memref<!tpu.dma_semaphore, #tpu.memory_space<semaphore_mem>>) src(%dma_wait3A_88 : memref<10000x128xf32, #tpu.memory_space<hbm>>) dst(%dma_wait3A_82 : memref<128x128xf32, #tpu.memory_space<vmem>>)
        %run_scoped3A_89 = arith.constant 1 : i32
        "tpu.region"() ({
          %run_scoped3A_90 = tpu.sem_alloc : memref<!tpu.dma_semaphore, #tpu.memory_space<semaphore_mem>>
          %dma_start3A_91 = arith.constant 0 : i32
          %dma_start3A_92 = arith.constant 0 : i32
          %dma_start3A_93 = tpu.memref_slice %arg9[%run_scoped3A_89, %dma_start3A_91, %dma_start3A_92] : memref<2x128x128xf32, #tpu.memory_space<vmem>> -> memref<1x128x128xf32, #tpu.memory_space<vmem>>
          %dma_start3A_94 = tpu.memref_squeeze %dma_start3A_93 : memref<1x128x128xf32, #tpu.memory_space<vmem>> -> memref<128x128xf32, #tpu.memory_space<vmem>>
          %dma_start3A_95 = arith.constant 0 : i32
          %dma_start3A_96 = tpu.memref_slice %arg8[%add3A_77, %dma_start3A_95] : memref<8x128xi32, #tpu.memory_space<vmem>> -> memref<1x128xi32, #tpu.memory_space<vmem>>
          %dma_start3A_97 = tpu.memref_squeeze %dma_start3A_96 : memref<1x128xi32, #tpu.memory_space<vmem>> -> memref<128xi32, #tpu.memory_space<vmem>>
          %dma_start3A_98 = arith.constant 0 : i32
          %dma_start3A_99 = arith.constant 0 : i32
          %dma_start3A_100 = tpu.memref_slice %arg10[%dma_start3A_98, %dma_start3A_99] : memref<10112x128xf32, #tpu.memory_space<vmem_shared>> -> memref<10112x128xf32, #tpu.memory_space<vmem_shared>>
          tpu.enqueue_indirect_dma source(%dma_start3A_94 : memref<128x128xf32, #tpu.memory_space<vmem>>) target(%dma_start3A_100 : memref<10112x128xf32, #tpu.memory_space<vmem_shared>>) offsets(%dma_start3A_97 : memref<128xi32, #tpu.memory_space<vmem>>) semaphore(%run_scoped3A_90 : memref<!tpu.dma_semaphore, #tpu.memory_space<semaphore_mem>>) {add = true}
          %dma_wait3A_101 = arith.constant 0 : i32
          %dma_wait3A_102 = arith.constant 0 : i32
          %dma_wait3A_103 = tpu.memref_slice %arg9[%run_scoped3A_89, %dma_wait3A_101, %dma_wait3A_102] : memref<2x128x128xf32, #tpu.memory_space<vmem>> -> memref<1x128x128xf32, #tpu.memory_space<vmem>>
          %dma_wait3A_104 = tpu.memref_squeeze %dma_wait3A_103 : memref<1x128x128xf32, #tpu.memory_space<vmem>> -> memref<128x128xf32, #tpu.memory_space<vmem>>
          %dma_wait3A_105 = arith.constant 0 : i32
          %dma_wait3A_106 = tpu.memref_slice %arg8[%add3A_77, %dma_wait3A_105] : memref<8x128xi32, #tpu.memory_space<vmem>> -> memref<1x128xi32, #tpu.memory_space<vmem>>
          %dma_wait3A_107 = tpu.memref_squeeze %dma_wait3A_106 : memref<1x128xi32, #tpu.memory_space<vmem>> -> memref<128xi32, #tpu.memory_space<vmem>>
          %dma_wait3A_108 = arith.constant 0 : i32
          %dma_wait3A_109 = arith.constant 0 : i32
          %dma_wait3A_110 = tpu.memref_slice %arg10[%dma_wait3A_108, %dma_wait3A_109] : memref<10112x128xf32, #tpu.memory_space<vmem_shared>> -> memref<10112x128xf32, #tpu.memory_space<vmem_shared>>
          tpu.wait_indirect_dma semaphore(%run_scoped3A_90 : memref<!tpu.dma_semaphore, #tpu.memory_space<semaphore_mem>>) src(%dma_wait3A_104 : memref<128x128xf32, #tpu.memory_space<vmem>>) dst(%dma_wait3A_110 : memref<10112x128xf32, #tpu.memory_space<vmem_shared>>)
          tpu.yield
        }) : () -> ()
      }
      %scan3A_45 = arith.constant 4 : i32
    }
    %barrier3A_21 = arith.constant 0 : index
    tpu.barrier barrier_id(%barrier3A_21)
    %mul3A_22 = arith.constant 632 : i32
    %mul3A_23 = arith.muli %arg1, %mul3A_22 : i32
    %mul3A_24 = arith.constant 632 : i32
    %mul3A_25 = arith.muli %arg1, %mul3A_24 : i32
    "tpu.region"() ({
      %run_scoped3A = tpu.sem_alloc : memref<!tpu.dma_semaphore, #tpu.memory_space<semaphore_mem>>
      %dma_start3A = arith.constant 0 : i32
      %dma_start3A_26 = tpu.memref_slice %arg6[%arg0, %mul3A_25, %dma_start3A] : memref<2x10112x128xf32, #tpu.memory_space<hbm>> -> memref<1x632x128xf32, #tpu.memory_space<hbm>>
      %dma_start3A_27 = tpu.memref_squeeze %dma_start3A_26 : memref<1x632x128xf32, #tpu.memory_space<hbm>> -> memref<632x128xf32, #tpu.memory_space<hbm>>
      %dma_start3A_28 = arith.constant 0 : i32
      %dma_start3A_29 = tpu.memref_slice %arg10[%mul3A_23, %dma_start3A_28] : memref<10112x128xf32, #tpu.memory_space<vmem_shared>> -> memref<632x128xf32, #tpu.memory_space<vmem_shared>>
      tpu.enqueue_dma source(%dma_start3A_29 : memref<632x128xf32, #tpu.memory_space<vmem_shared>>) target(%dma_start3A_27 : memref<632x128xf32, #tpu.memory_space<hbm>>) target_semaphore(%run_scoped3A : memref<!tpu.dma_semaphore, #tpu.memory_space<semaphore_mem>>)
      %dma_wait3A = arith.constant 0 : i32
      %dma_wait3A_30 = tpu.memref_slice %arg6[%arg0, %mul3A_25, %dma_wait3A] : memref<2x10112x128xf32, #tpu.memory_space<hbm>> -> memref<1x632x128xf32, #tpu.memory_space<hbm>>
      %dma_wait3A_31 = tpu.memref_squeeze %dma_wait3A_30 : memref<1x632x128xf32, #tpu.memory_space<hbm>> -> memref<632x128xf32, #tpu.memory_space<hbm>>
      %dma_wait3A_32 = arith.constant 0 : i32
      %dma_wait3A_33 = tpu.memref_slice %arg10[%mul3A_23, %dma_wait3A_32] : memref<10112x128xf32, #tpu.memory_space<vmem_shared>> -> memref<632x128xf32, #tpu.memory_space<vmem_shared>>
      tpu.wait_dma2 semaphore(%run_scoped3A : memref<!tpu.dma_semaphore, #tpu.memory_space<semaphore_mem>>) src(%dma_wait3A_33 : memref<632x128xf32, #tpu.memory_space<vmem_shared>>) dst(%dma_wait3A_31 : memref<632x128xf32, #tpu.memory_space<hbm>>)
      tpu.yield
    }) : () -> ()
    return
  }
}

#map = affine_map<(d0, d1) -> (0, 0, 0)>
#map1 = affine_map<(d0, d1) -> (0, 0)>
module attributes {stable_mosaic.version = 14 : i64} {
  func.func @_sc_deg_body(%arg0: i32, %arg1: i32, %arg2: memref<32x80x128xi32, #tpu.memory_space<hbm>>, %arg3: memref<632x128xf32, #tpu.memory_space<hbm>>, %arg4: memref<128x128xf32, #tpu.memory_space<hbm>>, %arg5: memref<2x10112x128xf32, #tpu.memory_space<hbm>>, %arg6: memref<16x128xi32, #tpu.memory_space<vmem>>, %arg7: memref<128x128xf32, #tpu.memory_space<vmem>>, %arg8: memref<10112x128xf32, #tpu.memory_space<vmem_shared>>) attributes {dimension_semantics = [#tpu.dimension_semantics<core_parallel>, #tpu.dimension_semantics<subcore_parallel>], iteration_bounds = array<i64: 2, 16>, scalar_prefetch = 0 : i64, scratch_operands = 3 : i64, tpu.core_type = #tpu.core_type<sc_vector_subcore>, window_params = [{transform_indices = #map}, {transform_indices = #map1}, {transform_indices = #map1}, {transform_indices = #map}]} {
    %mul3A = arith.constant 16 : i32
    %mul3A_0 = arith.muli %arg0, %mul3A : i32
    %add3A = arith.addi %mul3A_0, %arg1 : i32
    %mul3A_1 = arith.constant 632 : i32
    %mul3A_2 = arith.muli %arg1, %mul3A_1 : i32
    "tpu.region"() ({
      %run_scoped3A = tpu.sem_alloc : memref<!tpu.dma_semaphore, #tpu.memory_space<semaphore_mem>>
      %dma_start3A = arith.constant 0 : i32
      %dma_start3A_13 = tpu.memref_slice %arg8[%mul3A_2, %dma_start3A] : memref<10112x128xf32, #tpu.memory_space<vmem_shared>> -> memref<632x128xf32, #tpu.memory_space<vmem_shared>>
      tpu.enqueue_dma source(%arg3 : memref<632x128xf32, #tpu.memory_space<hbm>>) target(%dma_start3A_13 : memref<632x128xf32, #tpu.memory_space<vmem_shared>>) target_semaphore(%run_scoped3A : memref<!tpu.dma_semaphore, #tpu.memory_space<semaphore_mem>>)
      %dma_wait3A = arith.constant 0 : i32
      %dma_wait3A_14 = tpu.memref_slice %arg8[%mul3A_2, %dma_wait3A] : memref<10112x128xf32, #tpu.memory_space<vmem_shared>> -> memref<632x128xf32, #tpu.memory_space<vmem_shared>>
      tpu.wait_dma2 semaphore(%run_scoped3A : memref<!tpu.dma_semaphore, #tpu.memory_space<semaphore_mem>>) src(%arg3 : memref<632x128xf32, #tpu.memory_space<hbm>>) dst(%dma_wait3A_14 : memref<632x128xf32, #tpu.memory_space<vmem_shared>>)
      tpu.yield
    }) : () -> ()
    "tpu.region"() ({
      %run_scoped3A = tpu.sem_alloc : memref<!tpu.dma_semaphore, #tpu.memory_space<semaphore_mem>>
      tpu.enqueue_dma source(%arg4 : memref<128x128xf32, #tpu.memory_space<hbm>>) target(%arg7 : memref<128x128xf32, #tpu.memory_space<vmem>>) target_semaphore(%run_scoped3A : memref<!tpu.dma_semaphore, #tpu.memory_space<semaphore_mem>>)
      tpu.wait_dma2 semaphore(%run_scoped3A : memref<!tpu.dma_semaphore, #tpu.memory_space<semaphore_mem>>) src(%arg4 : memref<128x128xf32, #tpu.memory_space<hbm>>) dst(%arg7 : memref<128x128xf32, #tpu.memory_space<vmem>>)
      tpu.yield
    }) : () -> ()
    %barrier3A = arith.constant 0 : index
    tpu.barrier barrier_id(%barrier3A)
    %scan3A = arith.constant 0 : i32
    %scan3A_3 = arith.constant 0 : i32
    %scan3A_4 = arith.constant 5 : i32
    %scan3A_5 = arith.addi %scan3A_3, %scan3A_4 : i32
    %scan3A_6 = arith.constant 1 : i32
    scf.for %scan3A_13 = %scan3A_3 to %scan3A_5 step %scan3A_6  : i32 {
      %mul3A_14 = arith.constant 16 : i32
      %mul3A_15 = arith.muli %scan3A_13, %mul3A_14 : i32
      "tpu.region"() ({
        %run_scoped3A = tpu.sem_alloc : memref<!tpu.dma_semaphore, #tpu.memory_space<semaphore_mem>>
        %dma_start3A = arith.constant 0 : i32
        %dma_start3A_22 = tpu.memref_slice %arg2[%add3A, %mul3A_15, %dma_start3A] : memref<32x80x128xi32, #tpu.memory_space<hbm>> -> memref<1x16x128xi32, #tpu.memory_space<hbm>>
        %dma_start3A_23 = tpu.memref_squeeze %dma_start3A_22 : memref<1x16x128xi32, #tpu.memory_space<hbm>> -> memref<16x128xi32, #tpu.memory_space<hbm>>
        %dma_start3A_24 = arith.constant 0 : i32
        %dma_start3A_25 = tpu.memref_slice %arg2[%add3A, %mul3A_15, %dma_start3A_24] : memref<32x80x128xi32, #tpu.memory_space<hbm>> -> memref<1x16x128xi32, #tpu.memory_space<hbm>>
        %dma_start3A_26 = tpu.memref_squeeze %dma_start3A_25 : memref<1x16x128xi32, #tpu.memory_space<hbm>> -> memref<16x128xi32, #tpu.memory_space<hbm>>
        tpu.enqueue_dma source(%dma_start3A_26 : memref<16x128xi32, #tpu.memory_space<hbm>>) target(%arg6 : memref<16x128xi32, #tpu.memory_space<vmem>>) target_semaphore(%run_scoped3A : memref<!tpu.dma_semaphore, #tpu.memory_space<semaphore_mem>>)
        %dma_wait3A = arith.constant 0 : i32
        %dma_wait3A_27 = tpu.memref_slice %arg2[%add3A, %mul3A_15, %dma_wait3A] : memref<32x80x128xi32, #tpu.memory_space<hbm>> -> memref<1x16x128xi32, #tpu.memory_space<hbm>>
        %dma_wait3A_28 = tpu.memref_squeeze %dma_wait3A_27 : memref<1x16x128xi32, #tpu.memory_space<hbm>> -> memref<16x128xi32, #tpu.memory_space<hbm>>
        %dma_wait3A_29 = arith.constant 0 : i32
        %dma_wait3A_30 = tpu.memref_slice %arg2[%add3A, %mul3A_15, %dma_wait3A_29] : memref<32x80x128xi32, #tpu.memory_space<hbm>> -> memref<1x16x128xi32, #tpu.memory_space<hbm>>
        %dma_wait3A_31 = tpu.memref_squeeze %dma_wait3A_30 : memref<1x16x128xi32, #tpu.memory_space<hbm>> -> memref<16x128xi32, #tpu.memory_space<hbm>>
        tpu.wait_dma2 semaphore(%run_scoped3A : memref<!tpu.dma_semaphore, #tpu.memory_space<semaphore_mem>>) src(%dma_wait3A_31 : memref<16x128xi32, #tpu.memory_space<hbm>>) dst(%arg6 : memref<16x128xi32, #tpu.memory_space<vmem>>)
        tpu.yield
      }) : () -> ()
      %scan3A_16 = arith.constant 0 : i32
      %scan3A_17 = arith.constant 0 : i32
      %scan3A_18 = arith.constant 16 : i32
      %scan3A_19 = arith.addi %scan3A_17, %scan3A_18 : i32
      %scan3A_20 = arith.constant 1 : i32
      scf.for %scan3A_22 = %scan3A_17 to %scan3A_19 step %scan3A_20  : i32 {
        "tpu.region"() ({
          %run_scoped3A = tpu.sem_alloc : memref<!tpu.dma_semaphore, #tpu.memory_space<semaphore_mem>>
          %dma_start3A = arith.constant 0 : i32
          %dma_start3A_23 = tpu.memref_slice %arg6[%scan3A_22, %dma_start3A] : memref<16x128xi32, #tpu.memory_space<vmem>> -> memref<1x128xi32, #tpu.memory_space<vmem>>
          %dma_start3A_24 = tpu.memref_squeeze %dma_start3A_23 : memref<1x128xi32, #tpu.memory_space<vmem>> -> memref<128xi32, #tpu.memory_space<vmem>>
          %dma_start3A_25 = arith.constant 0 : i32
          %dma_start3A_26 = arith.constant 0 : i32
          %dma_start3A_27 = tpu.memref_slice %arg8[%dma_start3A_25, %dma_start3A_26] : memref<10112x128xf32, #tpu.memory_space<vmem_shared>> -> memref<10112x128xf32, #tpu.memory_space<vmem_shared>>
          tpu.enqueue_indirect_dma source(%arg7 : memref<128x128xf32, #tpu.memory_space<vmem>>) target(%dma_start3A_27 : memref<10112x128xf32, #tpu.memory_space<vmem_shared>>) offsets(%dma_start3A_24 : memref<128xi32, #tpu.memory_space<vmem>>) semaphore(%run_scoped3A : memref<!tpu.dma_semaphore, #tpu.memory_space<semaphore_mem>>) {add = true}
          %dma_wait3A = arith.constant 0 : i32
          %dma_wait3A_28 = tpu.memref_slice %arg6[%scan3A_22, %dma_wait3A] : memref<16x128xi32, #tpu.memory_space<vmem>> -> memref<1x128xi32, #tpu.memory_space<vmem>>
          %dma_wait3A_29 = tpu.memref_squeeze %dma_wait3A_28 : memref<1x128xi32, #tpu.memory_space<vmem>> -> memref<128xi32, #tpu.memory_space<vmem>>
          %dma_wait3A_30 = arith.constant 0 : i32
          %dma_wait3A_31 = arith.constant 0 : i32
          %dma_wait3A_32 = tpu.memref_slice %arg8[%dma_wait3A_30, %dma_wait3A_31] : memref<10112x128xf32, #tpu.memory_space<vmem_shared>> -> memref<10112x128xf32, #tpu.memory_space<vmem_shared>>
          tpu.wait_indirect_dma semaphore(%run_scoped3A : memref<!tpu.dma_semaphore, #tpu.memory_space<semaphore_mem>>) src(%arg7 : memref<128x128xf32, #tpu.memory_space<vmem>>) dst(%dma_wait3A_32 : memref<10112x128xf32, #tpu.memory_space<vmem_shared>>)
          tpu.yield
        }) : () -> ()
      }
      %scan3A_21 = arith.constant 16 : i32
    }
    %scan3A_7 = arith.constant 5 : i32
    %barrier3A_8 = arith.constant 0 : index
    tpu.barrier barrier_id(%barrier3A_8)
    %mul3A_9 = arith.constant 632 : i32
    %mul3A_10 = arith.muli %arg1, %mul3A_9 : i32
    %mul3A_11 = arith.constant 632 : i32
    %mul3A_12 = arith.muli %arg1, %mul3A_11 : i32
    "tpu.region"() ({
      %run_scoped3A = tpu.sem_alloc : memref<!tpu.dma_semaphore, #tpu.memory_space<semaphore_mem>>
      %dma_start3A = arith.constant 0 : i32
      %dma_start3A_13 = tpu.memref_slice %arg5[%arg0, %mul3A_12, %dma_start3A] : memref<2x10112x128xf32, #tpu.memory_space<hbm>> -> memref<1x632x128xf32, #tpu.memory_space<hbm>>
      %dma_start3A_14 = tpu.memref_squeeze %dma_start3A_13 : memref<1x632x128xf32, #tpu.memory_space<hbm>> -> memref<632x128xf32, #tpu.memory_space<hbm>>
      %dma_start3A_15 = arith.constant 0 : i32
      %dma_start3A_16 = tpu.memref_slice %arg8[%mul3A_10, %dma_start3A_15] : memref<10112x128xf32, #tpu.memory_space<vmem_shared>> -> memref<632x128xf32, #tpu.memory_space<vmem_shared>>
      tpu.enqueue_dma source(%dma_start3A_16 : memref<632x128xf32, #tpu.memory_space<vmem_shared>>) target(%dma_start3A_14 : memref<632x128xf32, #tpu.memory_space<hbm>>) target_semaphore(%run_scoped3A : memref<!tpu.dma_semaphore, #tpu.memory_space<semaphore_mem>>)
      %dma_wait3A = arith.constant 0 : i32
      %dma_wait3A_17 = tpu.memref_slice %arg5[%arg0, %mul3A_12, %dma_wait3A] : memref<2x10112x128xf32, #tpu.memory_space<hbm>> -> memref<1x632x128xf32, #tpu.memory_space<hbm>>
      %dma_wait3A_18 = tpu.memref_squeeze %dma_wait3A_17 : memref<1x632x128xf32, #tpu.memory_space<hbm>> -> memref<632x128xf32, #tpu.memory_space<hbm>>
      %dma_wait3A_19 = arith.constant 0 : i32
      %dma_wait3A_20 = tpu.memref_slice %arg8[%mul3A_10, %dma_wait3A_19] : memref<10112x128xf32, #tpu.memory_space<vmem_shared>> -> memref<632x128xf32, #tpu.memory_space<vmem_shared>>
      tpu.wait_dma2 semaphore(%run_scoped3A : memref<!tpu.dma_semaphore, #tpu.memory_space<semaphore_mem>>) src(%dma_wait3A_20 : memref<632x128xf32, #tpu.memory_space<vmem_shared>>) dst(%dma_wait3A_18 : memref<632x128xf32, #tpu.memory_space<hbm>>)
      tpu.yield
    }) : () -> ()
    return
  }
}

#map = affine_map<(d0, d1) -> (0, 0)>
#map1 = affine_map<(d0, d1) -> (0, 0, 0)>
module attributes {stable_mosaic.version = 14 : i64} {
  func.func @_sc_agg_body(%arg0: i32, %arg1: i32, %arg2: memref<10000x128xf32, #tpu.memory_space<hbm>>, %arg3: memref<2560x128xi32, #tpu.memory_space<hbm>>, %arg4: memref<2560x128xi32, #tpu.memory_space<hbm>>, %arg5: memref<632x128xf32, #tpu.memory_space<hbm>>, %arg6: memref<2x10112x128xf32, #tpu.memory_space<hbm>>, %arg7: memref<8x128xi32, #tpu.memory_space<vmem>>, %arg8: memref<8x128xi32, #tpu.memory_space<vmem>>, %arg9: memref<2x128x128xf32, #tpu.memory_space<vmem>>, %arg10: memref<10112x128xf32, #tpu.memory_space<vmem_shared>>, %arg11: memref<!tpu.dma_semaphore, #tpu.memory_space<semaphore_mem>>, %arg12: memref<!tpu.dma_semaphore, #tpu.memory_space<semaphore_mem>>) attributes {dimension_semantics = [#tpu.dimension_semantics<core_parallel>, #tpu.dimension_semantics<subcore_parallel>], iteration_bounds = array<i64: 2, 16>, scalar_prefetch = 0 : i64, scratch_operands = 6 : i64, tpu.core_type = #tpu.core_type<sc_vector_subcore>, window_params = [{transform_indices = #map}, {transform_indices = #map}, {transform_indices = #map}, {transform_indices = #map}, {transform_indices = #map1}]} {
    %mul3A = arith.constant 632 : i32
    %mul3A_0 = arith.muli %arg1, %mul3A : i32
    "tpu.region"() ({
      %run_scoped3A = tpu.sem_alloc : memref<!tpu.dma_semaphore, #tpu.memory_space<semaphore_mem>>
      %dma_start3A = arith.constant 0 : i32
      %dma_start3A_26 = tpu.memref_slice %arg10[%mul3A_0, %dma_start3A] : memref<10112x128xf32, #tpu.memory_space<vmem_shared>> -> memref<632x128xf32, #tpu.memory_space<vmem_shared>>
      tpu.enqueue_dma source(%arg5 : memref<632x128xf32, #tpu.memory_space<hbm>>) target(%dma_start3A_26 : memref<632x128xf32, #tpu.memory_space<vmem_shared>>) target_semaphore(%run_scoped3A : memref<!tpu.dma_semaphore, #tpu.memory_space<semaphore_mem>>)
      %dma_wait3A = arith.constant 0 : i32
      %dma_wait3A_27 = tpu.memref_slice %arg10[%mul3A_0, %dma_wait3A] : memref<10112x128xf32, #tpu.memory_space<vmem_shared>> -> memref<632x128xf32, #tpu.memory_space<vmem_shared>>
      tpu.wait_dma2 semaphore(%run_scoped3A : memref<!tpu.dma_semaphore, #tpu.memory_space<semaphore_mem>>) src(%arg5 : memref<632x128xf32, #tpu.memory_space<hbm>>) dst(%dma_wait3A_27 : memref<632x128xf32, #tpu.memory_space<vmem_shared>>)
      tpu.yield
    }) : () -> ()
    %barrier3A = arith.constant 0 : index
    tpu.barrier barrier_id(%barrier3A)
    %mul3A_1 = arith.constant 136 : i32
    %mul3A_2 = arith.muli %mul3A_1, %arg1 : i32
    %mul3A_3 = arith.constant -112 : i32
    %mul3A_4 = arith.muli %mul3A_3, %arg1 : i32
    %add3A = arith.constant 2176 : i32
    %add3A_5 = arith.addi %add3A, %mul3A_4 : i32
    %mul3A_6 = arith.muli %arg0, %add3A_5 : i32
    %add3A_7 = arith.addi %mul3A_2, %mul3A_6 : i32
    %mul3A_8 = arith.constant -14 : i32
    %mul3A_9 = arith.muli %arg0, %mul3A_8 : i32
    %add3A_10 = arith.constant 17 : i32
    %add3A_11 = arith.addi %add3A_10, %mul3A_9 : i32
    %while3A = arith.constant 0 : i32
    %while3A_12 = arith.constant 0 : i32
    %while3A_13 = arith.subi %add3A_11, %while3A_12 : i32
    %while3A_14 = arith.addi %while3A_12, %while3A_13 : i32
    %while3A_15 = arith.constant 1 : i32
    %while3A_16 = arith.divsi %while3A_13, %while3A_15 : i32
    %while3A_17 = arith.muli %while3A_16, %while3A_15 : i32
    %while3A_18 = arith.addi %while3A_12, %while3A_17 : i32
    %while3A_19 = arith.constant 1 : i32
    scf.for %while3A_26 = %while3A_12 to %while3A_18 step %while3A_19  : i32 {
      %mul3A_27 = arith.constant 8 : i32
      %mul3A_28 = arith.muli %while3A_26, %mul3A_27 : i32
      %add3A_29 = arith.addi %add3A_7, %mul3A_28 : i32
      %multiple_of3A = tpu.assume_multiple %add3A_29, 8 : i32
      "tpu.region"() ({
        %run_scoped3A = tpu.sem_alloc : memref<!tpu.dma_semaphore, #tpu.memory_space<semaphore_mem>>
        %dma_start3A_46 = arith.constant 0 : i32
        %dma_start3A_47 = tpu.memref_slice %arg3[%multiple_of3A, %dma_start3A_46] : memref<2560x128xi32, #tpu.memory_space<hbm>> -> memref<8x128xi32, #tpu.memory_space<hbm>>
        %dma_start3A_48 = arith.constant 0 : i32
        %dma_start3A_49 = tpu.memref_slice %arg3[%multiple_of3A, %dma_start3A_48] : memref<2560x128xi32, #tpu.memory_space<hbm>> -> memref<8x128xi32, #tpu.memory_space<hbm>>
        tpu.enqueue_dma source(%dma_start3A_49 : memref<8x128xi32, #tpu.memory_space<hbm>>) target(%arg7 : memref<8x128xi32, #tpu.memory_space<vmem>>) target_semaphore(%run_scoped3A : memref<!tpu.dma_semaphore, #tpu.memory_space<semaphore_mem>>)
        %dma_wait3A = arith.constant 0 : i32
        %dma_wait3A_50 = tpu.memref_slice %arg3[%multiple_of3A, %dma_wait3A] : memref<2560x128xi32, #tpu.memory_space<hbm>> -> memref<8x128xi32, #tpu.memory_space<hbm>>
        %dma_wait3A_51 = arith.constant 0 : i32
        %dma_wait3A_52 = tpu.memref_slice %arg3[%multiple_of3A, %dma_wait3A_51] : memref<2560x128xi32, #tpu.memory_space<hbm>> -> memref<8x128xi32, #tpu.memory_space<hbm>>
        tpu.wait_dma2 semaphore(%run_scoped3A : memref<!tpu.dma_semaphore, #tpu.memory_space<semaphore_mem>>) src(%dma_wait3A_52 : memref<8x128xi32, #tpu.memory_space<hbm>>) dst(%arg7 : memref<8x128xi32, #tpu.memory_space<vmem>>)
        tpu.yield
      }) : () -> ()
      "tpu.region"() ({
        %run_scoped3A = tpu.sem_alloc : memref<!tpu.dma_semaphore, #tpu.memory_space<semaphore_mem>>
        %dma_start3A_46 = arith.constant 0 : i32
        %dma_start3A_47 = tpu.memref_slice %arg4[%multiple_of3A, %dma_start3A_46] : memref<2560x128xi32, #tpu.memory_space<hbm>> -> memref<8x128xi32, #tpu.memory_space<hbm>>
        %dma_start3A_48 = arith.constant 0 : i32
        %dma_start3A_49 = tpu.memref_slice %arg4[%multiple_of3A, %dma_start3A_48] : memref<2560x128xi32, #tpu.memory_space<hbm>> -> memref<8x128xi32, #tpu.memory_space<hbm>>
        tpu.enqueue_dma source(%dma_start3A_49 : memref<8x128xi32, #tpu.memory_space<hbm>>) target(%arg8 : memref<8x128xi32, #tpu.memory_space<vmem>>) target_semaphore(%run_scoped3A : memref<!tpu.dma_semaphore, #tpu.memory_space<semaphore_mem>>)
        %dma_wait3A = arith.constant 0 : i32
        %dma_wait3A_50 = tpu.memref_slice %arg4[%multiple_of3A, %dma_wait3A] : memref<2560x128xi32, #tpu.memory_space<hbm>> -> memref<8x128xi32, #tpu.memory_space<hbm>>
        %dma_wait3A_51 = arith.constant 0 : i32
        %dma_wait3A_52 = tpu.memref_slice %arg4[%multiple_of3A, %dma_wait3A_51] : memref<2560x128xi32, #tpu.memory_space<hbm>> -> memref<8x128xi32, #tpu.memory_space<hbm>>
        tpu.wait_dma2 semaphore(%run_scoped3A : memref<!tpu.dma_semaphore, #tpu.memory_space<semaphore_mem>>) src(%dma_wait3A_52 : memref<8x128xi32, #tpu.memory_space<hbm>>) dst(%arg8 : memref<8x128xi32, #tpu.memory_space<vmem>>)
        tpu.yield
      }) : () -> ()
      %dma_start3A = arith.constant 0 : i32
      %dma_start3A_30 = arith.constant 0 : i32
      %dma_start3A_31 = arith.constant 0 : i32
      %dma_start3A_32 = arith.constant 0 : i32
      %dma_start3A_33 = tpu.memref_slice %arg9[%dma_start3A_30, %dma_start3A_31, %dma_start3A_32] : memref<2x128x128xf32, #tpu.memory_space<vmem>> -> memref<1x128x128xf32, #tpu.memory_space<vmem>>
      %dma_start3A_34 = tpu.memref_squeeze %dma_start3A_33 : memref<1x128x128xf32, #tpu.memory_space<vmem>> -> memref<128x128xf32, #tpu.memory_space<vmem>>
      %dma_start3A_35 = arith.constant 0 : i32
      %dma_start3A_36 = tpu.memref_slice %arg7[%dma_start3A, %dma_start3A_35] : memref<8x128xi32, #tpu.memory_space<vmem>> -> memref<1x128xi32, #tpu.memory_space<vmem>>
      %dma_start3A_37 = tpu.memref_squeeze %dma_start3A_36 : memref<1x128xi32, #tpu.memory_space<vmem>> -> memref<128xi32, #tpu.memory_space<vmem>>
      %dma_start3A_38 = arith.constant 0 : i32
      %dma_start3A_39 = arith.constant 0 : i32
      %dma_start3A_40 = tpu.memref_slice %arg2[%dma_start3A_38, %dma_start3A_39] : memref<10000x128xf32, #tpu.memory_space<hbm>> -> memref<10000x128xf32, #tpu.memory_space<hbm>>
      tpu.enqueue_indirect_dma source(%dma_start3A_40 : memref<10000x128xf32, #tpu.memory_space<hbm>>) target(%dma_start3A_34 : memref<128x128xf32, #tpu.memory_space<vmem>>) offsets(%dma_start3A_37 : memref<128xi32, #tpu.memory_space<vmem>>) semaphore(%arg11 : memref<!tpu.dma_semaphore, #tpu.memory_space<semaphore_mem>>)
      %scan3A = arith.constant 0 : i32
      %scan3A_41 = arith.constant 0 : i32
      %scan3A_42 = arith.constant 4 : i32
      %scan3A_43 = arith.addi %scan3A_41, %scan3A_42 : i32
      %scan3A_44 = arith.constant 1 : i32
      scf.for %scan3A_46 = %scan3A_41 to %scan3A_43 step %scan3A_44  : i32 {
        %mul3A_47 = arith.constant 2 : i32
        %mul3A_48 = arith.muli %mul3A_47, %scan3A_46 : i32
        %add3A_49 = arith.constant 1 : i32
        %add3A_50 = arith.addi %mul3A_48, %add3A_49 : i32
        %dma_start3A_51 = arith.constant 1 : i32
        %dma_start3A_52 = arith.constant 0 : i32
        %dma_start3A_53 = arith.constant 0 : i32
        %dma_start3A_54 = tpu.memref_slice %arg9[%dma_start3A_51, %dma_start3A_52, %dma_start3A_53] : memref<2x128x128xf32, #tpu.memory_space<vmem>> -> memref<1x128x128xf32, #tpu.memory_space<vmem>>
        %dma_start3A_55 = tpu.memref_squeeze %dma_start3A_54 : memref<1x128x128xf32, #tpu.memory_space<vmem>> -> memref<128x128xf32, #tpu.memory_space<vmem>>
        %dma_start3A_56 = arith.constant 0 : i32
        %dma_start3A_57 = tpu.memref_slice %arg7[%add3A_50, %dma_start3A_56] : memref<8x128xi32, #tpu.memory_space<vmem>> -> memref<1x128xi32, #tpu.memory_space<vmem>>
        %dma_start3A_58 = tpu.memref_squeeze %dma_start3A_57 : memref<1x128xi32, #tpu.memory_space<vmem>> -> memref<128xi32, #tpu.memory_space<vmem>>
        %dma_start3A_59 = arith.constant 0 : i32
        %dma_start3A_60 = arith.constant 0 : i32
        %dma_start3A_61 = tpu.memref_slice %arg2[%dma_start3A_59, %dma_start3A_60] : memref<10000x128xf32, #tpu.memory_space<hbm>> -> memref<10000x128xf32, #tpu.memory_space<hbm>>
        tpu.enqueue_indirect_dma source(%dma_start3A_61 : memref<10000x128xf32, #tpu.memory_space<hbm>>) target(%dma_start3A_55 : memref<128x128xf32, #tpu.memory_space<vmem>>) offsets(%dma_start3A_58 : memref<128xi32, #tpu.memory_space<vmem>>) semaphore(%arg12 : memref<!tpu.dma_semaphore, #tpu.memory_space<semaphore_mem>>)
        %dma_wait3A = arith.constant 0 : i32
        %dma_wait3A_62 = arith.constant 0 : i32
        %dma_wait3A_63 = arith.constant 0 : i32
        %dma_wait3A_64 = tpu.memref_slice %arg9[%dma_wait3A, %dma_wait3A_62, %dma_wait3A_63] : memref<2x128x128xf32, #tpu.memory_space<vmem>> -> memref<1x128x128xf32, #tpu.memory_space<vmem>>
        %dma_wait3A_65 = tpu.memref_squeeze %dma_wait3A_64 : memref<1x128x128xf32, #tpu.memory_space<vmem>> -> memref<128x128xf32, #tpu.memory_space<vmem>>
        %dma_wait3A_66 = arith.constant 0 : i32
        %dma_wait3A_67 = tpu.memref_slice %arg7[%mul3A_48, %dma_wait3A_66] : memref<8x128xi32, #tpu.memory_space<vmem>> -> memref<1x128xi32, #tpu.memory_space<vmem>>
        %dma_wait3A_68 = tpu.memref_squeeze %dma_wait3A_67 : memref<1x128xi32, #tpu.memory_space<vmem>> -> memref<128xi32, #tpu.memory_space<vmem>>
        %dma_wait3A_69 = arith.constant 0 : i32
        %dma_wait3A_70 = arith.constant 0 : i32
        %dma_wait3A_71 = tpu.memref_slice %arg2[%dma_wait3A_69, %dma_wait3A_70] : memref<10000x128xf32, #tpu.memory_space<hbm>> -> memref<10000x128xf32, #tpu.memory_space<hbm>>
        tpu.wait_indirect_dma semaphore(%arg11 : memref<!tpu.dma_semaphore, #tpu.memory_space<semaphore_mem>>) src(%dma_wait3A_71 : memref<10000x128xf32, #tpu.memory_space<hbm>>) dst(%dma_wait3A_65 : memref<128x128xf32, #tpu.memory_space<vmem>>)
        %run_scoped3A = arith.constant 0 : i32
        "tpu.region"() ({
          %run_scoped3A_90 = tpu.sem_alloc : memref<!tpu.dma_semaphore, #tpu.memory_space<semaphore_mem>>
          %dma_start3A_91 = arith.constant 0 : i32
          %dma_start3A_92 = arith.constant 0 : i32
          %dma_start3A_93 = tpu.memref_slice %arg9[%run_scoped3A, %dma_start3A_91, %dma_start3A_92] : memref<2x128x128xf32, #tpu.memory_space<vmem>> -> memref<1x128x128xf32, #tpu.memory_space<vmem>>
          %dma_start3A_94 = tpu.memref_squeeze %dma_start3A_93 : memref<1x128x128xf32, #tpu.memory_space<vmem>> -> memref<128x128xf32, #tpu.memory_space<vmem>>
          %dma_start3A_95 = arith.constant 0 : i32
          %dma_start3A_96 = tpu.memref_slice %arg8[%mul3A_48, %dma_start3A_95] : memref<8x128xi32, #tpu.memory_space<vmem>> -> memref<1x128xi32, #tpu.memory_space<vmem>>
          %dma_start3A_97 = tpu.memref_squeeze %dma_start3A_96 : memref<1x128xi32, #tpu.memory_space<vmem>> -> memref<128xi32, #tpu.memory_space<vmem>>
          %dma_start3A_98 = arith.constant 0 : i32
          %dma_start3A_99 = arith.constant 0 : i32
          %dma_start3A_100 = tpu.memref_slice %arg10[%dma_start3A_98, %dma_start3A_99] : memref<10112x128xf32, #tpu.memory_space<vmem_shared>> -> memref<10112x128xf32, #tpu.memory_space<vmem_shared>>
          tpu.enqueue_indirect_dma source(%dma_start3A_94 : memref<128x128xf32, #tpu.memory_space<vmem>>) target(%dma_start3A_100 : memref<10112x128xf32, #tpu.memory_space<vmem_shared>>) offsets(%dma_start3A_97 : memref<128xi32, #tpu.memory_space<vmem>>) semaphore(%run_scoped3A_90 : memref<!tpu.dma_semaphore, #tpu.memory_space<semaphore_mem>>) {add = true}
          %dma_wait3A_101 = arith.constant 0 : i32
          %dma_wait3A_102 = arith.constant 0 : i32
          %dma_wait3A_103 = tpu.memref_slice %arg9[%run_scoped3A, %dma_wait3A_101, %dma_wait3A_102] : memref<2x128x128xf32, #tpu.memory_space<vmem>> -> memref<1x128x128xf32, #tpu.memory_space<vmem>>
          %dma_wait3A_104 = tpu.memref_squeeze %dma_wait3A_103 : memref<1x128x128xf32, #tpu.memory_space<vmem>> -> memref<128x128xf32, #tpu.memory_space<vmem>>
          %dma_wait3A_105 = arith.constant 0 : i32
          %dma_wait3A_106 = tpu.memref_slice %arg8[%mul3A_48, %dma_wait3A_105] : memref<8x128xi32, #tpu.memory_space<vmem>> -> memref<1x128xi32, #tpu.memory_space<vmem>>
          %dma_wait3A_107 = tpu.memref_squeeze %dma_wait3A_106 : memref<1x128xi32, #tpu.memory_space<vmem>> -> memref<128xi32, #tpu.memory_space<vmem>>
          %dma_wait3A_108 = arith.constant 0 : i32
          %dma_wait3A_109 = arith.constant 0 : i32
          %dma_wait3A_110 = tpu.memref_slice %arg10[%dma_wait3A_108, %dma_wait3A_109] : memref<10112x128xf32, #tpu.memory_space<vmem_shared>> -> memref<10112x128xf32, #tpu.memory_space<vmem_shared>>
          tpu.wait_indirect_dma semaphore(%run_scoped3A_90 : memref<!tpu.dma_semaphore, #tpu.memory_space<semaphore_mem>>) src(%dma_wait3A_104 : memref<128x128xf32, #tpu.memory_space<vmem>>) dst(%dma_wait3A_110 : memref<10112x128xf32, #tpu.memory_space<vmem_shared>>)
          tpu.yield
        }) : () -> ()
        %add3A_72 = arith.constant 2 : i32
        %add3A_73 = arith.addi %mul3A_48, %add3A_72 : i32
        %lt3A = arith.constant 8 : i32
        %lt3A_74 = arith.cmpi slt, %add3A_73, %lt3A : i32
        %convert_element_type3A = arith.extui %lt3A_74 : i1 to i32
        %cond3A = arith.constant 0 : i32
        %cond3A_75 = arith.cmpi ne, %convert_element_type3A, %cond3A : i32
        scf.if %cond3A_75 {
          %add3A_90 = arith.constant 2 : i32
          %add3A_91 = arith.addi %mul3A_48, %add3A_90 : i32
          %dma_start3A_92 = arith.constant 0 : i32
          %dma_start3A_93 = arith.constant 0 : i32
          %dma_start3A_94 = arith.constant 0 : i32
          %dma_start3A_95 = tpu.memref_slice %arg9[%dma_start3A_92, %dma_start3A_93, %dma_start3A_94] : memref<2x128x128xf32, #tpu.memory_space<vmem>> -> memref<1x128x128xf32, #tpu.memory_space<vmem>>
          %dma_start3A_96 = tpu.memref_squeeze %dma_start3A_95 : memref<1x128x128xf32, #tpu.memory_space<vmem>> -> memref<128x128xf32, #tpu.memory_space<vmem>>
          %dma_start3A_97 = arith.constant 0 : i32
          %dma_start3A_98 = tpu.memref_slice %arg7[%add3A_91, %dma_start3A_97] : memref<8x128xi32, #tpu.memory_space<vmem>> -> memref<1x128xi32, #tpu.memory_space<vmem>>
          %dma_start3A_99 = tpu.memref_squeeze %dma_start3A_98 : memref<1x128xi32, #tpu.memory_space<vmem>> -> memref<128xi32, #tpu.memory_space<vmem>>
          %dma_start3A_100 = arith.constant 0 : i32
          %dma_start3A_101 = arith.constant 0 : i32
          %dma_start3A_102 = tpu.memref_slice %arg2[%dma_start3A_100, %dma_start3A_101] : memref<10000x128xf32, #tpu.memory_space<hbm>> -> memref<10000x128xf32, #tpu.memory_space<hbm>>
          tpu.enqueue_indirect_dma source(%dma_start3A_102 : memref<10000x128xf32, #tpu.memory_space<hbm>>) target(%dma_start3A_96 : memref<128x128xf32, #tpu.memory_space<vmem>>) offsets(%dma_start3A_99 : memref<128xi32, #tpu.memory_space<vmem>>) semaphore(%arg11 : memref<!tpu.dma_semaphore, #tpu.memory_space<semaphore_mem>>)
        } else {
        }
        %add3A_76 = arith.constant 1 : i32
        %add3A_77 = arith.addi %mul3A_48, %add3A_76 : i32
        %dma_wait3A_78 = arith.constant 1 : i32
        %dma_wait3A_79 = arith.constant 0 : i32
        %dma_wait3A_80 = arith.constant 0 : i32
        %dma_wait3A_81 = tpu.memref_slice %arg9[%dma_wait3A_78, %dma_wait3A_79, %dma_wait3A_80] : memref<2x128x128xf32, #tpu.memory_space<vmem>> -> memref<1x128x128xf32, #tpu.memory_space<vmem>>
        %dma_wait3A_82 = tpu.memref_squeeze %dma_wait3A_81 : memref<1x128x128xf32, #tpu.memory_space<vmem>> -> memref<128x128xf32, #tpu.memory_space<vmem>>
        %dma_wait3A_83 = arith.constant 0 : i32
        %dma_wait3A_84 = tpu.memref_slice %arg7[%add3A_77, %dma_wait3A_83] : memref<8x128xi32, #tpu.memory_space<vmem>> -> memref<1x128xi32, #tpu.memory_space<vmem>>
        %dma_wait3A_85 = tpu.memref_squeeze %dma_wait3A_84 : memref<1x128xi32, #tpu.memory_space<vmem>> -> memref<128xi32, #tpu.memory_space<vmem>>
        %dma_wait3A_86 = arith.constant 0 : i32
        %dma_wait3A_87 = arith.constant 0 : i32
        %dma_wait3A_88 = tpu.memref_slice %arg2[%dma_wait3A_86, %dma_wait3A_87] : memref<10000x128xf32, #tpu.memory_space<hbm>> -> memref<10000x128xf32, #tpu.memory_space<hbm>>
        tpu.wait_indirect_dma semaphore(%arg12 : memref<!tpu.dma_semaphore, #tpu.memory_space<semaphore_mem>>) src(%dma_wait3A_88 : memref<10000x128xf32, #tpu.memory_space<hbm>>) dst(%dma_wait3A_82 : memref<128x128xf32, #tpu.memory_space<vmem>>)
        %run_scoped3A_89 = arith.constant 1 : i32
        "tpu.region"() ({
          %run_scoped3A_90 = tpu.sem_alloc : memref<!tpu.dma_semaphore, #tpu.memory_space<semaphore_mem>>
          %dma_start3A_91 = arith.constant 0 : i32
          %dma_start3A_92 = arith.constant 0 : i32
          %dma_start3A_93 = tpu.memref_slice %arg9[%run_scoped3A_89, %dma_start3A_91, %dma_start3A_92] : memref<2x128x128xf32, #tpu.memory_space<vmem>> -> memref<1x128x128xf32, #tpu.memory_space<vmem>>
          %dma_start3A_94 = tpu.memref_squeeze %dma_start3A_93 : memref<1x128x128xf32, #tpu.memory_space<vmem>> -> memref<128x128xf32, #tpu.memory_space<vmem>>
          %dma_start3A_95 = arith.constant 0 : i32
          %dma_start3A_96 = tpu.memref_slice %arg8[%add3A_77, %dma_start3A_95] : memref<8x128xi32, #tpu.memory_space<vmem>> -> memref<1x128xi32, #tpu.memory_space<vmem>>
          %dma_start3A_97 = tpu.memref_squeeze %dma_start3A_96 : memref<1x128xi32, #tpu.memory_space<vmem>> -> memref<128xi32, #tpu.memory_space<vmem>>
          %dma_start3A_98 = arith.constant 0 : i32
          %dma_start3A_99 = arith.constant 0 : i32
          %dma_start3A_100 = tpu.memref_slice %arg10[%dma_start3A_98, %dma_start3A_99] : memref<10112x128xf32, #tpu.memory_space<vmem_shared>> -> memref<10112x128xf32, #tpu.memory_space<vmem_shared>>
          tpu.enqueue_indirect_dma source(%dma_start3A_94 : memref<128x128xf32, #tpu.memory_space<vmem>>) target(%dma_start3A_100 : memref<10112x128xf32, #tpu.memory_space<vmem_shared>>) offsets(%dma_start3A_97 : memref<128xi32, #tpu.memory_space<vmem>>) semaphore(%run_scoped3A_90 : memref<!tpu.dma_semaphore, #tpu.memory_space<semaphore_mem>>) {add = true}
          %dma_wait3A_101 = arith.constant 0 : i32
          %dma_wait3A_102 = arith.constant 0 : i32
          %dma_wait3A_103 = tpu.memref_slice %arg9[%run_scoped3A_89, %dma_wait3A_101, %dma_wait3A_102] : memref<2x128x128xf32, #tpu.memory_space<vmem>> -> memref<1x128x128xf32, #tpu.memory_space<vmem>>
          %dma_wait3A_104 = tpu.memref_squeeze %dma_wait3A_103 : memref<1x128x128xf32, #tpu.memory_space<vmem>> -> memref<128x128xf32, #tpu.memory_space<vmem>>
          %dma_wait3A_105 = arith.constant 0 : i32
          %dma_wait3A_106 = tpu.memref_slice %arg8[%add3A_77, %dma_wait3A_105] : memref<8x128xi32, #tpu.memory_space<vmem>> -> memref<1x128xi32, #tpu.memory_space<vmem>>
          %dma_wait3A_107 = tpu.memref_squeeze %dma_wait3A_106 : memref<1x128xi32, #tpu.memory_space<vmem>> -> memref<128xi32, #tpu.memory_space<vmem>>
          %dma_wait3A_108 = arith.constant 0 : i32
          %dma_wait3A_109 = arith.constant 0 : i32
          %dma_wait3A_110 = tpu.memref_slice %arg10[%dma_wait3A_108, %dma_wait3A_109] : memref<10112x128xf32, #tpu.memory_space<vmem_shared>> -> memref<10112x128xf32, #tpu.memory_space<vmem_shared>>
          tpu.wait_indirect_dma semaphore(%run_scoped3A_90 : memref<!tpu.dma_semaphore, #tpu.memory_space<semaphore_mem>>) src(%dma_wait3A_104 : memref<128x128xf32, #tpu.memory_space<vmem>>) dst(%dma_wait3A_110 : memref<10112x128xf32, #tpu.memory_space<vmem_shared>>)
          tpu.yield
        }) : () -> ()
      }
      %scan3A_45 = arith.constant 4 : i32
    }
    %while3A_20 = arith.constant 1 : i32
    scf.for %while3A_26 = %while3A_18 to %while3A_14 step %while3A_20  : i32 {
      %mul3A_27 = arith.constant 8 : i32
      %mul3A_28 = arith.muli %while3A_26, %mul3A_27 : i32
      %add3A_29 = arith.addi %add3A_7, %mul3A_28 : i32
      %multiple_of3A = tpu.assume_multiple %add3A_29, 8 : i32
      "tpu.region"() ({
        %run_scoped3A = tpu.sem_alloc : memref<!tpu.dma_semaphore, #tpu.memory_space<semaphore_mem>>
        %dma_start3A_46 = arith.constant 0 : i32
        %dma_start3A_47 = tpu.memref_slice %arg3[%multiple_of3A, %dma_start3A_46] : memref<2560x128xi32, #tpu.memory_space<hbm>> -> memref<8x128xi32, #tpu.memory_space<hbm>>
        %dma_start3A_48 = arith.constant 0 : i32
        %dma_start3A_49 = tpu.memref_slice %arg3[%multiple_of3A, %dma_start3A_48] : memref<2560x128xi32, #tpu.memory_space<hbm>> -> memref<8x128xi32, #tpu.memory_space<hbm>>
        tpu.enqueue_dma source(%dma_start3A_49 : memref<8x128xi32, #tpu.memory_space<hbm>>) target(%arg7 : memref<8x128xi32, #tpu.memory_space<vmem>>) target_semaphore(%run_scoped3A : memref<!tpu.dma_semaphore, #tpu.memory_space<semaphore_mem>>)
        %dma_wait3A = arith.constant 0 : i32
        %dma_wait3A_50 = tpu.memref_slice %arg3[%multiple_of3A, %dma_wait3A] : memref<2560x128xi32, #tpu.memory_space<hbm>> -> memref<8x128xi32, #tpu.memory_space<hbm>>
        %dma_wait3A_51 = arith.constant 0 : i32
        %dma_wait3A_52 = tpu.memref_slice %arg3[%multiple_of3A, %dma_wait3A_51] : memref<2560x128xi32, #tpu.memory_space<hbm>> -> memref<8x128xi32, #tpu.memory_space<hbm>>
        tpu.wait_dma2 semaphore(%run_scoped3A : memref<!tpu.dma_semaphore, #tpu.memory_space<semaphore_mem>>) src(%dma_wait3A_52 : memref<8x128xi32, #tpu.memory_space<hbm>>) dst(%arg7 : memref<8x128xi32, #tpu.memory_space<vmem>>)
        tpu.yield
      }) : () -> ()
      "tpu.region"() ({
        %run_scoped3A = tpu.sem_alloc : memref<!tpu.dma_semaphore, #tpu.memory_space<semaphore_mem>>
        %dma_start3A_46 = arith.constant 0 : i32
        %dma_start3A_47 = tpu.memref_slice %arg4[%multiple_of3A, %dma_start3A_46] : memref<2560x128xi32, #tpu.memory_space<hbm>> -> memref<8x128xi32, #tpu.memory_space<hbm>>
        %dma_start3A_48 = arith.constant 0 : i32
        %dma_start3A_49 = tpu.memref_slice %arg4[%multiple_of3A, %dma_start3A_48] : memref<2560x128xi32, #tpu.memory_space<hbm>> -> memref<8x128xi32, #tpu.memory_space<hbm>>
        tpu.enqueue_dma source(%dma_start3A_49 : memref<8x128xi32, #tpu.memory_space<hbm>>) target(%arg8 : memref<8x128xi32, #tpu.memory_space<vmem>>) target_semaphore(%run_scoped3A : memref<!tpu.dma_semaphore, #tpu.memory_space<semaphore_mem>>)
        %dma_wait3A = arith.constant 0 : i32
        %dma_wait3A_50 = tpu.memref_slice %arg4[%multiple_of3A, %dma_wait3A] : memref<2560x128xi32, #tpu.memory_space<hbm>> -> memref<8x128xi32, #tpu.memory_space<hbm>>
        %dma_wait3A_51 = arith.constant 0 : i32
        %dma_wait3A_52 = tpu.memref_slice %arg4[%multiple_of3A, %dma_wait3A_51] : memref<2560x128xi32, #tpu.memory_space<hbm>> -> memref<8x128xi32, #tpu.memory_space<hbm>>
        tpu.wait_dma2 semaphore(%run_scoped3A : memref<!tpu.dma_semaphore, #tpu.memory_space<semaphore_mem>>) src(%dma_wait3A_52 : memref<8x128xi32, #tpu.memory_space<hbm>>) dst(%arg8 : memref<8x128xi32, #tpu.memory_space<vmem>>)
        tpu.yield
      }) : () -> ()
      %dma_start3A = arith.constant 0 : i32
      %dma_start3A_30 = arith.constant 0 : i32
      %dma_start3A_31 = arith.constant 0 : i32
      %dma_start3A_32 = arith.constant 0 : i32
      %dma_start3A_33 = tpu.memref_slice %arg9[%dma_start3A_30, %dma_start3A_31, %dma_start3A_32] : memref<2x128x128xf32, #tpu.memory_space<vmem>> -> memref<1x128x128xf32, #tpu.memory_space<vmem>>
      %dma_start3A_34 = tpu.memref_squeeze %dma_start3A_33 : memref<1x128x128xf32, #tpu.memory_space<vmem>> -> memref<128x128xf32, #tpu.memory_space<vmem>>
      %dma_start3A_35 = arith.constant 0 : i32
      %dma_start3A_36 = tpu.memref_slice %arg7[%dma_start3A, %dma_start3A_35] : memref<8x128xi32, #tpu.memory_space<vmem>> -> memref<1x128xi32, #tpu.memory_space<vmem>>
      %dma_start3A_37 = tpu.memref_squeeze %dma_start3A_36 : memref<1x128xi32, #tpu.memory_space<vmem>> -> memref<128xi32, #tpu.memory_space<vmem>>
      %dma_start3A_38 = arith.constant 0 : i32
      %dma_start3A_39 = arith.constant 0 : i32
      %dma_start3A_40 = tpu.memref_slice %arg2[%dma_start3A_38, %dma_start3A_39] : memref<10000x128xf32, #tpu.memory_space<hbm>> -> memref<10000x128xf32, #tpu.memory_space<hbm>>
      tpu.enqueue_indirect_dma source(%dma_start3A_40 : memref<10000x128xf32, #tpu.memory_space<hbm>>) target(%dma_start3A_34 : memref<128x128xf32, #tpu.memory_space<vmem>>) offsets(%dma_start3A_37 : memref<128xi32, #tpu.memory_space<vmem>>) semaphore(%arg11 : memref<!tpu.dma_semaphore, #tpu.memory_space<semaphore_mem>>)
      %scan3A = arith.constant 0 : i32
      %scan3A_41 = arith.constant 0 : i32
      %scan3A_42 = arith.constant 4 : i32
      %scan3A_43 = arith.addi %scan3A_41, %scan3A_42 : i32
      %scan3A_44 = arith.constant 1 : i32
      scf.for %scan3A_46 = %scan3A_41 to %scan3A_43 step %scan3A_44  : i32 {
        %mul3A_47 = arith.constant 2 : i32
        %mul3A_48 = arith.muli %mul3A_47, %scan3A_46 : i32
        %add3A_49 = arith.constant 1 : i32
        %add3A_50 = arith.addi %mul3A_48, %add3A_49 : i32
        %dma_start3A_51 = arith.constant 1 : i32
        %dma_start3A_52 = arith.constant 0 : i32
        %dma_start3A_53 = arith.constant 0 : i32
        %dma_start3A_54 = tpu.memref_slice %arg9[%dma_start3A_51, %dma_start3A_52, %dma_start3A_53] : memref<2x128x128xf32, #tpu.memory_space<vmem>> -> memref<1x128x128xf32, #tpu.memory_space<vmem>>
        %dma_start3A_55 = tpu.memref_squeeze %dma_start3A_54 : memref<1x128x128xf32, #tpu.memory_space<vmem>> -> memref<128x128xf32, #tpu.memory_space<vmem>>
        %dma_start3A_56 = arith.constant 0 : i32
        %dma_start3A_57 = tpu.memref_slice %arg7[%add3A_50, %dma_start3A_56] : memref<8x128xi32, #tpu.memory_space<vmem>> -> memref<1x128xi32, #tpu.memory_space<vmem>>
        %dma_start3A_58 = tpu.memref_squeeze %dma_start3A_57 : memref<1x128xi32, #tpu.memory_space<vmem>> -> memref<128xi32, #tpu.memory_space<vmem>>
        %dma_start3A_59 = arith.constant 0 : i32
        %dma_start3A_60 = arith.constant 0 : i32
        %dma_start3A_61 = tpu.memref_slice %arg2[%dma_start3A_59, %dma_start3A_60] : memref<10000x128xf32, #tpu.memory_space<hbm>> -> memref<10000x128xf32, #tpu.memory_space<hbm>>
        tpu.enqueue_indirect_dma source(%dma_start3A_61 : memref<10000x128xf32, #tpu.memory_space<hbm>>) target(%dma_start3A_55 : memref<128x128xf32, #tpu.memory_space<vmem>>) offsets(%dma_start3A_58 : memref<128xi32, #tpu.memory_space<vmem>>) semaphore(%arg12 : memref<!tpu.dma_semaphore, #tpu.memory_space<semaphore_mem>>)
        %dma_wait3A = arith.constant 0 : i32
        %dma_wait3A_62 = arith.constant 0 : i32
        %dma_wait3A_63 = arith.constant 0 : i32
        %dma_wait3A_64 = tpu.memref_slice %arg9[%dma_wait3A, %dma_wait3A_62, %dma_wait3A_63] : memref<2x128x128xf32, #tpu.memory_space<vmem>> -> memref<1x128x128xf32, #tpu.memory_space<vmem>>
        %dma_wait3A_65 = tpu.memref_squeeze %dma_wait3A_64 : memref<1x128x128xf32, #tpu.memory_space<vmem>> -> memref<128x128xf32, #tpu.memory_space<vmem>>
        %dma_wait3A_66 = arith.constant 0 : i32
        %dma_wait3A_67 = tpu.memref_slice %arg7[%mul3A_48, %dma_wait3A_66] : memref<8x128xi32, #tpu.memory_space<vmem>> -> memref<1x128xi32, #tpu.memory_space<vmem>>
        %dma_wait3A_68 = tpu.memref_squeeze %dma_wait3A_67 : memref<1x128xi32, #tpu.memory_space<vmem>> -> memref<128xi32, #tpu.memory_space<vmem>>
        %dma_wait3A_69 = arith.constant 0 : i32
        %dma_wait3A_70 = arith.constant 0 : i32
        %dma_wait3A_71 = tpu.memref_slice %arg2[%dma_wait3A_69, %dma_wait3A_70] : memref<10000x128xf32, #tpu.memory_space<hbm>> -> memref<10000x128xf32, #tpu.memory_space<hbm>>
        tpu.wait_indirect_dma semaphore(%arg11 : memref<!tpu.dma_semaphore, #tpu.memory_space<semaphore_mem>>) src(%dma_wait3A_71 : memref<10000x128xf32, #tpu.memory_space<hbm>>) dst(%dma_wait3A_65 : memref<128x128xf32, #tpu.memory_space<vmem>>)
        %run_scoped3A = arith.constant 0 : i32
        "tpu.region"() ({
          %run_scoped3A_90 = tpu.sem_alloc : memref<!tpu.dma_semaphore, #tpu.memory_space<semaphore_mem>>
          %dma_start3A_91 = arith.constant 0 : i32
          %dma_start3A_92 = arith.constant 0 : i32
          %dma_start3A_93 = tpu.memref_slice %arg9[%run_scoped3A, %dma_start3A_91, %dma_start3A_92] : memref<2x128x128xf32, #tpu.memory_space<vmem>> -> memref<1x128x128xf32, #tpu.memory_space<vmem>>
          %dma_start3A_94 = tpu.memref_squeeze %dma_start3A_93 : memref<1x128x128xf32, #tpu.memory_space<vmem>> -> memref<128x128xf32, #tpu.memory_space<vmem>>
          %dma_start3A_95 = arith.constant 0 : i32
          %dma_start3A_96 = tpu.memref_slice %arg8[%mul3A_48, %dma_start3A_95] : memref<8x128xi32, #tpu.memory_space<vmem>> -> memref<1x128xi32, #tpu.memory_space<vmem>>
          %dma_start3A_97 = tpu.memref_squeeze %dma_start3A_96 : memref<1x128xi32, #tpu.memory_space<vmem>> -> memref<128xi32, #tpu.memory_space<vmem>>
          %dma_start3A_98 = arith.constant 0 : i32
          %dma_start3A_99 = arith.constant 0 : i32
          %dma_start3A_100 = tpu.memref_slice %arg10[%dma_start3A_98, %dma_start3A_99] : memref<10112x128xf32, #tpu.memory_space<vmem_shared>> -> memref<10112x128xf32, #tpu.memory_space<vmem_shared>>
          tpu.enqueue_indirect_dma source(%dma_start3A_94 : memref<128x128xf32, #tpu.memory_space<vmem>>) target(%dma_start3A_100 : memref<10112x128xf32, #tpu.memory_space<vmem_shared>>) offsets(%dma_start3A_97 : memref<128xi32, #tpu.memory_space<vmem>>) semaphore(%run_scoped3A_90 : memref<!tpu.dma_semaphore, #tpu.memory_space<semaphore_mem>>) {add = true}
          %dma_wait3A_101 = arith.constant 0 : i32
          %dma_wait3A_102 = arith.constant 0 : i32
          %dma_wait3A_103 = tpu.memref_slice %arg9[%run_scoped3A, %dma_wait3A_101, %dma_wait3A_102] : memref<2x128x128xf32, #tpu.memory_space<vmem>> -> memref<1x128x128xf32, #tpu.memory_space<vmem>>
          %dma_wait3A_104 = tpu.memref_squeeze %dma_wait3A_103 : memref<1x128x128xf32, #tpu.memory_space<vmem>> -> memref<128x128xf32, #tpu.memory_space<vmem>>
          %dma_wait3A_105 = arith.constant 0 : i32
          %dma_wait3A_106 = tpu.memref_slice %arg8[%mul3A_48, %dma_wait3A_105] : memref<8x128xi32, #tpu.memory_space<vmem>> -> memref<1x128xi32, #tpu.memory_space<vmem>>
          %dma_wait3A_107 = tpu.memref_squeeze %dma_wait3A_106 : memref<1x128xi32, #tpu.memory_space<vmem>> -> memref<128xi32, #tpu.memory_space<vmem>>
          %dma_wait3A_108 = arith.constant 0 : i32
          %dma_wait3A_109 = arith.constant 0 : i32
          %dma_wait3A_110 = tpu.memref_slice %arg10[%dma_wait3A_108, %dma_wait3A_109] : memref<10112x128xf32, #tpu.memory_space<vmem_shared>> -> memref<10112x128xf32, #tpu.memory_space<vmem_shared>>
          tpu.wait_indirect_dma semaphore(%run_scoped3A_90 : memref<!tpu.dma_semaphore, #tpu.memory_space<semaphore_mem>>) src(%dma_wait3A_104 : memref<128x128xf32, #tpu.memory_space<vmem>>) dst(%dma_wait3A_110 : memref<10112x128xf32, #tpu.memory_space<vmem_shared>>)
          tpu.yield
        }) : () -> ()
        %add3A_72 = arith.constant 2 : i32
        %add3A_73 = arith.addi %mul3A_48, %add3A_72 : i32
        %lt3A = arith.constant 8 : i32
        %lt3A_74 = arith.cmpi slt, %add3A_73, %lt3A : i32
        %convert_element_type3A = arith.extui %lt3A_74 : i1 to i32
        %cond3A = arith.constant 0 : i32
        %cond3A_75 = arith.cmpi ne, %convert_element_type3A, %cond3A : i32
        scf.if %cond3A_75 {
          %add3A_90 = arith.constant 2 : i32
          %add3A_91 = arith.addi %mul3A_48, %add3A_90 : i32
          %dma_start3A_92 = arith.constant 0 : i32
          %dma_start3A_93 = arith.constant 0 : i32
          %dma_start3A_94 = arith.constant 0 : i32
          %dma_start3A_95 = tpu.memref_slice %arg9[%dma_start3A_92, %dma_start3A_93, %dma_start3A_94] : memref<2x128x128xf32, #tpu.memory_space<vmem>> -> memref<1x128x128xf32, #tpu.memory_space<vmem>>
          %dma_start3A_96 = tpu.memref_squeeze %dma_start3A_95 : memref<1x128x128xf32, #tpu.memory_space<vmem>> -> memref<128x128xf32, #tpu.memory_space<vmem>>
          %dma_start3A_97 = arith.constant 0 : i32
          %dma_start3A_98 = tpu.memref_slice %arg7[%add3A_91, %dma_start3A_97] : memref<8x128xi32, #tpu.memory_space<vmem>> -> memref<1x128xi32, #tpu.memory_space<vmem>>
          %dma_start3A_99 = tpu.memref_squeeze %dma_start3A_98 : memref<1x128xi32, #tpu.memory_space<vmem>> -> memref<128xi32, #tpu.memory_space<vmem>>
          %dma_start3A_100 = arith.constant 0 : i32
          %dma_start3A_101 = arith.constant 0 : i32
          %dma_start3A_102 = tpu.memref_slice %arg2[%dma_start3A_100, %dma_start3A_101] : memref<10000x128xf32, #tpu.memory_space<hbm>> -> memref<10000x128xf32, #tpu.memory_space<hbm>>
          tpu.enqueue_indirect_dma source(%dma_start3A_102 : memref<10000x128xf32, #tpu.memory_space<hbm>>) target(%dma_start3A_96 : memref<128x128xf32, #tpu.memory_space<vmem>>) offsets(%dma_start3A_99 : memref<128xi32, #tpu.memory_space<vmem>>) semaphore(%arg11 : memref<!tpu.dma_semaphore, #tpu.memory_space<semaphore_mem>>)
        } else {
        }
        %add3A_76 = arith.constant 1 : i32
        %add3A_77 = arith.addi %mul3A_48, %add3A_76 : i32
        %dma_wait3A_78 = arith.constant 1 : i32
        %dma_wait3A_79 = arith.constant 0 : i32
        %dma_wait3A_80 = arith.constant 0 : i32
        %dma_wait3A_81 = tpu.memref_slice %arg9[%dma_wait3A_78, %dma_wait3A_79, %dma_wait3A_80] : memref<2x128x128xf32, #tpu.memory_space<vmem>> -> memref<1x128x128xf32, #tpu.memory_space<vmem>>
        %dma_wait3A_82 = tpu.memref_squeeze %dma_wait3A_81 : memref<1x128x128xf32, #tpu.memory_space<vmem>> -> memref<128x128xf32, #tpu.memory_space<vmem>>
        %dma_wait3A_83 = arith.constant 0 : i32
        %dma_wait3A_84 = tpu.memref_slice %arg7[%add3A_77, %dma_wait3A_83] : memref<8x128xi32, #tpu.memory_space<vmem>> -> memref<1x128xi32, #tpu.memory_space<vmem>>
        %dma_wait3A_85 = tpu.memref_squeeze %dma_wait3A_84 : memref<1x128xi32, #tpu.memory_space<vmem>> -> memref<128xi32, #tpu.memory_space<vmem>>
        %dma_wait3A_86 = arith.constant 0 : i32
        %dma_wait3A_87 = arith.constant 0 : i32
        %dma_wait3A_88 = tpu.memref_slice %arg2[%dma_wait3A_86, %dma_wait3A_87] : memref<10000x128xf32, #tpu.memory_space<hbm>> -> memref<10000x128xf32, #tpu.memory_space<hbm>>
        tpu.wait_indirect_dma semaphore(%arg12 : memref<!tpu.dma_semaphore, #tpu.memory_space<semaphore_mem>>) src(%dma_wait3A_88 : memref<10000x128xf32, #tpu.memory_space<hbm>>) dst(%dma_wait3A_82 : memref<128x128xf32, #tpu.memory_space<vmem>>)
        %run_scoped3A_89 = arith.constant 1 : i32
        "tpu.region"() ({
          %run_scoped3A_90 = tpu.sem_alloc : memref<!tpu.dma_semaphore, #tpu.memory_space<semaphore_mem>>
          %dma_start3A_91 = arith.constant 0 : i32
          %dma_start3A_92 = arith.constant 0 : i32
          %dma_start3A_93 = tpu.memref_slice %arg9[%run_scoped3A_89, %dma_start3A_91, %dma_start3A_92] : memref<2x128x128xf32, #tpu.memory_space<vmem>> -> memref<1x128x128xf32, #tpu.memory_space<vmem>>
          %dma_start3A_94 = tpu.memref_squeeze %dma_start3A_93 : memref<1x128x128xf32, #tpu.memory_space<vmem>> -> memref<128x128xf32, #tpu.memory_space<vmem>>
          %dma_start3A_95 = arith.constant 0 : i32
          %dma_start3A_96 = tpu.memref_slice %arg8[%add3A_77, %dma_start3A_95] : memref<8x128xi32, #tpu.memory_space<vmem>> -> memref<1x128xi32, #tpu.memory_space<vmem>>
          %dma_start3A_97 = tpu.memref_squeeze %dma_start3A_96 : memref<1x128xi32, #tpu.memory_space<vmem>> -> memref<128xi32, #tpu.memory_space<vmem>>
          %dma_start3A_98 = arith.constant 0 : i32
          %dma_start3A_99 = arith.constant 0 : i32
          %dma_start3A_100 = tpu.memref_slice %arg10[%dma_start3A_98, %dma_start3A_99] : memref<10112x128xf32, #tpu.memory_space<vmem_shared>> -> memref<10112x128xf32, #tpu.memory_space<vmem_shared>>
          tpu.enqueue_indirect_dma source(%dma_start3A_94 : memref<128x128xf32, #tpu.memory_space<vmem>>) target(%dma_start3A_100 : memref<10112x128xf32, #tpu.memory_space<vmem_shared>>) offsets(%dma_start3A_97 : memref<128xi32, #tpu.memory_space<vmem>>) semaphore(%run_scoped3A_90 : memref<!tpu.dma_semaphore, #tpu.memory_space<semaphore_mem>>) {add = true}
          %dma_wait3A_101 = arith.constant 0 : i32
          %dma_wait3A_102 = arith.constant 0 : i32
          %dma_wait3A_103 = tpu.memref_slice %arg9[%run_scoped3A_89, %dma_wait3A_101, %dma_wait3A_102] : memref<2x128x128xf32, #tpu.memory_space<vmem>> -> memref<1x128x128xf32, #tpu.memory_space<vmem>>
          %dma_wait3A_104 = tpu.memref_squeeze %dma_wait3A_103 : memref<1x128x128xf32, #tpu.memory_space<vmem>> -> memref<128x128xf32, #tpu.memory_space<vmem>>
          %dma_wait3A_105 = arith.constant 0 : i32
          %dma_wait3A_106 = tpu.memref_slice %arg8[%add3A_77, %dma_wait3A_105] : memref<8x128xi32, #tpu.memory_space<vmem>> -> memref<1x128xi32, #tpu.memory_space<vmem>>
          %dma_wait3A_107 = tpu.memref_squeeze %dma_wait3A_106 : memref<1x128xi32, #tpu.memory_space<vmem>> -> memref<128xi32, #tpu.memory_space<vmem>>
          %dma_wait3A_108 = arith.constant 0 : i32
          %dma_wait3A_109 = arith.constant 0 : i32
          %dma_wait3A_110 = tpu.memref_slice %arg10[%dma_wait3A_108, %dma_wait3A_109] : memref<10112x128xf32, #tpu.memory_space<vmem_shared>> -> memref<10112x128xf32, #tpu.memory_space<vmem_shared>>
          tpu.wait_indirect_dma semaphore(%run_scoped3A_90 : memref<!tpu.dma_semaphore, #tpu.memory_space<semaphore_mem>>) src(%dma_wait3A_104 : memref<128x128xf32, #tpu.memory_space<vmem>>) dst(%dma_wait3A_110 : memref<10112x128xf32, #tpu.memory_space<vmem_shared>>)
          tpu.yield
        }) : () -> ()
      }
      %scan3A_45 = arith.constant 4 : i32
    }
    %barrier3A_21 = arith.constant 0 : index
    tpu.barrier barrier_id(%barrier3A_21)
    %mul3A_22 = arith.constant 632 : i32
    %mul3A_23 = arith.muli %arg1, %mul3A_22 : i32
    %mul3A_24 = arith.constant 632 : i32
    %mul3A_25 = arith.muli %arg1, %mul3A_24 : i32
    "tpu.region"() ({
      %run_scoped3A = tpu.sem_alloc : memref<!tpu.dma_semaphore, #tpu.memory_space<semaphore_mem>>
      %dma_start3A = arith.constant 0 : i32
      %dma_start3A_26 = tpu.memref_slice %arg6[%arg0, %mul3A_25, %dma_start3A] : memref<2x10112x128xf32, #tpu.memory_space<hbm>> -> memref<1x632x128xf32, #tpu.memory_space<hbm>>
      %dma_start3A_27 = tpu.memref_squeeze %dma_start3A_26 : memref<1x632x128xf32, #tpu.memory_space<hbm>> -> memref<632x128xf32, #tpu.memory_space<hbm>>
      %dma_start3A_28 = arith.constant 0 : i32
      %dma_start3A_29 = tpu.memref_slice %arg10[%mul3A_23, %dma_start3A_28] : memref<10112x128xf32, #tpu.memory_space<vmem_shared>> -> memref<632x128xf32, #tpu.memory_space<vmem_shared>>
      tpu.enqueue_dma source(%dma_start3A_29 : memref<632x128xf32, #tpu.memory_space<vmem_shared>>) target(%dma_start3A_27 : memref<632x128xf32, #tpu.memory_space<hbm>>) target_semaphore(%run_scoped3A : memref<!tpu.dma_semaphore, #tpu.memory_space<semaphore_mem>>)
      %dma_wait3A = arith.constant 0 : i32
      %dma_wait3A_30 = tpu.memref_slice %arg6[%arg0, %mul3A_25, %dma_wait3A] : memref<2x10112x128xf32, #tpu.memory_space<hbm>> -> memref<1x632x128xf32, #tpu.memory_space<hbm>>
      %dma_wait3A_31 = tpu.memref_squeeze %dma_wait3A_30 : memref<1x632x128xf32, #tpu.memory_space<hbm>> -> memref<632x128xf32, #tpu.memory_space<hbm>>
      %dma_wait3A_32 = arith.constant 0 : i32
      %dma_wait3A_33 = tpu.memref_slice %arg10[%mul3A_23, %dma_wait3A_32] : memref<10112x128xf32, #tpu.memory_space<vmem_shared>> -> memref<632x128xf32, #tpu.memory_space<vmem_shared>>
      tpu.wait_dma2 semaphore(%run_scoped3A : memref<!tpu.dma_semaphore, #tpu.memory_space<semaphore_mem>>) src(%dma_wait3A_33 : memref<632x128xf32, #tpu.memory_space<vmem_shared>>) dst(%dma_wait3A_31 : memref<632x128xf32, #tpu.memory_space<hbm>>)
      tpu.yield
    }) : () -> ()
    return
  }
}

module attributes {stable_mosaic.version = 14 : i64} {
  func.func @_mm_body(%arg0: i32, %arg1: memref<400x128xf32, #tpu.memory_space<vmem>>, %arg2: memref<128x128xf32, #tpu.memory_space<vmem>>, %arg3: memref<400x128xf32, #tpu.memory_space<vmem>>) attributes {dimension_semantics = [#tpu.dimension_semantics<arbitrary>], iteration_bounds = array<i64: 25>, scalar_prefetch = 0 : i64, scratch_operands = 0 : i64, tpu.core_type = #tpu.core_type<tc>, window_params = [{transform_indices = @transform_0, window_bounds = array<i64: 400, 128>}, {pipeline_mode = #tpu.pipeline_mode<synchronous>, transform_indices = @transform_1, window_bounds = array<i64: 128, 128>}, {transform_indices = @transform_2, window_bounds = array<i64: 400, 128>}]} {
    %get3A = arith.constant 0 : index
    %get3A_0 = arith.constant 0 : index
    %get3A_1 = vector.load %arg1[%get3A, %get3A_0] : memref<400x128xf32, #tpu.memory_space<vmem>>, vector<400x128xf32>
    %get3A_2 = arith.constant 0 : index
    %get3A_3 = arith.constant 0 : index
    %get3A_4 = vector.load %arg2[%get3A_2, %get3A_3] : memref<128x128xf32, #tpu.memory_space<vmem>>, vector<128x128xf32>
    %dot_general3A = arith.constant dense<0.000000e+00> : vector<400x128xf32>
    %dot_general3A_5 = tpu.matmul %get3A_1, %get3A_4, %dot_general3A {dimension_numbers = #tpu.dot_dimension_numbers<[1], [0], [0], [1], [0, 0, 1, 1], [], []>, transpose_lhs_hint = false} : vector<400x128xf32>, vector<128x128xf32>, vector<400x128xf32> -> vector<400x128xf32>
    %swap3A = arith.constant 0 : index
    %swap3A_6 = arith.constant 0 : index
    %swap3A_7 = vector.load %arg3[%swap3A, %swap3A_6] : memref<400x128xf32, #tpu.memory_space<vmem>>, vector<400x128xf32>
    tpu.vector_store %arg3[%swap3A, %swap3A_6], %dot_general3A_5 {strides = array<i32>} : memref<400x128xf32, #tpu.memory_space<vmem>>, vector<400x128xf32>,
    return
  }
  func.func @transform_0(%arg0: i32) -> (i32, i32) {
    %c0_i32 = arith.constant 0 : i32
    %c0_i32_0 = arith.constant 0 : i32
    return %arg0, %c0_i32 : i32, i32
  }
  func.func @transform_1(%arg0: i32) -> (i32, i32) {
    %c0_i32 = arith.constant 0 : i32
    %c0_i32_0 = arith.constant 0 : i32
    %c0_i32_1 = arith.constant 0 : i32
    return %c0_i32, %c0_i32_0 : i32, i32
  }
  func.func @transform_2(%arg0: i32) -> (i32, i32) {
    %c0_i32 = arith.constant 0 : i32
    %c0_i32_0 = arith.constant 0 : i32
    return %arg0, %c0_i32 : i32, i32
  }
}

module attributes {stable_mosaic.version = 14 : i64} {
  func.func @_combine_body(%arg0: i32, %arg1: memref<400x128xf32, #tpu.memory_space<vmem>>, %arg2: memref<2x400x128xf32, #tpu.memory_space<vmem>>, %arg3: memref<2x400x128xf32, #tpu.memory_space<vmem>>, %arg4: memref<128x128xf32, #tpu.memory_space<vmem>>, %arg5: memref<1x128xf32, #tpu.memory_space<vmem>>, %arg6: memref<128x128xf32, #tpu.memory_space<vmem>>, %arg7: memref<400x128xf32, #tpu.memory_space<vmem>>, %arg8: memref<400x128xf32, #tpu.memory_space<vmem>>) attributes {dimension_semantics = [#tpu.dimension_semantics<arbitrary>], iteration_bounds = array<i64: 25>, scalar_prefetch = 0 : i64, scratch_operands = 0 : i64, tpu.core_type = #tpu.core_type<tc>, window_params = [{transform_indices = @transform_0, window_bounds = array<i64: 400, 128>}, {transform_indices = @transform_1, window_bounds = array<i64: 2, 400, 128>}, {transform_indices = @transform_2, window_bounds = array<i64: 2, 400, 128>}, {pipeline_mode = #tpu.pipeline_mode<synchronous>, transform_indices = @transform_3, window_bounds = array<i64: 128, 128>}, {pipeline_mode = #tpu.pipeline_mode<synchronous>, transform_indices = @transform_4, window_bounds = array<i64: 1, 128>}, {pipeline_mode = #tpu.pipeline_mode<synchronous>, transform_indices = @transform_5, window_bounds = array<i64: 128, 128>}, {transform_indices = @transform_6, window_bounds = array<i64: 400, 128>}, {transform_indices = @transform_7, window_bounds = array<i64: 400, 128>}]} {
    %get3A = arith.constant 0 : index
    %get3A_0 = arith.constant 0 : index
    %get3A_1 = arith.constant 0 : index
    %get3A_2 = vector.load %arg2[%get3A, %get3A_0, %get3A_1] : memref<2x400x128xf32, #tpu.memory_space<vmem>>, vector<1x400x128xf32>
    %get3A_3 = vector.shape_cast %get3A_2 : vector<1x400x128xf32> to vector<400x128xf32>
    %get3A_4 = arith.constant 1 : index
    %get3A_5 = arith.constant 0 : index
    %get3A_6 = arith.constant 0 : index
    %get3A_7 = vector.load %arg2[%get3A_4, %get3A_5, %get3A_6] : memref<2x400x128xf32, #tpu.memory_space<vmem>>, vector<1x400x128xf32>
    %get3A_8 = vector.shape_cast %get3A_7 : vector<1x400x128xf32> to vector<400x128xf32>
    %add3A = arith.addf %get3A_3, %get3A_8 : vector<400x128xf32>
    %get3A_9 = arith.constant 0 : index
    %get3A_10 = arith.constant 0 : index
    %get3A_11 = arith.constant 0 : index
    %get3A_12 = vector.load %arg3[%get3A_9, %get3A_10, %get3A_11] : memref<2x400x128xf32, #tpu.memory_space<vmem>>, vector<1x400x1xf32>
    %get3A_13 = vector.shape_cast %get3A_12 : vector<1x400x1xf32> to vector<400x1xf32>
    %get3A_14 = arith.constant 1 : index
    %get3A_15 = arith.constant 0 : index
    %get3A_16 = arith.constant 0 : index
    %get3A_17 = vector.load %arg3[%get3A_14, %get3A_15, %get3A_16] : memref<2x400x128xf32, #tpu.memory_space<vmem>>, vector<1x400x1xf32>
    %get3A_18 = vector.shape_cast %get3A_17 : vector<1x400x1xf32> to vector<400x1xf32>
    %add3A_19 = arith.addf %get3A_13, %get3A_18 : vector<400x1xf32>
    %add3A_20 = arith.constant 1.000000e+00 : f32
    %add3A_21 = vector.broadcast %add3A_20 : f32 to vector<400x1xf32>
    %add3A_22 = arith.addf %add3A_19, %add3A_21 : vector<400x1xf32>
    %div3A = arith.constant 1.000000e+00 : f32
    %div3A_23 = vector.broadcast %div3A : f32 to vector<400x1xf32>
    %div3A_24 = arith.divf %div3A_23, %add3A_22 : vector<400x1xf32>
    %get3A_25 = arith.constant 0 : index
    %get3A_26 = arith.constant 0 : index
    %get3A_27 = vector.load %arg1[%get3A_25, %get3A_26] : memref<400x128xf32, #tpu.memory_space<vmem>>, vector<400x128xf32>
    %get3A_28 = arith.constant 0 : index
    %get3A_29 = arith.constant 0 : index
    %get3A_30 = vector.load %arg4[%get3A_28, %get3A_29] : memref<128x128xf32, #tpu.memory_space<vmem>>, vector<128x128xf32>
    %dot_general3A = arith.constant dense<0.000000e+00> : vector<400x128xf32>
    %dot_general3A_31 = tpu.matmul %get3A_27, %get3A_30, %dot_general3A {dimension_numbers = #tpu.dot_dimension_numbers<[1], [0], [0], [1], [0, 0, 1, 1], [], []>, transpose_lhs_hint = false} : vector<400x128xf32>, vector<128x128xf32>, vector<400x128xf32> -> vector<400x128xf32>
    %mul3A = vector.broadcast %div3A_24 : vector<400x1xf32> to vector<400x128xf32>
    %mul3A_32 = arith.mulf %add3A, %mul3A : vector<400x128xf32>
    %add3A_33 = arith.addf %dot_general3A_31, %mul3A_32 : vector<400x128xf32>
    %get3A_34 = arith.constant 0 : index
    %get3A_35 = arith.constant 0 : index
    %get3A_36 = vector.load %arg5[%get3A_34, %get3A_35] : memref<1x128xf32, #tpu.memory_space<vmem>>, vector<1x128xf32>
    %add3A_37 = vector.broadcast %get3A_36 : vector<1x128xf32> to vector<400x128xf32>
    %add3A_38 = arith.addf %add3A_33, %add3A_37 : vector<400x128xf32>
    %max3A = arith.constant 0.000000e+00 : f32
    %max3A_39 = vector.broadcast %max3A : f32 to vector<400x128xf32>
    %max3A_40 = arith.maximumf %add3A_38, %max3A_39 : vector<400x128xf32>
    %swap3A = arith.constant 0 : index
    %swap3A_41 = arith.constant 0 : index
    %swap3A_42 = vector.load %arg7[%swap3A, %swap3A_41] : memref<400x128xf32, #tpu.memory_space<vmem>>, vector<400x128xf32>
    tpu.vector_store %arg7[%swap3A, %swap3A_41], %max3A_40 {strides = array<i32>} : memref<400x128xf32, #tpu.memory_space<vmem>>, vector<400x128xf32>,
    %get3A_43 = arith.constant 0 : index
    %get3A_44 = arith.constant 0 : index
    %get3A_45 = vector.load %arg6[%get3A_43, %get3A_44] : memref<128x128xf32, #tpu.memory_space<vmem>>, vector<128x128xf32>
    %dot_general3A_46 = arith.constant dense<0.000000e+00> : vector<400x128xf32>
    %dot_general3A_47 = tpu.matmul %max3A_40, %get3A_45, %dot_general3A_46 {dimension_numbers = #tpu.dot_dimension_numbers<[1], [0], [0], [1], [0, 0, 1, 1], [], []>, transpose_lhs_hint = false} : vector<400x128xf32>, vector<128x128xf32>, vector<400x128xf32> -> vector<400x128xf32>
    %swap3A_48 = arith.constant 0 : index
    %swap3A_49 = arith.constant 0 : index
    %swap3A_50 = vector.load %arg8[%swap3A_48, %swap3A_49] : memref<400x128xf32, #tpu.memory_space<vmem>>, vector<400x128xf32>
    tpu.vector_store %arg8[%swap3A_48, %swap3A_49], %dot_general3A_47 {strides = array<i32>} : memref<400x128xf32, #tpu.memory_space<vmem>>, vector<400x128xf32>,
    return
  }
  func.func @transform_0(%arg0: i32) -> (i32, i32) {
    %c0_i32 = arith.constant 0 : i32
    %c0_i32_0 = arith.constant 0 : i32
    return %arg0, %c0_i32 : i32, i32
  }
  func.func @transform_1(%arg0: i32) -> (i32, i32, i32) {
    %c0_i32 = arith.constant 0 : i32
    %c0_i32_0 = arith.constant 0 : i32
    %c0_i32_1 = arith.constant 0 : i32
    return %c0_i32, %arg0, %c0_i32_0 : i32, i32, i32
  }
  func.func @transform_2(%arg0: i32) -> (i32, i32, i32) {
    %c0_i32 = arith.constant 0 : i32
    %c0_i32_0 = arith.constant 0 : i32
    %c0_i32_1 = arith.constant 0 : i32
    return %c0_i32, %arg0, %c0_i32_0 : i32, i32, i32
  }
  func.func @transform_3(%arg0: i32) -> (i32, i32) {
    %c0_i32 = arith.constant 0 : i32
    %c0_i32_0 = arith.constant 0 : i32
    %c0_i32_1 = arith.constant 0 : i32
    return %c0_i32, %c0_i32_0 : i32, i32
  }
  func.func @transform_4(%arg0: i32) -> (i32, i32) {
    %c0_i32 = arith.constant 0 : i32
    %c0_i32_0 = arith.constant 0 : i32
    %c0_i32_1 = arith.constant 0 : i32
    return %c0_i32, %c0_i32_0 : i32, i32
  }
  func.func @transform_5(%arg0: i32) -> (i32, i32) {
    %c0_i32 = arith.constant 0 : i32
    %c0_i32_0 = arith.constant 0 : i32
    %c0_i32_1 = arith.constant 0 : i32
    return %c0_i32, %c0_i32_0 : i32, i32
  }
  func.func @transform_6(%arg0: i32) -> (i32, i32) {
    %c0_i32 = arith.constant 0 : i32
    %c0_i32_0 = arith.constant 0 : i32
    return %arg0, %c0_i32 : i32, i32
  }
  func.func @transform_7(%arg0: i32) -> (i32, i32) {
    %c0_i32 = arith.constant 0 : i32
    %c0_i32_0 = arith.constant 0 : i32
    return %arg0, %c0_i32 : i32, i32
  }
}

module attributes {stable_mosaic.version = 14 : i64} {
  func.func @_lambda_(%arg0: i32, %arg1: memref<400x128xf32, #tpu.memory_space<vmem>>, %arg2: memref<2x400x128xf32, #tpu.memory_space<vmem>>, %arg3: memref<2x400x128xf32, #tpu.memory_space<vmem>>, %arg4: memref<128x128xf32, #tpu.memory_space<vmem>>, %arg5: memref<1x128xf32, #tpu.memory_space<vmem>>, %arg6: memref<400x128xf32, #tpu.memory_space<vmem>>) attributes {dimension_semantics = [#tpu.dimension_semantics<arbitrary>], iteration_bounds = array<i64: 25>, scalar_prefetch = 0 : i64, scratch_operands = 0 : i64, tpu.core_type = #tpu.core_type<tc>, window_params = [{transform_indices = @transform_0, window_bounds = array<i64: 400, 128>}, {transform_indices = @transform_1, window_bounds = array<i64: 2, 400, 128>}, {transform_indices = @transform_2, window_bounds = array<i64: 2, 400, 128>}, {pipeline_mode = #tpu.pipeline_mode<synchronous>, transform_indices = @transform_3, window_bounds = array<i64: 128, 128>}, {pipeline_mode = #tpu.pipeline_mode<synchronous>, transform_indices = @transform_4, window_bounds = array<i64: 1, 128>}, {transform_indices = @transform_5, window_bounds = array<i64: 400, 128>}]} {
    %get3A = arith.constant 0 : index
    %get3A_0 = arith.constant 0 : index
    %get3A_1 = arith.constant 0 : index
    %get3A_2 = vector.load %arg2[%get3A, %get3A_0, %get3A_1] : memref<2x400x128xf32, #tpu.memory_space<vmem>>, vector<1x400x128xf32>
    %get3A_3 = vector.shape_cast %get3A_2 : vector<1x400x128xf32> to vector<400x128xf32>
    %get3A_4 = arith.constant 1 : index
    %get3A_5 = arith.constant 0 : index
    %get3A_6 = arith.constant 0 : index
    %get3A_7 = vector.load %arg2[%get3A_4, %get3A_5, %get3A_6] : memref<2x400x128xf32, #tpu.memory_space<vmem>>, vector<1x400x128xf32>
    %get3A_8 = vector.shape_cast %get3A_7 : vector<1x400x128xf32> to vector<400x128xf32>
    %add3A = arith.addf %get3A_3, %get3A_8 : vector<400x128xf32>
    %get3A_9 = arith.constant 0 : index
    %get3A_10 = arith.constant 0 : index
    %get3A_11 = arith.constant 0 : index
    %get3A_12 = vector.load %arg3[%get3A_9, %get3A_10, %get3A_11] : memref<2x400x128xf32, #tpu.memory_space<vmem>>, vector<1x400x1xf32>
    %get3A_13 = vector.shape_cast %get3A_12 : vector<1x400x1xf32> to vector<400x1xf32>
    %get3A_14 = arith.constant 1 : index
    %get3A_15 = arith.constant 0 : index
    %get3A_16 = arith.constant 0 : index
    %get3A_17 = vector.load %arg3[%get3A_14, %get3A_15, %get3A_16] : memref<2x400x128xf32, #tpu.memory_space<vmem>>, vector<1x400x1xf32>
    %get3A_18 = vector.shape_cast %get3A_17 : vector<1x400x1xf32> to vector<400x1xf32>
    %add3A_19 = arith.addf %get3A_13, %get3A_18 : vector<400x1xf32>
    %add3A_20 = arith.constant 1.000000e+00 : f32
    %add3A_21 = vector.broadcast %add3A_20 : f32 to vector<400x1xf32>
    %add3A_22 = arith.addf %add3A_19, %add3A_21 : vector<400x1xf32>
    %div3A = arith.constant 1.000000e+00 : f32
    %div3A_23 = vector.broadcast %div3A : f32 to vector<400x1xf32>
    %div3A_24 = arith.divf %div3A_23, %add3A_22 : vector<400x1xf32>
    %get3A_25 = arith.constant 0 : index
    %get3A_26 = arith.constant 0 : index
    %get3A_27 = vector.load %arg1[%get3A_25, %get3A_26] : memref<400x128xf32, #tpu.memory_space<vmem>>, vector<400x128xf32>
    %get3A_28 = arith.constant 0 : index
    %get3A_29 = arith.constant 0 : index
    %get3A_30 = vector.load %arg4[%get3A_28, %get3A_29] : memref<128x128xf32, #tpu.memory_space<vmem>>, vector<128x128xf32>
    %dot_general3A = arith.constant dense<0.000000e+00> : vector<400x128xf32>
    %dot_general3A_31 = tpu.matmul %get3A_27, %get3A_30, %dot_general3A {dimension_numbers = #tpu.dot_dimension_numbers<[1], [0], [0], [1], [0, 0, 1, 1], [], []>, transpose_lhs_hint = false} : vector<400x128xf32>, vector<128x128xf32>, vector<400x128xf32> -> vector<400x128xf32>
    %mul3A = vector.broadcast %div3A_24 : vector<400x1xf32> to vector<400x128xf32>
    %mul3A_32 = arith.mulf %add3A, %mul3A : vector<400x128xf32>
    %add3A_33 = arith.addf %dot_general3A_31, %mul3A_32 : vector<400x128xf32>
    %get3A_34 = arith.constant 0 : index
    %get3A_35 = arith.constant 0 : index
    %get3A_36 = vector.load %arg5[%get3A_34, %get3A_35] : memref<1x128xf32, #tpu.memory_space<vmem>>, vector<1x128xf32>
    %add3A_37 = vector.broadcast %get3A_36 : vector<1x128xf32> to vector<400x128xf32>
    %add3A_38 = arith.addf %add3A_33, %add3A_37 : vector<400x128xf32>
    %max3A = arith.constant 0.000000e+00 : f32
    %max3A_39 = vector.broadcast %max3A : f32 to vector<400x128xf32>
    %max3A_40 = arith.maximumf %add3A_38, %max3A_39 : vector<400x128xf32>
    %swap3A = arith.constant 0 : index
    %swap3A_41 = arith.constant 0 : index
    %swap3A_42 = vector.load %arg6[%swap3A, %swap3A_41] : memref<400x128xf32, #tpu.memory_space<vmem>>, vector<400x128xf32>
    tpu.vector_store %arg6[%swap3A, %swap3A_41], %max3A_40 {strides = array<i32>} : memref<400x128xf32, #tpu.memory_space<vmem>>, vector<400x128xf32>,
    return
  }
  func.func @transform_0(%arg0: i32) -> (i32, i32) {
    %c0_i32 = arith.constant 0 : i32
    %c0_i32_0 = arith.constant 0 : i32
    return %arg0, %c0_i32 : i32, i32
  }
  func.func @transform_1(%arg0: i32) -> (i32, i32, i32) {
    %c0_i32 = arith.constant 0 : i32
    %c0_i32_0 = arith.constant 0 : i32
    %c0_i32_1 = arith.constant 0 : i32
    return %c0_i32, %arg0, %c0_i32_0 : i32, i32, i32
  }
  func.func @transform_2(%arg0: i32) -> (i32, i32, i32) {
    %c0_i32 = arith.constant 0 : i32
    %c0_i32_0 = arith.constant 0 : i32
    %c0_i32_1 = arith.constant 0 : i32
    return %c0_i32, %arg0, %c0_i32_0 : i32, i32, i32
  }
  func.func @transform_3(%arg0: i32) -> (i32, i32) {
    %c0_i32 = arith.constant 0 : i32
    %c0_i32_0 = arith.constant 0 : i32
    %c0_i32_1 = arith.constant 0 : i32
    return %c0_i32, %c0_i32_0 : i32, i32
  }
  func.func @transform_4(%arg0: i32) -> (i32, i32) {
    %c0_i32 = arith.constant 0 : i32
    %c0_i32_0 = arith.constant 0 : i32
    %c0_i32_1 = arith.constant 0 : i32
    return %c0_i32, %c0_i32_0 : i32, i32
  }
  func.func @transform_5(%arg0: i32) -> (i32, i32) {
    %c0_i32 = arith.constant 0 : i32
    %c0_i32_0 = arith.constant 0 : i32
    return %arg0, %c0_i32 : i32, i32
  }
}

module attributes {stable_mosaic.version = 14 : i64} {
  func.func @_final_body(%arg0: i32, %arg1: memref<400x128xf32, #tpu.memory_space<vmem>>, %arg2: memref<2x400x128xf32, #tpu.memory_space<vmem>>, %arg3: memref<2x400x128xf32, #tpu.memory_space<vmem>>, %arg4: memref<128x64xf32, #tpu.memory_space<vmem>>, %arg5: memref<128x64xf32, #tpu.memory_space<vmem>>, %arg6: memref<1x64xf32, #tpu.memory_space<vmem>>, %arg7: memref<400x64xf32, #tpu.memory_space<vmem>>) attributes {dimension_semantics = [#tpu.dimension_semantics<arbitrary>], iteration_bounds = array<i64: 25>, scalar_prefetch = 0 : i64, scratch_operands = 0 : i64, tpu.core_type = #tpu.core_type<tc>, window_params = [{transform_indices = @transform_0, window_bounds = array<i64: 400, 128>}, {transform_indices = @transform_1, window_bounds = array<i64: 2, 400, 128>}, {transform_indices = @transform_2, window_bounds = array<i64: 2, 400, 128>}, {pipeline_mode = #tpu.pipeline_mode<synchronous>, transform_indices = @transform_3, window_bounds = array<i64: 128, 64>}, {pipeline_mode = #tpu.pipeline_mode<synchronous>, transform_indices = @transform_4, window_bounds = array<i64: 128, 64>}, {pipeline_mode = #tpu.pipeline_mode<synchronous>, transform_indices = @transform_5, window_bounds = array<i64: 1, 64>}, {transform_indices = @transform_6, window_bounds = array<i64: 400, 64>}]} {
    %get3A = arith.constant 0 : index
    %get3A_0 = arith.constant 0 : index
    %get3A_1 = arith.constant 0 : index
    %get3A_2 = vector.load %arg2[%get3A, %get3A_0, %get3A_1] : memref<2x400x128xf32, #tpu.memory_space<vmem>>, vector<1x400x128xf32>
    %get3A_3 = vector.shape_cast %get3A_2 : vector<1x400x128xf32> to vector<400x128xf32>
    %get3A_4 = arith.constant 1 : index
    %get3A_5 = arith.constant 0 : index
    %get3A_6 = arith.constant 0 : index
    %get3A_7 = vector.load %arg2[%get3A_4, %get3A_5, %get3A_6] : memref<2x400x128xf32, #tpu.memory_space<vmem>>, vector<1x400x128xf32>
    %get3A_8 = vector.shape_cast %get3A_7 : vector<1x400x128xf32> to vector<400x128xf32>
    %add3A = arith.addf %get3A_3, %get3A_8 : vector<400x128xf32>
    %get3A_9 = arith.constant 0 : index
    %get3A_10 = arith.constant 0 : index
    %get3A_11 = arith.constant 0 : index
    %get3A_12 = vector.load %arg3[%get3A_9, %get3A_10, %get3A_11] : memref<2x400x128xf32, #tpu.memory_space<vmem>>, vector<1x400x1xf32>
    %get3A_13 = vector.shape_cast %get3A_12 : vector<1x400x1xf32> to vector<400x1xf32>
    %get3A_14 = arith.constant 1 : index
    %get3A_15 = arith.constant 0 : index
    %get3A_16 = arith.constant 0 : index
    %get3A_17 = vector.load %arg3[%get3A_14, %get3A_15, %get3A_16] : memref<2x400x128xf32, #tpu.memory_space<vmem>>, vector<1x400x1xf32>
    %get3A_18 = vector.shape_cast %get3A_17 : vector<1x400x1xf32> to vector<400x1xf32>
    %add3A_19 = arith.addf %get3A_13, %get3A_18 : vector<400x1xf32>
    %add3A_20 = arith.constant 1.000000e+00 : f32
    %add3A_21 = vector.broadcast %add3A_20 : f32 to vector<400x1xf32>
    %add3A_22 = arith.addf %add3A_19, %add3A_21 : vector<400x1xf32>
    %div3A = arith.constant 1.000000e+00 : f32
    %div3A_23 = vector.broadcast %div3A : f32 to vector<400x1xf32>
    %div3A_24 = arith.divf %div3A_23, %add3A_22 : vector<400x1xf32>
    %mul3A = vector.broadcast %div3A_24 : vector<400x1xf32> to vector<400x128xf32>
    %mul3A_25 = arith.mulf %add3A, %mul3A : vector<400x128xf32>
    %get3A_26 = arith.constant 0 : index
    %get3A_27 = arith.constant 0 : index
    %get3A_28 = vector.load %arg1[%get3A_26, %get3A_27] : memref<400x128xf32, #tpu.memory_space<vmem>>, vector<400x128xf32>
    %get3A_29 = arith.constant 0 : index
    %get3A_30 = arith.constant 0 : index
    %get3A_31 = vector.load %arg4[%get3A_29, %get3A_30] : memref<128x64xf32, #tpu.memory_space<vmem>>, vector<128x64xf32>
    %dot_general3A = arith.constant dense<0.000000e+00> : vector<400x64xf32>
    %dot_general3A_32 = tpu.matmul %get3A_28, %get3A_31, %dot_general3A {dimension_numbers = #tpu.dot_dimension_numbers<[1], [0], [0], [1], [0, 0, 1, 1], [], []>, transpose_lhs_hint = false} : vector<400x128xf32>, vector<128x64xf32>, vector<400x64xf32> -> vector<400x64xf32>
    %get3A_33 = arith.constant 0 : index
    %get3A_34 = arith.constant 0 : index
    %get3A_35 = vector.load %arg5[%get3A_33, %get3A_34] : memref<128x64xf32, #tpu.memory_space<vmem>>, vector<128x64xf32>
    %dot_general3A_36 = arith.constant dense<0.000000e+00> : vector<400x64xf32>
    %dot_general3A_37 = tpu.matmul %mul3A_25, %get3A_35, %dot_general3A_36 {dimension_numbers = #tpu.dot_dimension_numbers<[1], [0], [0], [1], [0, 0, 1, 1], [], []>, transpose_lhs_hint = false} : vector<400x128xf32>, vector<128x64xf32>, vector<400x64xf32> -> vector<400x64xf32>
    %add3A_38 = arith.addf %dot_general3A_32, %dot_general3A_37 : vector<400x64xf32>
    %get3A_39 = arith.constant 0 : index
    %get3A_40 = arith.constant 0 : index
    %get3A_41 = vector.load %arg6[%get3A_39, %get3A_40] : memref<1x64xf32, #tpu.memory_space<vmem>>, vector<1x64xf32>
    %add3A_42 = vector.broadcast %get3A_41 : vector<1x64xf32> to vector<400x64xf32>
    %add3A_43 = arith.addf %add3A_38, %add3A_42 : vector<400x64xf32>
    %swap3A = arith.constant 0 : index
    %swap3A_44 = arith.constant 0 : index
    %swap3A_45 = vector.load %arg7[%swap3A, %swap3A_44] : memref<400x64xf32, #tpu.memory_space<vmem>>, vector<400x64xf32>
    tpu.vector_store %arg7[%swap3A, %swap3A_44], %add3A_43 {strides = array<i32>} : memref<400x64xf32, #tpu.memory_space<vmem>>, vector<400x64xf32>,
    return
  }
  func.func @transform_0(%arg0: i32) -> (i32, i32) {
    %c0_i32 = arith.constant 0 : i32
    %c0_i32_0 = arith.constant 0 : i32
    return %arg0, %c0_i32 : i32, i32
  }
  func.func @transform_1(%arg0: i32) -> (i32, i32, i32) {
    %c0_i32 = arith.constant 0 : i32
    %c0_i32_0 = arith.constant 0 : i32
    %c0_i32_1 = arith.constant 0 : i32
    return %c0_i32, %arg0, %c0_i32_0 : i32, i32, i32
  }
  func.func @transform_2(%arg0: i32) -> (i32, i32, i32) {
    %c0_i32 = arith.constant 0 : i32
    %c0_i32_0 = arith.constant 0 : i32
    %c0_i32_1 = arith.constant 0 : i32
    return %c0_i32, %arg0, %c0_i32_0 : i32, i32, i32
  }
  func.func @transform_3(%arg0: i32) -> (i32, i32) {
    %c0_i32 = arith.constant 0 : i32
    %c0_i32_0 = arith.constant 0 : i32
    %c0_i32_1 = arith.constant 0 : i32
    return %c0_i32, %c0_i32_0 : i32, i32
  }
  func.func @transform_4(%arg0: i32) -> (i32, i32) {
    %c0_i32 = arith.constant 0 : i32
    %c0_i32_0 = arith.constant 0 : i32
    %c0_i32_1 = arith.constant 0 : i32
    return %c0_i32, %c0_i32_0 : i32, i32
  }
  func.func @transform_5(%arg0: i32) -> (i32, i32) {
    %c0_i32 = arith.constant 0 : i32
    %c0_i32_0 = arith.constant 0 : i32
    %c0_i32_1 = arith.constant 0 : i32
    return %c0_i32, %c0_i32_0 : i32, i32
  }
  func.func @transform_6(%arg0: i32) -> (i32, i32) {
    %c0_i32 = arith.constant 0 : i32
    %c0_i32_0 = arith.constant 0 : i32
    return %arg0, %c0_i32 : i32, i32
  }
}

</mosaic_0001>

<sc_bundles>
// kernel: kernel.10.cloned.1.call-start
scs
__scs_entry_jumppad:
0x0: {  	(pc) =	sbr.rel $0x88, $3  }
0x1: {  	(tag) =	ssettag $0x0;
	lr =	simm.s32 $0x1  }
0x2: {  	[smem:$0x3F96] =	sst lr;
	_ =	strace $0xD0000000  }
0x3: {  	_ = 	snop  }
0x4: {  	_ = 	snop  }
0x5: {  	_ = 	snop  }
0x6: {  	_ = 	snop  }
0x7: {  	_ = 	snop  }
__scs_overlays_trampoline_lowered:
0x8: {  	[smem:$0x3FA5] =	sst s0  }
0x9: {  	[smem:$0x3FA6] =	sst s1  }
0xa: {  	[smem:$0x3FA7] =	sst s2  }
0xb: {  	[smem:$0x3FA8] =	sst s3  }
0xc: {  	[smem:$0x3FA9] =	sst s4  }
0xd: {  	[smem:$0x3FAA] =	sst s5  }
0xe: {  	[smem:$0x3FAB] =	sst s6  }
0xf: {  	[smem:$0x3FAC] =	sst s7  }
0x10: {  	[smem:$0x3FAD] =	sst s8  }
0x11: {  	[smem:$0x3FAE] =	sst s9;
	s0 =	simm.s32 @!p0 $0x0  }
0x12: {  	s1 =	sld [smem:$0x3F94];
	s0 =	simm.s32 @p0 $0x1  }
0x13: {  	[smem:$0x3FAF] =	sst s0;
	s0 =	simm.s32 @!p1 $0x0  }
0x14: {  	s2 =	sld [smem:$0x3F93];
	s0 =	simm.s32 @p1 $0x1  }
0x15: {  	[smem:$0x3FB0] =	sst s0;
	s0 =	simm.s32 @!p2 $0x0  }
0x16: {  	s3 =	sld [smem:$0x3FDB];
	s0 =	simm.s32 @p2 $0x1  }
0x17: {  	s4 =	simm.s32 $0x1BF5;
	[smem:$0x3FB2] =	sst s0  }
0x18: {  	s0 =	sld [smem:$0x3F95];
	_ =	swait.ge [sflag:s4], $0x0  }
0x19: {  	s7 =	sld [smem:$0x3F96]  }
0x1a: {  	s8 =	sadd.s32 $0xFFFFE003, lr  }
0x1b: {  	s9 =	sadd.s32 $0xFFFFFEF7, lr;
	s5 =	simm.s32 $0xFFFFFFFF;
	p2 =	slt.u32 s8, $0xFFFFF086  }
0x1c: {  	p1 =	slt.u32 s9, $0xF7A;
	s5 =	simm.s32 @!p2 $0x0  }
0x1d: {  	s5 =	simm.s32 @p1 $0x1;
	p0 =	seq.s32 s7, s2  }
0x1e: {  	s7 =	smul.u32 @!p0 $0xF7A, s2;
	p2 =	seq.s32 @!p0 s5, $0x0  }
0x1f: {  	s9 =	smul.u32 $0xF7A, s1;
	s8 =	simm.s32 @!p0 $0x1BF5;
	p2 =	por !p2, p0  }
0x20: {  	[sflag:s8] =	ssyncset.s32 @!p0 $0xFFFFF086;
	s6 =	sadd.s32 @!p0 s3, s7;
	s7 =	simm.s32 @!p0 $0x108  }
0x21: {  	s3 =	sadd.s32 s3, s9;
	s6 =	sadd.s32 @!p0 $0x88, s6;
	s7 =	simm.s32 @p2 $0x1082  }
0x22: {  	[simem:s7], [sflag:s8] =	dma.local @!p0 [hbm:s6], $0xF7A  }
0x23: {  	s9 =	sor.u32 $0xD0000000, s2;
	s6 =	simm.s32 $0x108;
	_ =	swait.ge @!p0 [sflag:s8], $0x0  }
0x24: {  	s3 =	sadd.s32 $0x88, s3;
	s6 =	simm.s32 @!p1 $0x1082;
	[sflag:s4] =	ssyncset.s32 $0xFFFFF086  }
0x25: {  	[simem:s6], [sflag:s4] =	dma.local [hbm:s3], $0xF7A  }
0x26: {  	[smem:$0x3F96] =	sst s1;
	(tag) =	ssettag s2;
	_ =	strace s9  }
0x27: {  	s1 =	sld [smem:$0x3FA6]  }
0x28: {  	s2 =	sld [smem:$0x3FA7]  }
0x29: {  	s4 =	sld [smem:$0x3FA9]  }
0x2a: {  	p0 =	seq.s32 s5, $0x0;
	s5 =	sld [smem:$0x3FAA]  }
0x2b: {  	s6 =	sld [smem:$0x3FAB]  }
0x2c: {  	s7 =	sld [smem:$0x3FAC]  }
0x2d: {  	s3 =	simm.s32 $0x108;
	s8 =	sld [smem:$0x3FAD]  }
0x2e: {  	s3 =	simm.s32 @!p0 $0x1082;
	s9 =	sld [smem:$0x3FAE]  }
0x2f: {  	lr =	sadd.s32 s0, s3;
	s0 =	sld [smem:$0x3FA5]  }
0x30: {  	s3 =	sld [smem:$0x3FA8]  }
0x31: {  	[smem:$0x3FB1] =	sst s10  }
0x32: {  	s10 =	sld [smem:$0x3FAF];
	_ =	sdelay $0x3  }
0x33: {  	p0 =	seq.s32 s10, $0x1;
	s10 =	sld [smem:$0x3FB1];
	_ =	sdelay $0x3  }
0x34: {  	[smem:$0x3FB1] =	sst s10  }
0x35: {  	s10 =	sld [smem:$0x3FB0];
	_ =	sdelay $0x3  }
0x36: {  	p1 =	seq.s32 s10, $0x1;
	s10 =	sld [smem:$0x3FB1];
	_ =	sdelay $0x3  }
0x37: {  	[smem:$0x3FB1] =	sst s10  }
0x38: {  	s10 =	sld [smem:$0x3FB2]  }
0x39: {  	_ = 	snop;
	(pc) =	sbr.ind lr, $3  }
0x3a: {  	_ = 	snop  }
0x3b: {  	_ = 	snop  }
0x3c: {  	p2 =	seq.s32 s10, $0x1;
	s10 =	sld [smem:$0x3FB1]  }
0x3d: {  	_ =	shalt  }
0x3e: {  	_ =	shalt  }
0x3f: {  	_ =	shalt  }
0x40: {  	_ =	shalt  }
0x41: {  	_ =	shalt  }
0x42: {  	_ =	shalt  }
0x43: {  	_ =	shalt  }
0x44: {  	_ =	shalt  }
0x45: {  	_ =	shalt  }
0x46: {  	_ =	shalt  }
0x47: {  	_ =	shalt  }
0x48: {  	_ =	shalt  }
0x49: {  	_ =	shalt  }
0x4a: {  	_ =	shalt  }
0x4b: {  	_ =	shalt  }
0x4c: {  	_ =	shalt  }
0x4d: {  	_ =	shalt  }
0x4e: {  	_ =	shalt  }
0x4f: {  	_ =	shalt  }
0x50: {  	_ =	shalt  }
0x51: {  	_ =	shalt  }
0x52: {  	_ =	shalt  }
0x53: {  	_ =	shalt  }
0x54: {  	_ =	shalt  }
0x55: {  	_ =	shalt  }
0x56: {  	_ =	shalt  }
0x57: {  	_ =	shalt  }
0x58: {  	_ =	shalt  }
0x59: {  	_ =	shalt  }
0x5a: {  	_ =	shalt  }
0x5b: {  	_ =	shalt  }
0x5c: {  	_ =	shalt  }
0x5d: {  	_ =	shalt  }
0x5e: {  	_ =	shalt  }
0x5f: {  	_ =	shalt  }
0x60: {  	_ =	shalt  }
0x61: {  	_ =	shalt  }
0x62: {  	_ =	shalt  }
0x63: {  	_ =	shalt  }
0x64: {  	_ =	shalt  }
0x65: {  	_ =	shalt  }
0x66: {  	_ =	shalt  }
0x67: {  	_ =	shalt  }
0x68: {  	_ =	shalt  }
0x69: {  	_ =	shalt  }
0x6a: {  	_ =	shalt  }
0x6b: {  	_ =	shalt  }
0x6c: {  	_ =	shalt  }
0x6d: {  	_ =	shalt  }
0x6e: {  	_ =	shalt  }
0x6f: {  	_ =	shalt  }
0x70: {  	_ =	shalt  }
0x71: {  	_ =	shalt  }
0x72: {  	_ =	shalt  }
0x73: {  	_ =	shalt  }
0x74: {  	_ =	shalt  }
0x75: {  	_ =	shalt  }
0x76: {  	_ =	shalt  }
0x77: {  	_ =	shalt  }
0x78: {  	_ =	shalt  }
0x79: {  	_ =	shalt  }
0x7a: {  	_ =	shalt  }
0x7b: {  	_ =	shalt  }
0x7c: {  	_ =	shalt  }
0x7d: {  	_ =	shalt  }
0x7e: {  	_ =	shalt  }
0x7f: {  	_ =	shalt  }
0x80: {  	_ =	shalt  }
0x81: {  	_ =	shalt  }
0x82: {  	_ =	shalt  }
0x83: {  	_ =	shalt  }
0x84: {  	_ =	shalt  }
0x85: {  	_ =	shalt  }
0x86: {  	_ =	shalt  }
0x87: {  	_ =	shalt  }
.Lfunc_end0:
.L_simem_size_0:
called_computation_lowered:
.L_overlay_start_0:
0x88: {  	s2 =	sld [smem:$0x3FD9]  }
0x89: {  	s3 =	sld [smem:$0x3FFE];
	_ =	sdelay $0x1  }
0x8a: {  	s1 =	srdreg.scid  }
0x8b: {  	s0 =	sand.u32 $0x1, s1  }
0x8c: {  	s17 =	sshll.u32 s0, $0xA;
	s2 =	sadd.s32 s3, s2  }
0x8d: {  	s2 =	sadd.s32 s2, s17  }
0x8e: {  	[smem:$0x3FBD] =	sst s2  }
0x8f: {  	_ = 	snop  }
0x90: {  	(tm) =	ssettm $0x1  }
0x91: {  	s18 =	sld [smem:$0x3FFB];
	_ =	sdelay $0x3  }
0x92: {  	_ =	strace s18  }
0x93: {  	s2 =	sld [smem:$0x3FFC];
	_ =	sdelay $0x3  }
0x94: {  	_ =	strace s2  }
0x95: {  	s2 =	sld [smem:$0x3FFD];
	_ =	sdelay $0x3  }
0x96: {  	_ =	strace s2  }
0x97: {  	_ =	strace $0x8FFFFFFF  }
0x98: {  	s19 =	sld [smem:$0x3FDB];
	_ =	sdelay $0x1  }
0x99: {  	s20 =	simm.s32 $_scs_section_size  }
0x9a: {  	s4 =	simm.s32 $_size__tile_overlayer_lowered;
	s5 =	simm.s32 $_tile_overlayer_lowered  }
0x9b: {  	s6 =	simm.s32 $0x1BFF;
	s21 =	sshll.u32 s5, $0x1;
	s3 =	sadd.s32 s20, s19  }
0x9c: {  	s22 =	simm.s32 $0x0;
	s4 =	sshll.u32 s4, $0x1;
	s5 =	sadd.s32 s21, s3  }
0x9d: {  	[timem:s22], [sflag:s6] =	dma.local [hbm:s5], s4  }
0x9e: {  	_ =	swait.ge [sflag:s6], s4  }
0x9f: {  	s4 =	ssub.s32 $0x0, s4;
	[sflag:s6] =	ssyncset.done $0x0  }
0xa0: {  	[sflag:s6] =	ssyncadd.s32 s4;
	_ =	sdelay $0x1  }
0xa1: {  	s23 =	simm.s32 $0x1B8B  }
0xa2: {  	_ =	swait.ge [sflag:s23], $0x1  }
0xa3: {  	[sflag:s23] =	ssyncset.done $0x0  }
0xa4: {  	[sflag:s23] =	ssyncadd.s32 $0xFFFFFFFF  }
0xa5: {  	s4 =	sld [smem:$0x0]  }
0xa6: {  	s5 =	sand.u32 $0xFFFFFFFE, s1  }
0xa7: {  	p0 =	sne.s32 s1, s5  }
0xa8: {  	s5 =	sshll.u32 @p0 s5, $0xE  }
0xa9: {  	s5 =	sadd.s32 @p0 $0x11B8D, s5;
	s6 =	sshll.u32 @p0 s4, $0x11  }
0xaa: {  	s5 =	sor.u32 @p0 s6, s5  }
0xab: {  	[sflag:s5] =	ssyncadd.remote.s32 @p0 $0x1;
	_ =	sdelay $0x1  }
0xac: {  	s5 =	simm.s32 @p0 $0x1B8D  }
0xad: {  	_ =	swait.eq @p0 [sflag:s5], $0x1  }
0xae: {  	[sflag:s5] =	ssyncadd.s32 @p0 $0xFFFFFFFF  }
0xaf: {  	s6 =	sshll.u32 @!p0 s1, $0xE  }
0xb0: {  	s6 =	sor.u32 @!p0 $0x4000, s6;
	s5 =	simm.s32 @!p0 $0x1B8D  }
0xb1: {  	s4 =	sshll.u32 @!p0 s4, $0x11;
	s6 =	sadd.s32 @!p0 $0x11B8D, s6;
	_ =	swait.eq @!p0 [sflag:s5], $0x1  }
0xb2: {  	s4 =	sor.u32 @!p0 s4, s6;
	[sflag:s5] =	ssyncadd.s32 @!p0 $0xFFFFFFFF  }
0xb3: {  	s25 =	simm.s32 $0x1B8E;
	s24 =	sld [smem:$0x3FFE];
	[sflag:s4] =	ssyncadd.remote.s32 @!p0 $0x1  }
0xb4: {  	s26 =	simm.s32 $execute0_lowered;
	[smem:$0x3FD2] =	sst s25  }
0xb5: {  	s5 =	sshll.u32 s26, $0x1;
	_ =	strace $0x80000049;
	[dreg:$0x1] =	wrdreg $0xFFFFFFFF  }
0xb6: {  	s28 =	simm.s32 $_size_execute0_lowered;
	s3 =	sadd.s32 s3, s5;
	[dreg:$0x0] =	wrdreg $0x0  }
0xb7: {  	s5 =	sshll.u32 s28, $0x1;
	[dreg:$0x2] =	wrdreg s3  }
0xb8: {  	[dreg:$0x3] =	wrdreg s5  }
0xb9: {  	[dreg:$0x4] =	wrdreg $0xC0  }
0xba: {  	_ =	task [dreg:s22], $0x5FFFF  }
0xbb: {  	[dreg:$0x1] =	wrdreg $0xFFFFFFFF  }
0xbc: {  	[dreg:$0x0] =	wrdreg $0x60  }
0xbd: {  	[dreg:$0x2] =	wrdreg s24  }
0xbe: {  	[dreg:$0x3] =	wrdreg $0x48000  }
0xbf: {  	[dreg:$0x4] =	wrdreg $0x9  }
0xc0: {  	_ =	task.clear_ibuf [dreg:s22], $0x5FFFF;
	_ =	strace $0x90000049  }
0xc1: {  	s29 =	simm.s32 $0x9;
	_ =	strace $0x8000004B  }
0xc2: {  	_ =	swait.ge [sflag:s29], $0x1  }
0xc3: {  	[sflag:s29] =	ssyncadd.s32 $0xFFFFFFFF  }
0xc4: {  	_ =	strace $0x9000004B  }
0xc5: {  	_ =	sfence  }
0xc6: {  	s30 =	sld [smem:$0x0];
	_ =	sdelay $0x2  }
0xc7: {  	s31 =	sshll.u32 s1, $0xD;
	s1 =	sshrl.u32 s1, $0x2  }
0xc8: {  	s4 =	sand.u32 $0x4000, s31;
	s1 =	sadd.s32 s1, s30  }
0xc9: {  	s0 =	sor.u32 s4, s0;
	s1 =	sshll.u32 s1, $0x11  }
0xca: {  	s0 =	sor.u32 s1, s0  }
0xcb: {  	s0 =	sadd.s32 $0x8F2B, s0  }
0xcc: {  	[sflag:s0] =	ssyncadd.remote.s32 $0x1  }
0xcd: {  	_ =	sfence.sel $0xFFFF  }
0xce: {  	[dreg:$0x0] =	wrdreg $0xFFFFFFFF;
	(pc) =	sbr.abs _section_cstart, $3  }
0xcf: {  	[dreg:$0x1] =	wrdreg $0xFFFFFFFF  }
0xd0: {  	_ =	task.clear_ibuf [dreg:s22], $0x2FFFF;
	_ =	strace $0x9FFFFFFF  }
0xd1: {  	(tm) =	ssettm $0x7FFFFFFF  }
tec
execute0_lowered:
.L_overlay_start_1:
0x0: {  	(tag) =	ssettag $0x1  }
0x1: {  	s0 =	srdreg.scid;
	s1 =	rddreg [dreg:$0x0]  }
0x2: {  	s23 =	stileid.u32;
	s2 =	rddreg [dreg:$0x1];
	s3 =	simm.s32 $0x0  }
0x3: {  	s12 =	simm.s32 $0x800;
	s13 =	simm.s32 $0x80;
	s14 =	simm.s32 $0x100  }
0x4: {  	s15 =	simm.s32 $0x180;
	s16 =	simm.s32 $0x200;
	s17 =	simm.s32 $0x280  }
0x5: {  	s18 =	simm.s32 $0x300;
	s19 =	simm.s32 $0x380;
	s20 =	simm.s32 $0x400  }
0x6: {  	s21 =	simm.s32 $0x480;
	s22 =	simm.s32 $0x500;
	s6 =	smul.u32 $0x2800, s23  }
0x7: {  	s28 =	simm.s32 $0x780;
	s29 =	simm.s32 $0x0;
	s24 =	smul.u32 $0x13C00, s23  }
0x8: {  	s5 =	sand.u32 $0x1, s0;
	[smem:$0x7FF] =	sst s3;
	s8 =	smul.u32 $0x4F000, s23  }
0x9: {  	s31 =	sshll.u32 s23, $0x6;
	s23 =	simm.s32 $0x580;
	s4 =	smul.u32 $0x28000, s5  }
0xa: {  	s7 =	smul.u32 $0x13C000, s5;
	_ =	strace $0x8000004A;
	s25 =	ssub.s32 $0x2, s5  }
0xb: {  	s5 =	sadd.s32 $0x8F600, s1;
	s26 =	sshrl.u32 s25, $0x1;
	s30 =	sshrl.u32 s8, $0x2  }
0xc: {  	s4 =	sadd.s32 s6, s4;
	s6 =	sadd.s32 s24, s7;
	s10 =	ssub.s32 s25, s26  }
0xd: {  	s11 =	sadd.s32 s30, s2;
	s24 =	simm.s32 $0x600;
	s25 =	simm.s32 $0x680  }
0xe: {  	s26 =	simm.s32 $0x700;
	s4 =	sshrl.u32 s4, $0x3;
	s6 =	sshrl.u32 s6, $0x3  }
0xf: {  	s8 =	smax.u32 s10, $0x1;
	s10 =	sshrl.u32 s11, $0x3;
	s11 =	simm.s32 $0x1  }
0x10: {  	s9 =	sadd.s32 s4, s1;
	s4 =	sadd.s32 $0x3DE00, s1;
	s1 =	sadd.s32 s6, s1  }
0x11: {  	s6 =	sor.u32 $0x1C01, s31;
	s7 =	sadd.s32 $0x8FE00, s1;
	s9 =	sadd.s32 $0x2C00, s9  }
.LBB2_1:
0x12: {  	[spmem:s10], [sflag:s6] =	dma.local [hbm:s4], $0x2780  }
0x13: {  	_ =	swait.ge [sflag:s11], $0x2780  }
0x14: {  	[sflag:s11] =	ssyncset.done $0x0  }
0x15: {  	[sflag:s11] =	ssyncadd.s32 $0xFFFFD880  }
0x16: {  	[tilespmem:s12], [sflag:$0x1] =	stream.linear.gather [hbm4b:s5+s3], $0x4000, $0x38;
	[tilespmem:$0x18400] =	vst v63  }
0x17: {  	_ =	swait.ge [sflag:s11], $0x4000  }
0x18: {  	[sflag:s11] =	ssyncset.done $0x0  }
0x19: {  	[sflag:s11] =	ssyncadd.s32 $0xFFFFC000  }
0x1a: {  	s1 =	sadd.s32 $0x0, s9;
	[bflag:$0x0] =	sbarrier.arrive $0xFFFF  }
0x1b: {  	[tilespmem:s3], [sflag:$0x1] =	stream.linear.gather [hbm4b:s1+s3], $0x800, $0x38;
	[tilespmem:$0x18400] =	vst v63  }
0x1c: {  	_ =	swait.ge [sflag:s11], $0x800  }
0x1d: {  	[sflag:s11] =	ssyncset.done $0x0  }
0x1e: {  	[sflag:s11] =	ssyncadd.s32 $0xFFFFF800  }
0x1f: {  	[spmem:s2] =	stream.indirect.scatter.add.f32 [tilespmem:s12], [sflag:$0x1], $0x80, s3, s13, $0xb8;
	[tilespmem:$0x18400] =	vst v63  }
0x20: {  	_ =	swait.ge [sflag:s11], $0x4000  }
0x21: {  	[sflag:s11] =	ssyncset.done $0x0  }
0x22: {  	[sflag:s11] =	ssyncadd.s32 $0xFFFFC000  }
0x23: {  	[spmem:s2] =	stream.indirect.scatter.add.f32 [tilespmem:s12], [sflag:$0x1], $0x80, s13, s13, $0xb8;
	[tilespmem:$0x18400] =	vst v63  }
0x24: {  	_ =	swait.ge [sflag:s11], $0x4000  }
0x25: {  	[sflag:s11] =	ssyncset.done $0x0  }
0x26: {  	[sflag:s11] =	ssyncadd.s32 $0xFFFFC000  }
0x27: {  	[spmem:s2] =	stream.indirect.scatter.add.f32 [tilespmem:s12], [sflag:$0x1], $0x80, s14, s13, $0xb8;
	[tilespmem:$0x18400] =	vst v63  }
0x28: {  	_ =	swait.ge [sflag:s11], $0x4000  }
0x29: {  	[sflag:s11] =	ssyncset.done $0x0  }
0x2a: {  	[sflag:s11] =	ssyncadd.s32 $0xFFFFC000  }
0x2b: {  	[spmem:s2] =	stream.indirect.scatter.add.f32 [tilespmem:s12], [sflag:$0x1], $0x80, s15, s13, $0xb8;
	[tilespmem:$0x18400] =	vst v63  }
0x2c: {  	_ =	swait.ge [sflag:s11], $0x4000  }
0x2d: {  	[sflag:s11] =	ssyncset.done $0x0  }
0x2e: {  	[sflag:s11] =	ssyncadd.s32 $0xFFFFC000  }
0x2f: {  	[spmem:s2] =	stream.indirect.scatter.add.f32 [tilespmem:s12], [sflag:$0x1], $0x80, s16, s13, $0xb8;
	[tilespmem:$0x18400] =	vst v63  }
0x30: {  	_ =	swait.ge [sflag:s11], $0x4000  }
0x31: {  	[sflag:s11] =	ssyncset.done $0x0  }
0x32: {  	[sflag:s11] =	ssyncadd.s32 $0xFFFFC000  }
0x33: {  	[spmem:s2] =	stream.indirect.scatter.add.f32 [tilespmem:s12], [sflag:$0x1], $0x80, s17, s13, $0xb8;
	[tilespmem:$0x18400] =	vst v63  }
0x34: {  	_ =	swait.ge [sflag:s11], $0x4000  }
0x35: {  	[sflag:s11] =	ssyncset.done $0x0  }
0x36: {  	[sflag:s11] =	ssyncadd.s32 $0xFFFFC000  }
0x37: {  	[spmem:s2] =	stream.indirect.scatter.add.f32 [tilespmem:s12], [sflag:$0x1], $0x80, s18, s13, $0xb8;
	[tilespmem:$0x18400] =	vst v63  }
0x38: {  	_ =	swait.ge [sflag:s11], $0x4000  }
0x39: {  	[sflag:s11] =	ssyncset.done $0x0  }
0x3a: {  	[sflag:s11] =	ssyncadd.s32 $0xFFFFC000  }
0x3b: {  	[spmem:s2] =	stream.indirect.scatter.add.f32 [tilespmem:s12], [sflag:$0x1], $0x80, s19, s13, $0xb8;
	[tilespmem:$0x18400] =	vst v63  }
0x3c: {  	_ =	swait.ge [sflag:s11], $0x4000  }
0x3d: {  	[sflag:s11] =	ssyncset.done $0x0  }
0x3e: {  	[sflag:s11] =	ssyncadd.s32 $0xFFFFC000  }
0x3f: {  	[spmem:s2] =	stream.indirect.scatter.add.f32 [tilespmem:s12], [sflag:$0x1], $0x80, s20, s13, $0xb8;
	[tilespmem:$0x18400] =	vst v63  }
0x40: {  	_ =	swait.ge [sflag:s11], $0x4000  }
0x41: {  	[sflag:s11] =	ssyncset.done $0x0  }
0x42: {  	[sflag:s11] =	ssyncadd.s32 $0xFFFFC000  }
0x43: {  	[spmem:s2] =	stream.indirect.scatter.add.f32 [tilespmem:s12], [sflag:$0x1], $0x80, s21, s13, $0xb8;
	[tilespmem:$0x18400] =	vst v63  }
0x44: {  	_ =	swait.ge [sflag:s11], $0x4000  }
0x45: {  	[sflag:s11] =	ssyncset.done $0x0  }
0x46: {  	[sflag:s11] =	ssyncadd.s32 $0xFFFFC000  }
0x47: {  	[spmem:s2] =	stream.indirect.scatter.add.f32 [tilespmem:s12], [sflag:$0x1], $0x80, s22, s13, $0xb8;
	[tilespmem:$0x18400] =	vst v63  }
0x48: {  	_ =	swait.ge [sflag:s11], $0x4000  }
0x49: {  	[sflag:s11] =	ssyncset.done $0x0  }
0x4a: {  	[sflag:s11] =	ssyncadd.s32 $0xFFFFC000  }
0x4b: {  	[spmem:s2] =	stream.indirect.scatter.add.f32 [tilespmem:s12], [sflag:$0x1], $0x80, s23, s13, $0xb8;
	[tilespmem:$0x18400] =	vst v63  }
0x4c: {  	_ =	swait.ge [sflag:s11], $0x4000  }
0x4d: {  	[sflag:s11] =	ssyncset.done $0x0  }
0x4e: {  	[sflag:s11] =	ssyncadd.s32 $0xFFFFC000  }
0x4f: {  	[spmem:s2] =	stream.indirect.scatter.add.f32 [tilespmem:s12], [sflag:$0x1], $0x80, s24, s13, $0xb8;
	[tilespmem:$0x18400] =	vst v63  }
0x50: {  	_ =	swait.ge [sflag:s11], $0x4000  }
0x51: {  	[sflag:s11] =	ssyncset.done $0x0  }
0x52: {  	[sflag:s11] =	ssyncadd.s32 $0xFFFFC000  }
0x53: {  	[spmem:s2] =	stream.indirect.scatter.add.f32 [tilespmem:s12], [sflag:$0x1], $0x80, s25, s13, $0xb8;
	[tilespmem:$0x18400] =	vst v63  }
0x54: {  	_ =	swait.ge [sflag:s11], $0x4000  }
0x55: {  	[sflag:s11] =	ssyncset.done $0x0  }
0x56: {  	[sflag:s11] =	ssyncadd.s32 $0xFFFFC000  }
0x57: {  	[spmem:s2] =	stream.indirect.scatter.add.f32 [tilespmem:s12], [sflag:$0x1], $0x80, s26, s13, $0xb8;
	[tilespmem:$0x18400] =	vst v63  }
0x58: {  	_ =	swait.ge [sflag:s11], $0x4000  }
0x59: {  	[sflag:s11] =	ssyncset.done $0x0  }
0x5a: {  	[sflag:s11] =	ssyncadd.s32 $0xFFFFC000  }
0x5b: {  	[spmem:s2] =	stream.indirect.scatter.add.f32 [tilespmem:s12], [sflag:$0x1], $0x80, s28, s13, $0xb8;
	[tilespmem:$0x18400] =	vst v63  }
0x5c: {  	_ =	swait.ge [sflag:s11], $0x4000  }
0x5d: {  	s30 =	simm.s32 $0x100;
	s31 =	simm.s32 $0x200;
	[sflag:s11] =	ssyncset.done $0x0  }
.LBB2_2:
0x5e: {  	s0 =	sadd.s32 s30, s9  }
0x5f: {  	[sflag:s11] =	ssyncadd.s32 $0xFFFFC000;
	s30 =	smov.u32 s31;
	s1 =	sadd.s32 $0x100, s31  }
0x60: {  	[tilespmem:s3], [sflag:$0x1] =	stream.linear.gather [hbm4b:s0+s3], $0x800, $0x38;
	[tilespmem:$0x18400] =	vst v63  }
0x61: {  	p0 =	sne.s32 s31, $0x400;
	_ =	swait.ge [sflag:s11], $0x800  }
0x62: {  	[sflag:s11] =	ssyncset.done $0x0  }
0x63: {  	[sflag:s11] =	ssyncadd.s32 $0xFFFFF800  }
0x64: {  	[spmem:s2] =	stream.indirect.scatter.add.f32 [tilespmem:s12], [sflag:$0x1], $0x80, s3, s13, $0xb8;
	[tilespmem:$0x18400] =	vst v63  }
0x65: {  	_ =	swait.ge [sflag:s11], $0x4000  }
0x66: {  	[sflag:s11] =	ssyncset.done $0x0  }
0x67: {  	[sflag:s11] =	ssyncadd.s32 $0xFFFFC000  }
0x68: {  	[spmem:s2] =	stream.indirect.scatter.add.f32 [tilespmem:s12], [sflag:$0x1], $0x80, s13, s13, $0xb8;
	[tilespmem:$0x18400] =	vst v63  }
0x69: {  	_ =	swait.ge [sflag:s11], $0x4000  }
0x6a: {  	[sflag:s11] =	ssyncset.done $0x0  }
0x6b: {  	[sflag:s11] =	ssyncadd.s32 $0xFFFFC000  }
0x6c: {  	[spmem:s2] =	stream.indirect.scatter.add.f32 [tilespmem:s12], [sflag:$0x1], $0x80, s14, s13, $0xb8;
	[tilespmem:$0x18400] =	vst v63  }
0x6d: {  	_ =	swait.ge [sflag:s11], $0x4000  }
0x6e: {  	[sflag:s11] =	ssyncset.done $0x0  }
0x6f: {  	[sflag:s11] =	ssyncadd.s32 $0xFFFFC000  }
0x70: {  	[spmem:s2] =	stream.indirect.scatter.add.f32 [tilespmem:s12], [sflag:$0x1], $0x80, s15, s13, $0xb8;
	[tilespmem:$0x18400] =	vst v63  }
0x71: {  	_ =	swait.ge [sflag:s11], $0x4000  }
0x72: {  	[sflag:s11] =	ssyncset.done $0x0  }
0x73: {  	[sflag:s11] =	ssyncadd.s32 $0xFFFFC000  }
0x74: {  	[spmem:s2] =	stream.indirect.scatter.add.f32 [tilespmem:s12], [sflag:$0x1], $0x80, s16, s13, $0xb8;
	[tilespmem:$0x18400] =	vst v63  }
0x75: {  	_ =	swait.ge [sflag:s11], $0x4000  }
0x76: {  	[sflag:s11] =	ssyncset.done $0x0  }
0x77: {  	[sflag:s11] =	ssyncadd.s32 $0xFFFFC000  }
0x78: {  	[spmem:s2] =	stream.indirect.scatter.add.f32 [tilespmem:s12], [sflag:$0x1], $0x80, s17, s13, $0xb8;
	[tilespmem:$0x18400] =	vst v63  }
0x79: {  	_ =	swait.ge [sflag:s11], $0x4000  }
0x7a: {  	[sflag:s11] =	ssyncset.done $0x0  }
0x7b: {  	[sflag:s11] =	ssyncadd.s32 $0xFFFFC000  }
0x7c: {  	[spmem:s2] =	stream.indirect.scatter.add.f32 [tilespmem:s12], [sflag:$0x1], $0x80, s18, s13, $0xb8;
	[tilespmem:$0x18400] =	vst v63  }
0x7d: {  	_ =	swait.ge [sflag:s11], $0x4000  }
0x7e: {  	[sflag:s11] =	ssyncset.done $0x0  }
0x7f: {  	[sflag:s11] =	ssyncadd.s32 $0xFFFFC000  }
0x80: {  	[spmem:s2] =	stream.indirect.scatter.add.f32 [tilespmem:s12], [sflag:$0x1], $0x80, s19, s13, $0xb8;
	[tilespmem:$0x18400] =	vst v63  }
0x81: {  	_ =	swait.ge [sflag:s11], $0x4000  }
0x82: {  	[sflag:s11] =	ssyncset.done $0x0  }
0x83: {  	[sflag:s11] =	ssyncadd.s32 $0xFFFFC000  }
0x84: {  	[spmem:s2] =	stream.indirect.scatter.add.f32 [tilespmem:s12], [sflag:$0x1], $0x80, s20, s13, $0xb8;
	[tilespmem:$0x18400] =	vst v63  }
0x85: {  	_ =	swait.ge [sflag:s11], $0x4000  }
0x86: {  	[sflag:s11] =	ssyncset.done $0x0  }
0x87: {  	[sflag:s11] =	ssyncadd.s32 $0xFFFFC000  }
0x88: {  	[spmem:s2] =	stream.indirect.scatter.add.f32 [tilespmem:s12], [sflag:$0x1], $0x80, s21, s13, $0xb8;
	[tilespmem:$0x18400] =	vst v63  }
0x89: {  	_ =	swait.ge [sflag:s11], $0x4000  }
0x8a: {  	[sflag:s11] =	ssyncset.done $0x0  }
0x8b: {  	[sflag:s11] =	ssyncadd.s32 $0xFFFFC000  }
0x8c: {  	[spmem:s2] =	stream.indirect.scatter.add.f32 [tilespmem:s12], [sflag:$0x1], $0x80, s22, s13, $0xb8;
	[tilespmem:$0x18400] =	vst v63  }
0x8d: {  	_ =	swait.ge [sflag:s11], $0x4000  }
0x8e: {  	[sflag:s11] =	ssyncset.done $0x0  }
0x8f: {  	[sflag:s11] =	ssyncadd.s32 $0xFFFFC000  }
0x90: {  	[spmem:s2] =	stream.indirect.scatter.add.f32 [tilespmem:s12], [sflag:$0x1], $0x80, s23, s13, $0xb8;
	[tilespmem:$0x18400] =	vst v63  }
0x91: {  	_ =	swait.ge [sflag:s11], $0x4000  }
0x92: {  	[sflag:s11] =	ssyncset.done $0x0  }
0x93: {  	[sflag:s11] =	ssyncadd.s32 $0xFFFFC000  }
0x94: {  	[spmem:s2] =	stream.indirect.scatter.add.f32 [tilespmem:s12], [sflag:$0x1], $0x80, s24, s13, $0xb8;
	[tilespmem:$0x18400] =	vst v63  }
0x95: {  	_ =	swait.ge [sflag:s11], $0x4000  }
0x96: {  	[sflag:s11] =	ssyncset.done $0x0  }
0x97: {  	[sflag:s11] =	ssyncadd.s32 $0xFFFFC000  }
0x98: {  	[spmem:s2] =	stream.indirect.scatter.add.f32 [tilespmem:s12], [sflag:$0x1], $0x80, s25, s13, $0xb8;
	[tilespmem:$0x18400] =	vst v63  }
0x99: {  	_ =	swait.ge [sflag:s11], $0x4000  }
0x9a: {  	[sflag:s11] =	ssyncset.done $0x0  }
0x9b: {  	[sflag:s11] =	ssyncadd.s32 $0xFFFFC000  }
0x9c: {  	[spmem:s2] =	stream.indirect.scatter.add.f32 [tilespmem:s12], [sflag:$0x1], $0x80, s26, s13, $0xb8;
	[tilespmem:$0x18400] =	vst v63  }
0x9d: {  	_ =	swait.ge [sflag:s11], $0x4000  }
.Ltmp0:
0x9e: {  	[sflag:s11] =	ssyncset.done $0x0;
	(pc) =	sbr.rel @p0 .LBB2_2-.Ltmp0, $4  }
0x9f: {  	[sflag:s11] =	ssyncadd.s32 $0xFFFFC000  }
0xa0: {  	[spmem:s2] =	stream.indirect.scatter.add.f32 [tilespmem:s12], [sflag:$0x1], $0x80, s28, s13, $0xb8;
	[tilespmem:$0x18400] =	vst v63  }
0xa1: {  	_ =	swait.ge [sflag:s11], $0x4000  }
0xa2: {  	s31 =	smov.u32 s1;
	[sflag:s11] =	ssyncset.done $0x0  }
0xa3: {  	s0 =	sadd.s32 s30, s9;
	[sflag:s11] =	ssyncadd.s32 $0xFFFFC000  }
0xa4: {  	[tilespmem:s3], [sflag:$0x1] =	stream.linear.gather [hbm4b:s0+s3], $0x800, $0x38;
	[tilespmem:$0x18400] =	vst v63  }
0xa5: {  	_ =	swait.ge [sflag:s11], $0x800  }
0xa6: {  	[sflag:s11] =	ssyncset.done $0x0  }
0xa7: {  	[sflag:s11] =	ssyncadd.s32 $0xFFFFF800  }
0xa8: {  	[spmem:s2] =	stream.indirect.scatter.add.f32 [tilespmem:s12], [sflag:$0x1], $0x80, s3, s13, $0xb8;
	[tilespmem:$0x18400] =	vst v63  }
0xa9: {  	_ =	swait.ge [sflag:s11], $0x4000  }
0xaa: {  	[sflag:s11] =	ssyncset.done $0x0  }
0xab: {  	[sflag:s11] =	ssyncadd.s32 $0xFFFFC000  }
0xac: {  	[spmem:s2] =	stream.indirect.scatter.add.f32 [tilespmem:s12], [sflag:$0x1], $0x80, s13, s13, $0xb8;
	[tilespmem:$0x18400] =	vst v63  }
0xad: {  	_ =	swait.ge [sflag:s11], $0x4000  }
0xae: {  	[sflag:s11] =	ssyncset.done $0x0  }
0xaf: {  	[sflag:s11] =	ssyncadd.s32 $0xFFFFC000  }
0xb0: {  	[spmem:s2] =	stream.indirect.scatter.add.f32 [tilespmem:s12], [sflag:$0x1], $0x80, s14, s13, $0xb8;
	[tilespmem:$0x18400] =	vst v63  }
0xb1: {  	_ =	swait.ge [sflag:s11], $0x4000  }
0xb2: {  	[sflag:s11] =	ssyncset.done $0x0  }
0xb3: {  	[sflag:s11] =	ssyncadd.s32 $0xFFFFC000  }
0xb4: {  	[spmem:s2] =	stream.indirect.scatter.add.f32 [tilespmem:s12], [sflag:$0x1], $0x80, s15, s13, $0xb8;
	[tilespmem:$0x18400] =	vst v63  }
0xb5: {  	_ =	swait.ge [sflag:s11], $0x4000  }
0xb6: {  	[sflag:s11] =	ssyncset.done $0x0  }
0xb7: {  	[sflag:s11] =	ssyncadd.s32 $0xFFFFC000  }
0xb8: {  	[spmem:s2] =	stream.indirect.scatter.add.f32 [tilespmem:s12], [sflag:$0x1], $0x80, s16, s13, $0xb8;
	[tilespmem:$0x18400] =	vst v63  }
0xb9: {  	_ =	swait.ge [sflag:s11], $0x4000  }
0xba: {  	[sflag:s11] =	ssyncset.done $0x0  }
0xbb: {  	[sflag:s11] =	ssyncadd.s32 $0xFFFFC000  }
0xbc: {  	[spmem:s2] =	stream.indirect.scatter.add.f32 [tilespmem:s12], [sflag:$0x1], $0x80, s17, s13, $0xb8;
	[tilespmem:$0x18400] =	vst v63  }
0xbd: {  	_ =	swait.ge [sflag:s11], $0x4000  }
0xbe: {  	[sflag:s11] =	ssyncset.done $0x0  }
0xbf: {  	[sflag:s11] =	ssyncadd.s32 $0xFFFFC000  }
0xc0: {  	[spmem:s2] =	stream.indirect.scatter.add.f32 [tilespmem:s12], [sflag:$0x1], $0x80, s18, s13, $0xb8;
	[tilespmem:$0x18400] =	vst v63  }
0xc1: {  	_ =	swait.ge [sflag:s11], $0x4000  }
0xc2: {  	[sflag:s11] =	ssyncset.done $0x0  }
0xc3: {  	[sflag:s11] =	ssyncadd.s32 $0xFFFFC000  }
0xc4: {  	[spmem:s2] =	stream.indirect.scatter.add.f32 [tilespmem:s12], [sflag:$0x1], $0x80, s19, s13, $0xb8;
	[tilespmem:$0x18400] =	vst v63  }
0xc5: {  	_ =	swait.ge [sflag:s11], $0x4000  }
0xc6: {  	[sflag:s11] =	ssyncset.done $0x0  }
0xc7: {  	[sflag:s11] =	ssyncadd.s32 $0xFFFFC000  }
0xc8: {  	[spmem:s2] =	stream.indirect.scatter.add.f32 [tilespmem:s12], [sflag:$0x1], $0x80, s20, s13, $0xb8;
	[tilespmem:$0x18400] =	vst v63  }
0xc9: {  	_ =	swait.ge [sflag:s11], $0x4000  }
0xca: {  	[sflag:s11] =	ssyncset.done $0x0  }
0xcb: {  	[sflag:s11] =	ssyncadd.s32 $0xFFFFC000  }
0xcc: {  	[spmem:s2] =	stream.indirect.scatter.add.f32 [tilespmem:s12], [sflag:$0x1], $0x80, s21, s13, $0xb8;
	[tilespmem:$0x18400] =	vst v63  }
0xcd: {  	_ =	swait.ge [sflag:s11], $0x4000  }
0xce: {  	[sflag:s11] =	ssyncset.done $0x0  }
0xcf: {  	[sflag:s11] =	ssyncadd.s32 $0xFFFFC000  }
0xd0: {  	[spmem:s2] =	stream.indirect.scatter.add.f32 [tilespmem:s12], [sflag:$0x1], $0x80, s22, s13, $0xb8;
	[tilespmem:$0x18400] =	vst v63  }
0xd1: {  	_ =	swait.ge [sflag:s11], $0x4000  }
0xd2: {  	[sflag:s11] =	ssyncset.done $0x0  }
0xd3: {  	[sflag:s11] =	ssyncadd.s32 $0xFFFFC000  }
0xd4: {  	[spmem:s2] =	stream.indirect.scatter.add.f32 [tilespmem:s12], [sflag:$0x1], $0x80, s23, s13, $0xb8;
	[tilespmem:$0x18400] =	vst v63  }
0xd5: {  	_ =	swait.ge [sflag:s11], $0x4000  }
0xd6: {  	[sflag:s11] =	ssyncset.done $0x0  }
0xd7: {  	[sflag:s11] =	ssyncadd.s32 $0xFFFFC000  }
0xd8: {  	[spmem:s2] =	stream.indirect.scatter.add.f32 [tilespmem:s12], [sflag:$0x1], $0x80, s24, s13, $0xb8;
	[tilespmem:$0x18400] =	vst v63  }
0xd9: {  	_ =	swait.ge [sflag:s11], $0x4000  }
0xda: {  	[sflag:s11] =	ssyncset.done $0x0  }
0xdb: {  	[sflag:s11] =	ssyncadd.s32 $0xFFFFC000  }
0xdc: {  	[spmem:s2] =	stream.indirect.scatter.add.f32 [tilespmem:s12], [sflag:$0x1], $0x80, s25, s13, $0xb8;
	[tilespmem:$0x18400] =	vst v63  }
0xdd: {  	_ =	swait.ge [sflag:s11], $0x4000  }
0xde: {  	[sflag:s11] =	ssyncset.done $0x0  }
0xdf: {  	[sflag:s11] =	ssyncadd.s32 $0xFFFFC000  }
0xe0: {  	[spmem:s2] =	stream.indirect.scatter.add.f32 [tilespmem:s12], [sflag:$0x1], $0x80, s26, s13, $0xb8;
	[tilespmem:$0x18400] =	vst v63  }
0xe1: {  	_ =	swait.ge [sflag:s11], $0x4000  }
0xe2: {  	[sflag:s11] =	ssyncset.done $0x0  }
0xe3: {  	[sflag:s11] =	ssyncadd.s32 $0xFFFFC000  }
0xe4: {  	[spmem:s2] =	stream.indirect.scatter.add.f32 [tilespmem:s12], [sflag:$0x1], $0x80, s28, s13, $0xb8;
	[tilespmem:$0x18400] =	vst v63  }
0xe5: {  	_ =	swait.ge [sflag:s11], $0x4000  }
0xe6: {  	s29 =	sadd.s32 $0x1, s29;
	[sflag:s11] =	ssyncset.done $0x0  }
0xe7: {  	p0 =	sne.s32 s29, s8;
	[sflag:s11] =	ssyncadd.s32 $0xFFFFC000  }
.Ltmp1:
0xe8: {  	[bflag:$0x0] =	sbarrier.arrive $0xFFFF;
	(pc) =	sbr.rel @p0 .LBB2_1-.Ltmp1, $4  }
0xe9: {  	[hbm:s7], [sflag:s6] =	dma.local [spmem:s10], $0x2780  }
0xea: {  	_ =	swait.ge [sflag:s11], $0x2780  }
0xeb: {  	[sflag:s11] =	ssyncset.done $0x0  }
0xec: {  	[sflag:s11] =	ssyncadd.s32 $0xFFFFD880  }
0xed: {  	_ =	sfence.sel $0x180000  }
0xee: {  	[bflag:$0x0] =	sbarrier.arrive $0xFFFF  }
0xef: {  	_ =	strace $0x9000004A  }
0xf0: {  	s0 =	stileid.u32;
	[bflag:$0x2] =	sbarrier.arrive $0xFFFF  }
0xf1: {  	p0 =	sne.s32 s0, $0x0;
	s0 =	rddreg [dreg:$0x2]  }
0xf2: {  	s0 =	sadd.s32 @!p0 $0x100000, s0  }
0xf3: {  	[sflag:s0] =	ssyncadd.tile.s32 @!p0 $0x1;
	_ =	shalt  }
.Lfunc_end2:
_tile_overlayer_lowered:
.L_overlay_start_2:
0xf4: {  	(tag) =	ssettag $0x2  }
0xf5: {  	s0 =	rddreg [dreg:$0x0];
	s2 =	stileid.u32  }
0xf6: {  	s1 =	rddreg [dreg:$0x1];
	p0 =	sne.s32 s2, $0x0  }
0xf7: {  	s3 =	rddreg [dreg:$0x2];
	[bflag:$0x3] =	sbarrier.arrive $0xFFFF;
	s2 =	simm.s32 @!p0 $0x1C01  }
0xf8: {  	[timem:s3], [sflag:s2] =	dma.local @!p0 [hbm:s0], s1  }
0xf9: {  	s0 =	simm.s32 @!p0 $0x1  }
0xfa: {  	_ =	swait.ge @!p0 [sflag:s0], s1  }
0xfb: {  	s1 =	ssub.s32 @!p0 $0x0, s1;
	[sflag:s0] =	ssyncset.done @!p0 $0x0  }
0xfc: {  	[sflag:s0] =	ssyncadd.s32 @!p0 s1  }
0xfd: {  	[bflag:$0x3] =	sbarrier.arrive $0xFFFF  }
0xfe: {  	_ =	shalt  }

// kernel: kernel.13.cloned.1.call-start
scs
__scs_entry_jumppad:
0x0: {  	(pc) =	sbr.rel $0x88, $3  }
0x1: {  	(tag) =	ssettag $0x0;
	lr =	simm.s32 $0x1  }
0x2: {  	[smem:$0x3F96] =	sst lr;
	_ =	strace $0xD0000000  }
0x3: {  	_ = 	snop  }
0x4: {  	_ = 	snop  }
0x5: {  	_ = 	snop  }
0x6: {  	_ = 	snop  }
0x7: {  	_ = 	snop  }
__scs_overlays_trampoline_lowered:
0x8: {  	[smem:$0x3FA5] =	sst s0  }
0x9: {  	[smem:$0x3FA6] =	sst s1  }
0xa: {  	[smem:$0x3FA7] =	sst s2  }
0xb: {  	[smem:$0x3FA8] =	sst s3  }
0xc: {  	[smem:$0x3FA9] =	sst s4  }
0xd: {  	[smem:$0x3FAA] =	sst s5  }
0xe: {  	[smem:$0x3FAB] =	sst s6  }
0xf: {  	[smem:$0x3FAC] =	sst s7  }
0x10: {  	[smem:$0x3FAD] =	sst s8  }
0x11: {  	[smem:$0x3FAE] =	sst s9;
	s0 =	simm.s32 @!p0 $0x0  }
0x12: {  	s1 =	sld [smem:$0x3F94];
	s0 =	simm.s32 @p0 $0x1  }
0x13: {  	[smem:$0x3FAF] =	sst s0;
	s0 =	simm.s32 @!p1 $0x0  }
0x14: {  	s2 =	sld [smem:$0x3F93];
	s0 =	simm.s32 @p1 $0x1  }
0x15: {  	[smem:$0x3FB0] =	sst s0;
	s0 =	simm.s32 @!p2 $0x0  }
0x16: {  	s3 =	sld [smem:$0x3FDB];
	s0 =	simm.s32 @p2 $0x1  }
0x17: {  	s4 =	simm.s32 $0x1BF5;
	[smem:$0x3FB2] =	sst s0  }
0x18: {  	s0 =	sld [smem:$0x3F95];
	_ =	swait.ge [sflag:s4], $0x0  }
0x19: {  	s7 =	sld [smem:$0x3F96]  }
0x1a: {  	s8 =	sadd.s32 $0xFFFFE003, lr  }
0x1b: {  	s9 =	sadd.s32 $0xFFFFFEF7, lr;
	s5 =	simm.s32 $0xFFFFFFFF;
	p2 =	slt.u32 s8, $0xFFFFF086  }
0x1c: {  	p1 =	slt.u32 s9, $0xF7A;
	s5 =	simm.s32 @!p2 $0x0  }
0x1d: {  	s5 =	simm.s32 @p1 $0x1;
	p0 =	seq.s32 s7, s2  }
0x1e: {  	s7 =	smul.u32 @!p0 $0xF7A, s2;
	p2 =	seq.s32 @!p0 s5, $0x0  }
0x1f: {  	s9 =	smul.u32 $0xF7A, s1;
	s8 =	simm.s32 @!p0 $0x1BF5;
	p2 =	por !p2, p0  }
0x20: {  	[sflag:s8] =	ssyncset.s32 @!p0 $0xFFFFF086;
	s6 =	sadd.s32 @!p0 s3, s7;
	s7 =	simm.s32 @!p0 $0x108  }
0x21: {  	s3 =	sadd.s32 s3, s9;
	s6 =	sadd.s32 @!p0 $0x88, s6;
	s7 =	simm.s32 @p2 $0x1082  }
0x22: {  	[simem:s7], [sflag:s8] =	dma.local @!p0 [hbm:s6], $0xF7A  }
0x23: {  	s9 =	sor.u32 $0xD0000000, s2;
	s6 =	simm.s32 $0x108;
	_ =	swait.ge @!p0 [sflag:s8], $0x0  }
0x24: {  	s3 =	sadd.s32 $0x88, s3;
	s6 =	simm.s32 @!p1 $0x1082;
	[sflag:s4] =	ssyncset.s32 $0xFFFFF086  }
0x25: {  	[simem:s6], [sflag:s4] =	dma.local [hbm:s3], $0xF7A  }
0x26: {  	[smem:$0x3F96] =	sst s1;
	(tag) =	ssettag s2;
	_ =	strace s9  }
0x27: {  	s1 =	sld [smem:$0x3FA6]  }
0x28: {  	s2 =	sld [smem:$0x3FA7]  }
0x29: {  	s4 =	sld [smem:$0x3FA9]  }
0x2a: {  	p0 =	seq.s32 s5, $0x0;
	s5 =	sld [smem:$0x3FAA]  }
0x2b: {  	s6 =	sld [smem:$0x3FAB]  }
0x2c: {  	s7 =	sld [smem:$0x3FAC]  }
0x2d: {  	s3 =	simm.s32 $0x108;
	s8 =	sld [smem:$0x3FAD]  }
0x2e: {  	s3 =	simm.s32 @!p0 $0x1082;
	s9 =	sld [smem:$0x3FAE]  }
0x2f: {  	lr =	sadd.s32 s0, s3;
	s0 =	sld [smem:$0x3FA5]  }
0x30: {  	s3 =	sld [smem:$0x3FA8]  }
0x31: {  	[smem:$0x3FB1] =	sst s10  }
0x32: {  	s10 =	sld [smem:$0x3FAF];
	_ =	sdelay $0x3  }
0x33: {  	p0 =	seq.s32 s10, $0x1;
	s10 =	sld [smem:$0x3FB1];
	_ =	sdelay $0x3  }
0x34: {  	[smem:$0x3FB1] =	sst s10  }
0x35: {  	s10 =	sld [smem:$0x3FB0];
	_ =	sdelay $0x3  }
0x36: {  	p1 =	seq.s32 s10, $0x1;
	s10 =	sld [smem:$0x3FB1];
	_ =	sdelay $0x3  }
0x37: {  	[smem:$0x3FB1] =	sst s10  }
0x38: {  	s10 =	sld [smem:$0x3FB2]  }
0x39: {  	_ = 	snop;
	(pc) =	sbr.ind lr, $3  }
0x3a: {  	_ = 	snop  }
0x3b: {  	_ = 	snop  }
0x3c: {  	p2 =	seq.s32 s10, $0x1;
	s10 =	sld [smem:$0x3FB1]  }
0x3d: {  	_ =	shalt  }
0x3e: {  	_ =	shalt  }
0x3f: {  	_ =	shalt  }
0x40: {  	_ =	shalt  }
0x41: {  	_ =	shalt  }
0x42: {  	_ =	shalt  }
0x43: {  	_ =	shalt  }
0x44: {  	_ =	shalt  }
0x45: {  	_ =	shalt  }
0x46: {  	_ =	shalt  }
0x47: {  	_ =	shalt  }
0x48: {  	_ =	shalt  }
0x49: {  	_ =	shalt  }
0x4a: {  	_ =	shalt  }
0x4b: {  	_ =	shalt  }
0x4c: {  	_ =	shalt  }
0x4d: {  	_ =	shalt  }
0x4e: {  	_ =	shalt  }
0x4f: {  	_ =	shalt  }
0x50: {  	_ =	shalt  }
0x51: {  	_ =	shalt  }
0x52: {  	_ =	shalt  }
0x53: {  	_ =	shalt  }
0x54: {  	_ =	shalt  }
0x55: {  	_ =	shalt  }
0x56: {  	_ =	shalt  }
0x57: {  	_ =	shalt  }
0x58: {  	_ =	shalt  }
0x59: {  	_ =	shalt  }
0x5a: {  	_ =	shalt  }
0x5b: {  	_ =	shalt  }
0x5c: {  	_ =	shalt  }
0x5d: {  	_ =	shalt  }
0x5e: {  	_ =	shalt  }
0x5f: {  	_ =	shalt  }
0x60: {  	_ =	shalt  }
0x61: {  	_ =	shalt  }
0x62: {  	_ =	shalt  }
0x63: {  	_ =	shalt  }
0x64: {  	_ =	shalt  }
0x65: {  	_ =	shalt  }
0x66: {  	_ =	shalt  }
0x67: {  	_ =	shalt  }
0x68: {  	_ =	shalt  }
0x69: {  	_ =	shalt  }
0x6a: {  	_ =	shalt  }
0x6b: {  	_ =	shalt  }
0x6c: {  	_ =	shalt  }
0x6d: {  	_ =	shalt  }
0x6e: {  	_ =	shalt  }
0x6f: {  	_ =	shalt  }
0x70: {  	_ =	shalt  }
0x71: {  	_ =	shalt  }
0x72: {  	_ =	shalt  }
0x73: {  	_ =	shalt  }
0x74: {  	_ =	shalt  }
0x75: {  	_ =	shalt  }
0x76: {  	_ =	shalt  }
0x77: {  	_ =	shalt  }
0x78: {  	_ =	shalt  }
0x79: {  	_ =	shalt  }
0x7a: {  	_ =	shalt  }
0x7b: {  	_ =	shalt  }
0x7c: {  	_ =	shalt  }
0x7d: {  	_ =	shalt  }
0x7e: {  	_ =	shalt  }
0x7f: {  	_ =	shalt  }
0x80: {  	_ =	shalt  }
0x81: {  	_ =	shalt  }
0x82: {  	_ =	shalt  }
0x83: {  	_ =	shalt  }
0x84: {  	_ =	shalt  }
0x85: {  	_ =	shalt  }
0x86: {  	_ =	shalt  }
0x87: {  	_ =	shalt  }
.Lfunc_end0:
.L_simem_size_0:
called_computation.1_lowered:
.L_overlay_start_0:
0x88: {  	s2 =	sld [smem:$0x3FD9]  }
0x89: {  	s3 =	sld [smem:$0x3FFE];
	_ =	sdelay $0x1  }
0x8a: {  	s1 =	srdreg.scid  }
0x8b: {  	s0 =	sand.u32 $0x1, s1  }
0x8c: {  	s17 =	sshll.u32 s0, $0xA;
	s2 =	sadd.s32 s3, s2  }
0x8d: {  	s2 =	sadd.s32 s2, s17  }
0x8e: {  	[smem:$0x3FBD] =	sst s2  }
0x8f: {  	_ = 	snop  }
0x90: {  	s2 =	sld [smem:$0x3FD0];
	(tm) =	ssettm $0x1  }
0x91: {  	s18 =	sld [smem:$0x3FFB];
	_ =	sdelay $0x3  }
0x92: {  	_ =	strace s18  }
0x93: {  	s3 =	sld [smem:$0x3FFC];
	_ =	sdelay $0x3  }
0x94: {  	_ =	strace s3  }
0x95: {  	s3 =	sld [smem:$0x3FFD];
	_ =	sdelay $0x3  }
0x96: {  	_ =	strace s3  }
0x97: {  	_ =	strace $0x8FFFFFFF  }
0x98: {  	s19 =	sld [smem:$0x3FDB];
	_ =	sdelay $0x1  }
0x99: {  	s4 =	simm.s32 $_scs_section_size  }
0x9a: {  	s5 =	simm.s32 $_size__tile_overlayer_lowered;
	s6 =	simm.s32 $_tile_overlayer_lowered  }
0x9b: {  	s22 =	simm.s32 $0x1BFF;
	s21 =	sshll.u32 s6, $0x1;
	s3 =	sadd.s32 s4, s19  }
0x9c: {  	s7 =	simm.s32 $0x0;
	s20 =	sshll.u32 s5, $0x1;
	s5 =	sadd.s32 s21, s3  }
0x9d: {  	[timem:s7], [sflag:s22] =	dma.local [hbm:s5], s20  }
0x9e: {  	_ =	swait.ge [sflag:s22], s20  }
0x9f: {  	s4 =	ssub.s32 $0x0, s20;
	[sflag:s22] =	ssyncset.done $0x0  }
0xa0: {  	[sflag:s22] =	ssyncadd.s32 s4;
	_ =	sdelay $0x1  }
0xa1: {  	s23 =	simm.s32 $0x1B8B  }
0xa2: {  	_ =	swait.ge [sflag:s23], $0x1  }
0xa3: {  	[sflag:s23] =	ssyncset.done $0x0  }
0xa4: {  	s25 =	simm.s32 $0x1B8E;
	s24 =	sld [smem:$0x3FFE];
	[sflag:s23] =	ssyncadd.s32 $0xFFFFFFFF  }
0xa5: {  	s26 =	simm.s32 $execute0_lowered;
	[smem:$0x3FD2] =	sst s25  }
0xa6: {  	s5 =	sshll.u32 s26, $0x1;
	_ =	strace $0x80000046;
	[dreg:$0x1] =	wrdreg $0xFFFFFFFF  }
0xa7: {  	s28 =	simm.s32 $_size_execute0_lowered;
	s3 =	sadd.s32 s3, s5;
	[dreg:$0x0] =	wrdreg $0x0  }
0xa8: {  	s5 =	sshll.u32 s28, $0x1;
	[dreg:$0x2] =	wrdreg s3  }
0xa9: {  	[dreg:$0x3] =	wrdreg s5  }
0xaa: {  	[dreg:$0x4] =	wrdreg $0xC0  }
0xab: {  	_ =	task [dreg:s7], $0x5FFFF  }
0xac: {  	[dreg:$0x1] =	wrdreg $0xFFFFFFFF  }
0xad: {  	[dreg:$0x0] =	wrdreg $0x60  }
0xae: {  	[dreg:$0x2] =	wrdreg s24  }
0xaf: {  	[dreg:$0x3] =	wrdreg s2  }
0xb0: {  	[dreg:$0x4] =	wrdreg $0x88000  }
0xb1: {  	[dreg:$0x5] =	wrdreg $0xA  }
0xb2: {  	_ =	task.clear_ibuf [dreg:s7], $0x6FFFF;
	_ =	strace $0x90000046  }
0xb3: {  	s29 =	simm.s32 $0xA;
	_ =	strace $0x80000048  }
0xb4: {  	_ =	swait.ge [sflag:s29], $0x1  }
0xb5: {  	[sflag:s29] =	ssyncadd.s32 $0xFFFFFFFF  }
0xb6: {  	_ =	strace $0x90000048  }
0xb7: {  	_ =	sfence  }
0xb8: {  	s30 =	sld [smem:$0x0];
	_ =	sdelay $0x2  }
0xb9: {  	s31 =	sshll.u32 s1, $0xD;
	s1 =	sshrl.u32 s1, $0x2  }
0xba: {  	s3 =	sand.u32 $0x4000, s31;
	s1 =	sadd.s32 s1, s30  }
0xbb: {  	s0 =	sor.u32 s3, s0;
	s1 =	sshll.u32 s1, $0x11  }
0xbc: {  	s0 =	sor.u32 s1, s0  }
0xbd: {  	s0 =	sadd.s32 $0x8F2B, s0  }
0xbe: {  	[sflag:s0] =	ssyncadd.remote.s32 $0x1  }
0xbf: {  	_ =	sfence.sel $0xFFFF  }
0xc0: {  	[dreg:$0x0] =	wrdreg $0xFFFFFFFF;
	(pc) =	sbr.abs _section_cstart, $3  }
0xc1: {  	[dreg:$0x1] =	wrdreg $0xFFFFFFFF  }
0xc2: {  	_ =	task.clear_ibuf [dreg:s7], $0x2FFFF;
	_ =	strace $0x9FFFFFFF  }
0xc3: {  	(tm) =	ssettm $0x7FFFFFFF  }
tec
execute0_lowered:
.L_overlay_start_1:
0x0: {  	(tag) =	ssettag $0x1  }
0x1: {  	s0 =	rddreg [dreg:$0x0]  }
0x2: {  	s1 =	rddreg [dreg:$0x1];
	s2 =	srdreg.scid;
	s3 =	simm.s32 $0x0  }
0x3: {  	s11 =	stileid.u32;
	s13 =	simm.s32 $0x3;
	s14 =	simm.s32 $0x400  }
0x4: {  	s28 =	simm.s32 $0x600;
	s29 =	simm.s32 $0x300;
	s30 =	simm.s32 $0x680  }
0x5: {  	s31 =	simm.s32 $0x380;
	[dreg:$0x4] =	wrdreg s1;
	s7 =	smul.u32 $0x13C00, s11  }
0x6: {  	s1 =	rddreg [dreg:$0x2];
	s2 =	sand.u32 $0x1, s2;
	s16 =	smul.u32 $0xFFFFFF90, s11  }
0x7: {  	[smem:$0x7FF] =	sst s3;
	s4 =	sadd.s32 $0x16C00, s0;
	s9 =	smul.u32 $0x4F000, s11  }
0x8: {  	s5 =	sadd.s32 $0xCC00, s0;
	s8 =	sadd.s32 $0x3DE00, s0;
	s10 =	smul.u32 $0x88, s11  }
0x9: {  	s20 =	sshll.u32 s11, $0x6;
	s6 =	smul.u32 $0x13C000, s2;
	_ =	strace $0x80000047  }
0xa: {  	[dreg:$0x5] =	wrdreg s8;
	s15 =	ssub.s32 $0x2, s2;
	s22 =	sor.u32 $0x1C03, s20  }
0xb: {  	s20 =	simm.s32 $0x2;
	s17 =	sshrl.u32 s15, $0x1;
	s18 =	sadd.s32 $0x880, s16  }
0xc: {  	s19 =	sshrl.u32 s9, $0x2;
	s16 =	simm.s32 $0x800;
	s21 =	smul.u32 s2, s18  }
0xd: {  	s6 =	sadd.s32 s7, s6;
	s8 =	sadd.s32 s19, s1;
	s2 =	smul.u32 $0xE, s2  }
0xe: {  	s18 =	simm.s32 $0x1;
	s19 =	simm.s32 $0x100;
	s6 =	sshrl.u32 s6, $0x3  }
0xf: {  	s0 =	sadd.s32 s6, s0;
	s6 =	ssub.s32 s15, s17;
	s23 =	sadd.s32 s10, s21  }
0x10: {  	s25 =	ssub.s32 $0x11, s2;
	s10 =	sshrl.u32 s8, $0x3;
	s8 =	smov.u32 s22  }
0x11: {  	s15 =	simm.s32 $0x80;
	s17 =	simm.s32 $0x4800;
	s21 =	simm.s32 $0x480  }
0x12: {  	s22 =	simm.s32 $0x180;
	s0 =	sadd.s32 $0x40600, s0;
	[dreg:$0x8] =	wrdreg s25  }
0x13: {  	s2 =	simm.s32 $0x780;
	s24 =	smax.u32 s6, $0x1;
	[dreg:$0x6] =	wrdreg s0  }
0x14: {  	s26 =	sshll.u32 s23, $0x4;
	s23 =	simm.s32 $0x500;
	[dreg:$0x7] =	wrdreg s24  }
0x15: {  	s25 =	simm.s32 $0x580;
	s6 =	simm.s32 $0x0;
	[dreg:$0x9] =	wrdreg s26  }
0x16: {  	s24 =	simm.s32 $0x200;
	s26 =	simm.s32 $0x280;
	s0 =	simm.s32 $0x700  }
.LBB2_1:
0x17: {  	s7 =	rddreg [dreg:$0x5]  }
0x18: {  	[spmem:s10], [sflag:s8] =	dma.local [hbm:s7], $0x2780  }
0x19: {  	_ =	swait.ge [sflag:s13], $0x2780  }
0x1a: {  	[sflag:s13] =	ssyncset.done $0x0  }
0x1b: {  	[sflag:s13] =	ssyncadd.s32 $0xFFFFD880  }
0x1c: {  	[bflag:$0x0] =	sbarrier.arrive $0xFFFF  }
0x1d: {  	s9 =	smov.u32 s10;
	s10 =	rddreg [dreg:$0x9]  }
0x1e: {  	s7 =	rddreg [dreg:$0x4];
	s11 =	sand.u32 $0x1FFFFF80, s10  }
0x1f: {  	s12 =	smov.u32 s8;
	s8 =	sadd.s32 s7, s11  }
0x20: {  	[tilespmem:s3], [sflag:$0x3] =	stream.linear.gather [hbm4b:s8+s3], $0x400, $0x38;
	[tilespmem:$0x1C400] =	vst v63  }
0x21: {  	_ =	swait.ge [sflag:s13], $0x400  }
0x22: {  	[sflag:s13] =	ssyncset.done $0x0  }
0x23: {  	s7 =	sadd.s32 s5, s11;
	[sflag:s13] =	ssyncadd.s32 $0xFFFFFC00  }
0x24: {  	[tilespmem:s14], [sflag:$0x3] =	stream.linear.gather [hbm4b:s7+s3], $0x400, $0x38;
	[tilespmem:$0x1C400] =	vst v63  }
0x25: {  	_ =	swait.ge [sflag:s13], $0x400  }
0x26: {  	[sflag:s13] =	ssyncset.done $0x0  }
0x27: {  	[sflag:s13] =	ssyncadd.s32 $0xFFFFFC00  }
0x28: {  	[tilespmem:s16], [sflag:$0x1] =	stream.indirect.gather [hbm4b:s4+s15], $0x80, s3, s15, $0xb8;
	[tilespmem:$0x1C400] =	vst v63  }
0x29: {  	_ = 	snop  }
0x2a: {  	[tilespmem:s17], [sflag:$0x2] =	stream.indirect.gather [hbm4b:s4+s15], $0x80, s15, s15, $0xb8;
	[tilespmem:$0x1C400] =	vst v63  }
0x2b: {  	_ =	swait.ge [sflag:s18], $0x4000  }
0x2c: {  	[sflag:s18] =	ssyncset.done $0x0  }
0x2d: {  	[sflag:s18] =	ssyncadd.s32 $0xFFFFC000  }
0x2e: {  	[spmem:s1] =	stream.indirect.scatter.add.f32 [tilespmem:s16], [sflag:$0x3], $0x80, s14, s15, $0xb8;
	[tilespmem:$0x1C400] =	vst v63  }
0x2f: {  	_ =	swait.ge [sflag:s13], $0x4000  }
0x30: {  	[sflag:s13] =	ssyncset.done $0x0  }
0x31: {  	[sflag:s13] =	ssyncadd.s32 $0xFFFFC000  }
0x32: {  	[tilespmem:s16], [sflag:$0x1] =	stream.indirect.gather [hbm4b:s4+s15], $0x80, s19, s15, $0xb8;
	[tilespmem:$0x1C400] =	vst v63  }
0x33: {  	_ =	swait.ge [sflag:s20], $0x4000  }
0x34: {  	[sflag:s20] =	ssyncset.done $0x0  }
0x35: {  	[sflag:s20] =	ssyncadd.s32 $0xFFFFC000  }
0x36: {  	[spmem:s1] =	stream.indirect.scatter.add.f32 [tilespmem:s17], [sflag:$0x3], $0x80, s21, s15, $0xb8;
	[tilespmem:$0x1C400] =	vst v63  }
0x37: {  	_ =	swait.ge [sflag:s13], $0x4000  }
0x38: {  	[sflag:s13] =	ssyncset.done $0x0  }
0x39: {  	[sflag:s13] =	ssyncadd.s32 $0xFFFFC000  }
0x3a: {  	[tilespmem:s17], [sflag:$0x2] =	stream.indirect.gather [hbm4b:s4+s15], $0x80, s22, s15, $0xb8;
	[tilespmem:$0x1C400] =	vst v63  }
0x3b: {  	_ =	swait.ge [sflag:s18], $0x4000  }
0x3c: {  	[sflag:s18] =	ssyncset.done $0x0  }
0x3d: {  	[sflag:s18] =	ssyncadd.s32 $0xFFFFC000  }
0x3e: {  	[spmem:s1] =	stream.indirect.scatter.add.f32 [tilespmem:s16], [sflag:$0x3], $0x80, s23, s15, $0xb8;
	[tilespmem:$0x1C400] =	vst v63  }
0x3f: {  	_ =	swait.ge [sflag:s13], $0x4000  }
0x40: {  	[sflag:s13] =	ssyncset.done $0x0  }
0x41: {  	[sflag:s13] =	ssyncadd.s32 $0xFFFFC000  }
0x42: {  	[tilespmem:s16], [sflag:$0x1] =	stream.indirect.gather [hbm4b:s4+s15], $0x80, s24, s15, $0xb8;
	[tilespmem:$0x1C400] =	vst v63  }
0x43: {  	_ =	swait.ge [sflag:s20], $0x4000  }
0x44: {  	[sflag:s20] =	ssyncset.done $0x0  }
0x45: {  	[sflag:s20] =	ssyncadd.s32 $0xFFFFC000  }
0x46: {  	[spmem:s1] =	stream.indirect.scatter.add.f32 [tilespmem:s17], [sflag:$0x3], $0x80, s25, s15, $0xb8;
	[tilespmem:$0x1C400] =	vst v63  }
0x47: {  	_ =	swait.ge [sflag:s13], $0x4000  }
0x48: {  	[sflag:s13] =	ssyncset.done $0x0  }
0x49: {  	[sflag:s13] =	ssyncadd.s32 $0xFFFFC000  }
0x4a: {  	[tilespmem:s17], [sflag:$0x2] =	stream.indirect.gather [hbm4b:s4+s15], $0x80, s26, s15, $0xb8;
	[tilespmem:$0x1C400] =	vst v63  }
0x4b: {  	_ =	swait.ge [sflag:s18], $0x4000  }
0x4c: {  	[sflag:s18] =	ssyncset.done $0x0  }
0x4d: {  	[sflag:s18] =	ssyncadd.s32 $0xFFFFC000  }
0x4e: {  	[spmem:s1] =	stream.indirect.scatter.add.f32 [tilespmem:s16], [sflag:$0x3], $0x80, s28, s15, $0xb8;
	[tilespmem:$0x1C400] =	vst v63  }
0x4f: {  	_ =	swait.ge [sflag:s13], $0x4000  }
0x50: {  	[sflag:s13] =	ssyncset.done $0x0  }
0x51: {  	[sflag:s13] =	ssyncadd.s32 $0xFFFFC000  }
0x52: {  	[tilespmem:s16], [sflag:$0x1] =	stream.indirect.gather [hbm4b:s4+s15], $0x80, s29, s15, $0xb8;
	[tilespmem:$0x1C400] =	vst v63  }
0x53: {  	_ =	swait.ge [sflag:s20], $0x4000  }
0x54: {  	[sflag:s20] =	ssyncset.done $0x0  }
0x55: {  	[sflag:s20] =	ssyncadd.s32 $0xFFFFC000  }
0x56: {  	[spmem:s1] =	stream.indirect.scatter.add.f32 [tilespmem:s17], [sflag:$0x3], $0x80, s30, s15, $0xb8;
	[tilespmem:$0x1C400] =	vst v63  }
0x57: {  	_ =	swait.ge [sflag:s13], $0x4000  }
0x58: {  	[sflag:s13] =	ssyncset.done $0x0  }
0x59: {  	[sflag:s13] =	ssyncadd.s32 $0xFFFFC000  }
0x5a: {  	[tilespmem:s17], [sflag:$0x2] =	stream.indirect.gather [hbm4b:s4+s15], $0x80, s31, s15, $0xb8;
	[tilespmem:$0x1C400] =	vst v63  }
0x5b: {  	_ =	swait.ge [sflag:s18], $0x4000  }
0x5c: {  	[sflag:s18] =	ssyncset.done $0x0  }
0x5d: {  	[sflag:s18] =	ssyncadd.s32 $0xFFFFC000  }
0x5e: {  	[spmem:s1] =	stream.indirect.scatter.add.f32 [tilespmem:s16], [sflag:$0x3], $0x80, s0, s15, $0xb8;
	[tilespmem:$0x1C400] =	vst v63  }
0x5f: {  	_ =	swait.ge [sflag:s13], $0x4000  }
0x60: {  	[sflag:s13] =	ssyncset.done $0x0  }
0x61: {  	[sflag:s13] =	ssyncadd.s32 $0xFFFFC000  }
0x62: {  	_ =	swait.ge [sflag:s20], $0x4000  }
0x63: {  	s11 =	rddreg [dreg:$0x8]  }
0x64: {  	p0 =	sne.s32 s11, $0x1  }
.Ltmp0:
0x65: {  	_ = 	snop;
	(pc) =	sbr.rel @!p0 .LBB2_3-.Ltmp0, $4  }
0x66: {  	[sflag:s20] =	ssyncset.done $0x0  }
0x67: {  	[sflag:s20] =	ssyncadd.s32 $0xFFFFC000  }
0x68: {  	[spmem:s1] =	stream.indirect.scatter.add.f32 [tilespmem:s17], [sflag:$0x3], $0x80, s2, s15, $0xb8;
	[tilespmem:$0x1C400] =	vst v63  }
0x69: {  	s8 =	sadd.s32 $0xFFFFFFFF, s11;
	s11 =	smov.u32 s10;
	_ =	swait.ge [sflag:s13], $0x4000  }
.LBB2_2:
0x6a: {  	s11 =	sadd.s32 $0x80, s11  }
0x6b: {  	s7 =	rddreg [dreg:$0x4];
	[sflag:s13] =	ssyncset.done $0x0;
	s10 =	sand.u32 $0x1FFFFF80, s11  }
0x6c: {  	[sflag:s13] =	ssyncadd.s32 $0xFFFFC000;
	s7 =	sadd.s32 s7, s10  }
0x6d: {  	[tilespmem:s3], [sflag:$0x3] =	stream.linear.gather [hbm4b:s7+s3], $0x400, $0x38;
	[tilespmem:$0x1C400] =	vst v63  }
0x6e: {  	_ =	swait.ge [sflag:s13], $0x400  }
0x6f: {  	[sflag:s13] =	ssyncset.done $0x0  }
0x70: {  	s10 =	sadd.s32 s5, s10;
	[sflag:s13] =	ssyncadd.s32 $0xFFFFFC00  }
0x71: {  	[tilespmem:s14], [sflag:$0x3] =	stream.linear.gather [hbm4b:s10+s3], $0x400, $0x38;
	[tilespmem:$0x1C400] =	vst v63  }
0x72: {  	_ =	swait.ge [sflag:s13], $0x400  }
0x73: {  	[sflag:s13] =	ssyncset.done $0x0  }
0x74: {  	[sflag:s13] =	ssyncadd.s32 $0xFFFFFC00  }
0x75: {  	[tilespmem:s16], [sflag:$0x1] =	stream.indirect.gather [hbm4b:s4+s15], $0x80, s3, s15, $0xb8;
	[tilespmem:$0x1C400] =	vst v63  }
0x76: {  	_ = 	snop  }
0x77: {  	[tilespmem:s17], [sflag:$0x2] =	stream.indirect.gather [hbm4b:s4+s15], $0x80, s15, s15, $0xb8;
	[tilespmem:$0x1C400] =	vst v63  }
0x78: {  	_ =	swait.ge [sflag:s18], $0x4000  }
0x79: {  	[sflag:s18] =	ssyncset.done $0x0  }
0x7a: {  	[sflag:s18] =	ssyncadd.s32 $0xFFFFC000  }
0x7b: {  	[spmem:s1] =	stream.indirect.scatter.add.f32 [tilespmem:s16], [sflag:$0x3], $0x80, s14, s15, $0xb8;
	[tilespmem:$0x1C400] =	vst v63  }
0x7c: {  	_ =	swait.ge [sflag:s13], $0x4000  }
0x7d: {  	[sflag:s13] =	ssyncset.done $0x0  }
0x7e: {  	[sflag:s13] =	ssyncadd.s32 $0xFFFFC000  }
0x7f: {  	[tilespmem:s16], [sflag:$0x1] =	stream.indirect.gather [hbm4b:s4+s15], $0x80, s19, s15, $0xb8;
	[tilespmem:$0x1C400] =	vst v63  }
0x80: {  	_ =	swait.ge [sflag:s20], $0x4000  }
0x81: {  	[sflag:s20] =	ssyncset.done $0x0  }
0x82: {  	[sflag:s20] =	ssyncadd.s32 $0xFFFFC000  }
0x83: {  	[spmem:s1] =	stream.indirect.scatter.add.f32 [tilespmem:s17], [sflag:$0x3], $0x80, s21, s15, $0xb8;
	[tilespmem:$0x1C400] =	vst v63  }
0x84: {  	_ =	swait.ge [sflag:s13], $0x4000  }
0x85: {  	[sflag:s13] =	ssyncset.done $0x0  }
0x86: {  	[sflag:s13] =	ssyncadd.s32 $0xFFFFC000  }
0x87: {  	[tilespmem:s17], [sflag:$0x2] =	stream.indirect.gather [hbm4b:s4+s15], $0x80, s22, s15, $0xb8;
	[tilespmem:$0x1C400] =	vst v63  }
0x88: {  	_ =	swait.ge [sflag:s18], $0x4000  }
0x89: {  	[sflag:s18] =	ssyncset.done $0x0  }
0x8a: {  	[sflag:s18] =	ssyncadd.s32 $0xFFFFC000  }
0x8b: {  	[spmem:s1] =	stream.indirect.scatter.add.f32 [tilespmem:s16], [sflag:$0x3], $0x80, s23, s15, $0xb8;
	[tilespmem:$0x1C400] =	vst v63  }
0x8c: {  	_ =	swait.ge [sflag:s13], $0x4000  }
0x8d: {  	[sflag:s13] =	ssyncset.done $0x0  }
0x8e: {  	[sflag:s13] =	ssyncadd.s32 $0xFFFFC000  }
0x8f: {  	[tilespmem:s16], [sflag:$0x1] =	stream.indirect.gather [hbm4b:s4+s15], $0x80, s24, s15, $0xb8;
	[tilespmem:$0x1C400] =	vst v63  }
0x90: {  	_ =	swait.ge [sflag:s20], $0x4000  }
0x91: {  	[sflag:s20] =	ssyncset.done $0x0  }
0x92: {  	[sflag:s20] =	ssyncadd.s32 $0xFFFFC000  }
0x93: {  	[spmem:s1] =	stream.indirect.scatter.add.f32 [tilespmem:s17], [sflag:$0x3], $0x80, s25, s15, $0xb8;
	[tilespmem:$0x1C400] =	vst v63  }
0x94: {  	_ =	swait.ge [sflag:s13], $0x4000  }
0x95: {  	[sflag:s13] =	ssyncset.done $0x0  }
0x96: {  	[sflag:s13] =	ssyncadd.s32 $0xFFFFC000  }
0x97: {  	[tilespmem:s17], [sflag:$0x2] =	stream.indirect.gather [hbm4b:s4+s15], $0x80, s26, s15, $0xb8;
	[tilespmem:$0x1C400] =	vst v63  }
0x98: {  	_ =	swait.ge [sflag:s18], $0x4000  }
0x99: {  	[sflag:s18] =	ssyncset.done $0x0  }
0x9a: {  	[sflag:s18] =	ssyncadd.s32 $0xFFFFC000  }
0x9b: {  	[spmem:s1] =	stream.indirect.scatter.add.f32 [tilespmem:s16], [sflag:$0x3], $0x80, s28, s15, $0xb8;
	[tilespmem:$0x1C400] =	vst v63  }
0x9c: {  	_ =	swait.ge [sflag:s13], $0x4000  }
0x9d: {  	[sflag:s13] =	ssyncset.done $0x0  }
0x9e: {  	[sflag:s13] =	ssyncadd.s32 $0xFFFFC000  }
0x9f: {  	[tilespmem:s16], [sflag:$0x1] =	stream.indirect.gather [hbm4b:s4+s15], $0x80, s29, s15, $0xb8;
	[tilespmem:$0x1C400] =	vst v63  }
0xa0: {  	_ =	swait.ge [sflag:s20], $0x4000  }
0xa1: {  	[sflag:s20] =	ssyncset.done $0x0  }
0xa2: {  	[sflag:s20] =	ssyncadd.s32 $0xFFFFC000  }
0xa3: {  	[spmem:s1] =	stream.indirect.scatter.add.f32 [tilespmem:s17], [sflag:$0x3], $0x80, s30, s15, $0xb8;
	[tilespmem:$0x1C400] =	vst v63  }
0xa4: {  	_ =	swait.ge [sflag:s13], $0x4000  }
0xa5: {  	[sflag:s13] =	ssyncset.done $0x0  }
0xa6: {  	[sflag:s13] =	ssyncadd.s32 $0xFFFFC000  }
0xa7: {  	[tilespmem:s17], [sflag:$0x2] =	stream.indirect.gather [hbm4b:s4+s15], $0x80, s31, s15, $0xb8;
	[tilespmem:$0x1C400] =	vst v63  }
0xa8: {  	_ =	swait.ge [sflag:s18], $0x4000  }
0xa9: {  	[sflag:s18] =	ssyncset.done $0x0  }
0xaa: {  	[sflag:s18] =	ssyncadd.s32 $0xFFFFC000  }
0xab: {  	[spmem:s1] =	stream.indirect.scatter.add.f32 [tilespmem:s16], [sflag:$0x3], $0x80, s0, s15, $0xb8;
	[tilespmem:$0x1C400] =	vst v63  }
0xac: {  	_ =	swait.ge [sflag:s13], $0x4000  }
0xad: {  	[sflag:s13] =	ssyncset.done $0x0  }
0xae: {  	p0 =	sne.s32 s8, $0x1;
	[sflag:s13] =	ssyncadd.s32 $0xFFFFC000  }
.Ltmp1:
0xaf: {  	_ =	swait.ge [sflag:s20], $0x4000;
	(pc) =	sbr.rel @p0 .LBB2_2-.Ltmp1, $4  }
0xb0: {  	[sflag:s20] =	ssyncset.done $0x0  }
0xb1: {  	[sflag:s20] =	ssyncadd.s32 $0xFFFFC000  }
0xb2: {  	[spmem:s1] =	stream.indirect.scatter.add.f32 [tilespmem:s17], [sflag:$0x3], $0x80, s2, s15, $0xb8;
	[tilespmem:$0x1C400] =	vst v63  }
0xb3: {  	s8 =	sadd.s32 $0xFFFFFFFF, s8;
	_ =	swait.ge [sflag:s13], $0x4000  }
.LBB2_3:
0xb4: {  	[sflag:s13] =	ssyncset.done $0x0  }
0xb5: {  	[sflag:s13] =	ssyncadd.s32 $0xFFFFC000  }
0xb6: {  	[bflag:$0x0] =	sbarrier.arrive $0xFFFF  }
0xb7: {  	s7 =	rddreg [dreg:$0x6]  }
0xb8: {  	[hbm:s7], [sflag:s12] =	dma.local [spmem:s9], $0x2780  }
0xb9: {  	_ =	swait.ge [sflag:s13], $0x2780  }
0xba: {  	s8 =	smov.u32 s12;
	s6 =	sadd.s32 $0x1, s6;
	s12 =	rddreg [dreg:$0x7]  }
0xbb: {  	p0 =	sne.s32 s6, s12  }
.Ltmp2:
0xbc: {  	_ = 	snop;
	(pc) =	sbr.rel @p0 .LBB2_1-.Ltmp2, $3  }
0xbd: {  	_ =	sdelay $0x1  }
0xbe: {  	[sflag:s13] =	ssyncset.done $0x0  }
0xbf: {  	s10 =	smov.u32 s9;
	[sflag:s13] =	ssyncadd.s32 $0xFFFFD880  }
0xc0: {  	_ =	sfence.sel $0x180000  }
0xc1: {  	[bflag:$0x0] =	sbarrier.arrive $0xFFFF  }
0xc2: {  	_ =	strace $0x90000047  }
0xc3: {  	s0 =	stileid.u32;
	[bflag:$0x2] =	sbarrier.arrive $0xFFFF  }
0xc4: {  	p0 =	sne.s32 s0, $0x0;
	s0 =	rddreg [dreg:$0x3]  }
0xc5: {  	s0 =	sadd.s32 @!p0 $0x100000, s0  }
0xc6: {  	[sflag:s0] =	ssyncadd.tile.s32 @!p0 $0x1;
	_ =	shalt  }
.Lfunc_end2:
_tile_overlayer_lowered:
.L_overlay_start_2:
0xc7: {  	(tag) =	ssettag $0x2  }
0xc8: {  	s0 =	rddreg [dreg:$0x0];
	s2 =	stileid.u32  }
0xc9: {  	s1 =	rddreg [dreg:$0x1];
	p0 =	sne.s32 s2, $0x0  }
0xca: {  	s3 =	rddreg [dreg:$0x2];
	[bflag:$0x3] =	sbarrier.arrive $0xFFFF;
	s2 =	simm.s32 @!p0 $0x1C03  }
0xcb: {  	[timem:s3], [sflag:s2] =	dma.local @!p0 [hbm:s0], s1  }
0xcc: {  	s0 =	simm.s32 @!p0 $0x3  }
0xcd: {  	_ =	swait.ge @!p0 [sflag:s0], s1  }
0xce: {  	s1 =	ssub.s32 @!p0 $0x0, s1;
	[sflag:s0] =	ssyncset.done @!p0 $0x0  }
0xcf: {  	[sflag:s0] =	ssyncadd.s32 @!p0 s1  }
0xd0: {  	[bflag:$0x3] =	sbarrier.arrive $0xFFFF  }
0xd1: {  	_ =	shalt  }

// kernel: kernel.16.cloned.1.call-start
scs
__scs_entry_jumppad:
0x0: {  	(pc) =	sbr.rel $0x88, $3  }
0x1: {  	(tag) =	ssettag $0x0;
	lr =	simm.s32 $0x1  }
0x2: {  	[smem:$0x3F96] =	sst lr;
	_ =	strace $0xD0000000  }
0x3: {  	_ = 	snop  }
0x4: {  	_ = 	snop  }
0x5: {  	_ = 	snop  }
0x6: {  	_ = 	snop  }
0x7: {  	_ = 	snop  }
__scs_overlays_trampoline_lowered:
0x8: {  	[smem:$0x3FA5] =	sst s0  }
0x9: {  	[smem:$0x3FA6] =	sst s1  }
0xa: {  	[smem:$0x3FA7] =	sst s2  }
0xb: {  	[smem:$0x3FA8] =	sst s3  }
0xc: {  	[smem:$0x3FA9] =	sst s4  }
0xd: {  	[smem:$0x3FAA] =	sst s5  }
0xe: {  	[smem:$0x3FAB] =	sst s6  }
0xf: {  	[smem:$0x3FAC] =	sst s7  }
0x10: {  	[smem:$0x3FAD] =	sst s8  }
0x11: {  	[smem:$0x3FAE] =	sst s9;
	s0 =	simm.s32 @!p0 $0x0  }
0x12: {  	s1 =	sld [smem:$0x3F94];
	s0 =	simm.s32 @p0 $0x1  }
0x13: {  	[smem:$0x3FAF] =	sst s0;
	s0 =	simm.s32 @!p1 $0x0  }
0x14: {  	s2 =	sld [smem:$0x3F93];
	s0 =	simm.s32 @p1 $0x1  }
0x15: {  	[smem:$0x3FB0] =	sst s0;
	s0 =	simm.s32 @!p2 $0x0  }
0x16: {  	s3 =	sld [smem:$0x3FDB];
	s0 =	simm.s32 @p2 $0x1  }
0x17: {  	s4 =	simm.s32 $0x1BF5;
	[smem:$0x3FB2] =	sst s0  }
0x18: {  	s0 =	sld [smem:$0x3F95];
	_ =	swait.ge [sflag:s4], $0x0  }
0x19: {  	s7 =	sld [smem:$0x3F96]  }
0x1a: {  	s8 =	sadd.s32 $0xFFFFE003, lr  }
0x1b: {  	s9 =	sadd.s32 $0xFFFFFEF7, lr;
	s5 =	simm.s32 $0xFFFFFFFF;
	p2 =	slt.u32 s8, $0xFFFFF086  }
0x1c: {  	p1 =	slt.u32 s9, $0xF7A;
	s5 =	simm.s32 @!p2 $0x0  }
0x1d: {  	s5 =	simm.s32 @p1 $0x1;
	p0 =	seq.s32 s7, s2  }
0x1e: {  	s7 =	smul.u32 @!p0 $0xF7A, s2;
	p2 =	seq.s32 @!p0 s5, $0x0  }
0x1f: {  	s9 =	smul.u32 $0xF7A, s1;
	s8 =	simm.s32 @!p0 $0x1BF5;
	p2 =	por !p2, p0  }
0x20: {  	[sflag:s8] =	ssyncset.s32 @!p0 $0xFFFFF086;
	s6 =	sadd.s32 @!p0 s3, s7;
	s7 =	simm.s32 @!p0 $0x108  }
0x21: {  	s3 =	sadd.s32 s3, s9;
	s6 =	sadd.s32 @!p0 $0x88, s6;
	s7 =	simm.s32 @p2 $0x1082  }
0x22: {  	[simem:s7], [sflag:s8] =	dma.local @!p0 [hbm:s6], $0xF7A  }
0x23: {  	s9 =	sor.u32 $0xD0000000, s2;
	s6 =	simm.s32 $0x108;
	_ =	swait.ge @!p0 [sflag:s8], $0x0  }
0x24: {  	s3 =	sadd.s32 $0x88, s3;
	s6 =	simm.s32 @!p1 $0x1082;
	[sflag:s4] =	ssyncset.s32 $0xFFFFF086  }
0x25: {  	[simem:s6], [sflag:s4] =	dma.local [hbm:s3], $0xF7A  }
0x26: {  	[smem:$0x3F96] =	sst s1;
	(tag) =	ssettag s2;
	_ =	strace s9  }
0x27: {  	s1 =	sld [smem:$0x3FA6]  }
0x28: {  	s2 =	sld [smem:$0x3FA7]  }
0x29: {  	s4 =	sld [smem:$0x3FA9]  }
0x2a: {  	p0 =	seq.s32 s5, $0x0;
	s5 =	sld [smem:$0x3FAA]  }
0x2b: {  	s6 =	sld [smem:$0x3FAB]  }
0x2c: {  	s7 =	sld [smem:$0x3FAC]  }
0x2d: {  	s3 =	simm.s32 $0x108;
	s8 =	sld [smem:$0x3FAD]  }
0x2e: {  	s3 =	simm.s32 @!p0 $0x1082;
	s9 =	sld [smem:$0x3FAE]  }
0x2f: {  	lr =	sadd.s32 s0, s3;
	s0 =	sld [smem:$0x3FA5]  }
0x30: {  	s3 =	sld [smem:$0x3FA8]  }
0x31: {  	[smem:$0x3FB1] =	sst s10  }
0x32: {  	s10 =	sld [smem:$0x3FAF];
	_ =	sdelay $0x3  }
0x33: {  	p0 =	seq.s32 s10, $0x1;
	s10 =	sld [smem:$0x3FB1];
	_ =	sdelay $0x3  }
0x34: {  	[smem:$0x3FB1] =	sst s10  }
0x35: {  	s10 =	sld [smem:$0x3FB0];
	_ =	sdelay $0x3  }
0x36: {  	p1 =	seq.s32 s10, $0x1;
	s10 =	sld [smem:$0x3FB1];
	_ =	sdelay $0x3  }
0x37: {  	[smem:$0x3FB1] =	sst s10  }
0x38: {  	s10 =	sld [smem:$0x3FB2]  }
0x39: {  	_ = 	snop;
	(pc) =	sbr.ind lr, $3  }
0x3a: {  	_ = 	snop  }
0x3b: {  	_ = 	snop  }
0x3c: {  	p2 =	seq.s32 s10, $0x1;
	s10 =	sld [smem:$0x3FB1]  }
0x3d: {  	_ =	shalt  }
0x3e: {  	_ =	shalt  }
0x3f: {  	_ =	shalt  }
0x40: {  	_ =	shalt  }
0x41: {  	_ =	shalt  }
0x42: {  	_ =	shalt  }
0x43: {  	_ =	shalt  }
0x44: {  	_ =	shalt  }
0x45: {  	_ =	shalt  }
0x46: {  	_ =	shalt  }
0x47: {  	_ =	shalt  }
0x48: {  	_ =	shalt  }
0x49: {  	_ =	shalt  }
0x4a: {  	_ =	shalt  }
0x4b: {  	_ =	shalt  }
0x4c: {  	_ =	shalt  }
0x4d: {  	_ =	shalt  }
0x4e: {  	_ =	shalt  }
0x4f: {  	_ =	shalt  }
0x50: {  	_ =	shalt  }
0x51: {  	_ =	shalt  }
0x52: {  	_ =	shalt  }
0x53: {  	_ =	shalt  }
0x54: {  	_ =	shalt  }
0x55: {  	_ =	shalt  }
0x56: {  	_ =	shalt  }
0x57: {  	_ =	shalt  }
0x58: {  	_ =	shalt  }
0x59: {  	_ =	shalt  }
0x5a: {  	_ =	shalt  }
0x5b: {  	_ =	shalt  }
0x5c: {  	_ =	shalt  }
0x5d: {  	_ =	shalt  }
0x5e: {  	_ =	shalt  }
0x5f: {  	_ =	shalt  }
0x60: {  	_ =	shalt  }
0x61: {  	_ =	shalt  }
0x62: {  	_ =	shalt  }
0x63: {  	_ =	shalt  }
0x64: {  	_ =	shalt  }
0x65: {  	_ =	shalt  }
0x66: {  	_ =	shalt  }
0x67: {  	_ =	shalt  }
0x68: {  	_ =	shalt  }
0x69: {  	_ =	shalt  }
0x6a: {  	_ =	shalt  }
0x6b: {  	_ =	shalt  }
0x6c: {  	_ =	shalt  }
0x6d: {  	_ =	shalt  }
0x6e: {  	_ =	shalt  }
0x6f: {  	_ =	shalt  }
0x70: {  	_ =	shalt  }
0x71: {  	_ =	shalt  }
0x72: {  	_ =	shalt  }
0x73: {  	_ =	shalt  }
0x74: {  	_ =	shalt  }
0x75: {  	_ =	shalt  }
0x76: {  	_ =	shalt  }
0x77: {  	_ =	shalt  }
0x78: {  	_ =	shalt  }
0x79: {  	_ =	shalt  }
0x7a: {  	_ =	shalt  }
0x7b: {  	_ =	shalt  }
0x7c: {  	_ =	shalt  }
0x7d: {  	_ =	shalt  }
0x7e: {  	_ =	shalt  }
0x7f: {  	_ =	shalt  }
0x80: {  	_ =	shalt  }
0x81: {  	_ =	shalt  }
0x82: {  	_ =	shalt  }
0x83: {  	_ =	shalt  }
0x84: {  	_ =	shalt  }
0x85: {  	_ =	shalt  }
0x86: {  	_ =	shalt  }
0x87: {  	_ =	shalt  }
.Lfunc_end0:
.L_simem_size_0:
called_computation.2_lowered:
.L_overlay_start_0:
0x88: {  	s2 =	sld [smem:$0x3FD9]  }
0x89: {  	s3 =	sld [smem:$0x3FFE];
	_ =	sdelay $0x1  }
0x8a: {  	s1 =	srdreg.scid  }
0x8b: {  	s0 =	sand.u32 $0x1, s1  }
0x8c: {  	s17 =	sshll.u32 s0, $0xA;
	s2 =	sadd.s32 s3, s2  }
0x8d: {  	s2 =	sadd.s32 s2, s17  }
0x8e: {  	[smem:$0x3FBD] =	sst s2  }
0x8f: {  	_ = 	snop  }
0x90: {  	s2 =	sld [smem:$0x3FD0];
	(tm) =	ssettm $0x1  }
0x91: {  	s18 =	sld [smem:$0x3FFB];
	_ =	sdelay $0x3  }
0x92: {  	_ =	strace s18  }
0x93: {  	s3 =	sld [smem:$0x3FFC];
	_ =	sdelay $0x3  }
0x94: {  	_ =	strace s3  }
0x95: {  	s3 =	sld [smem:$0x3FFD];
	_ =	sdelay $0x3  }
0x96: {  	_ =	strace s3  }
0x97: {  	_ =	strace $0x8FFFFFFF  }
0x98: {  	s19 =	sld [smem:$0x3FDB];
	_ =	sdelay $0x1  }
0x99: {  	s4 =	simm.s32 $_scs_section_size  }
0x9a: {  	s5 =	simm.s32 $_size__tile_overlayer_lowered;
	s6 =	simm.s32 $_tile_overlayer_lowered  }
0x9b: {  	s22 =	simm.s32 $0x1BFF;
	s21 =	sshll.u32 s6, $0x1;
	s3 =	sadd.s32 s4, s19  }
0x9c: {  	s7 =	simm.s32 $0x0;
	s20 =	sshll.u32 s5, $0x1;
	s5 =	sadd.s32 s21, s3  }
0x9d: {  	[timem:s7], [sflag:s22] =	dma.local [hbm:s5], s20  }
0x9e: {  	_ =	swait.ge [sflag:s22], s20  }
0x9f: {  	s4 =	ssub.s32 $0x0, s20;
	[sflag:s22] =	ssyncset.done $0x0  }
0xa0: {  	[sflag:s22] =	ssyncadd.s32 s4;
	_ =	sdelay $0x1  }
0xa1: {  	s23 =	simm.s32 $0x1B8B  }
0xa2: {  	_ =	swait.ge [sflag:s23], $0x1  }
0xa3: {  	[sflag:s23] =	ssyncset.done $0x0  }
0xa4: {  	s25 =	simm.s32 $0x1B8E;
	s24 =	sld [smem:$0x3FFE];
	[sflag:s23] =	ssyncadd.s32 $0xFFFFFFFF  }
0xa5: {  	s26 =	simm.s32 $execute0_lowered;
	[smem:$0x3FD2] =	sst s25  }
0xa6: {  	s5 =	sshll.u32 s26, $0x1;
	_ =	strace $0x8000004C;
	[dreg:$0x1] =	wrdreg $0xFFFFFFFF  }
0xa7: {  	s28 =	simm.s32 $_size_execute0_lowered;
	s3 =	sadd.s32 s3, s5;
	[dreg:$0x0] =	wrdreg $0x0  }
0xa8: {  	s5 =	sshll.u32 s28, $0x1;
	[dreg:$0x2] =	wrdreg s3  }
0xa9: {  	[dreg:$0x3] =	wrdreg s5  }
0xaa: {  	[dreg:$0x4] =	wrdreg $0xC0  }
0xab: {  	_ =	task [dreg:s7], $0x5FFFF  }
0xac: {  	[dreg:$0x1] =	wrdreg $0xFFFFFFFF  }
0xad: {  	[dreg:$0x0] =	wrdreg $0x60  }
0xae: {  	[dreg:$0x2] =	wrdreg s24  }
0xaf: {  	[dreg:$0x3] =	wrdreg s2  }
0xb0: {  	[dreg:$0x4] =	wrdreg $0x88000  }
0xb1: {  	[dreg:$0x5] =	wrdreg $0x9  }
0xb2: {  	_ =	task.clear_ibuf [dreg:s7], $0x6FFFF;
	_ =	strace $0x9000004C  }
0xb3: {  	s29 =	simm.s32 $0x9;
	_ =	strace $0x8000004E  }
0xb4: {  	_ =	swait.ge [sflag:s29], $0x1  }
0xb5: {  	[sflag:s29] =	ssyncadd.s32 $0xFFFFFFFF  }
0xb6: {  	_ =	strace $0x9000004E  }
0xb7: {  	_ =	sfence  }
0xb8: {  	s30 =	sld [smem:$0x0];
	_ =	sdelay $0x2  }
0xb9: {  	s31 =	sshll.u32 s1, $0xD;
	s1 =	sshrl.u32 s1, $0x2  }
0xba: {  	s3 =	sand.u32 $0x4000, s31;
	s1 =	sadd.s32 s1, s30  }
0xbb: {  	s0 =	sor.u32 s3, s0;
	s1 =	sshll.u32 s1, $0x11  }
0xbc: {  	s0 =	sor.u32 s1, s0  }
0xbd: {  	s0 =	sadd.s32 $0x8F2B, s0  }
0xbe: {  	[sflag:s0] =	ssyncadd.remote.s32 $0x1  }
0xbf: {  	_ =	sfence.sel $0xFFFF  }
0xc0: {  	[dreg:$0x0] =	wrdreg $0xFFFFFFFF;
	(pc) =	sbr.abs _section_cstart, $3  }
0xc1: {  	[dreg:$0x1] =	wrdreg $0xFFFFFFFF  }
0xc2: {  	_ =	task.clear_ibuf [dreg:s7], $0x2FFFF;
	_ =	strace $0x9FFFFFFF  }
0xc3: {  	(tm) =	ssettm $0x7FFFFFFF  }
tec
execute0_lowered:
.L_overlay_start_1:
0x0: {  	(tag) =	ssettag $0x1  }
0x1: {  	s0 =	rddreg [dreg:$0x0]  }
0x2: {  	s1 =	rddreg [dreg:$0x1];
	s2 =	srdreg.scid;
	s3 =	simm.s32 $0x0  }
0x3: {  	s11 =	stileid.u32;
	s13 =	simm.s32 $0x3;
	s14 =	simm.s32 $0x400  }
0x4: {  	s28 =	simm.s32 $0x600;
	s29 =	simm.s32 $0x300;
	s30 =	simm.s32 $0x680  }
0x5: {  	s31 =	simm.s32 $0x380;
	[dreg:$0x4] =	wrdreg s1;
	s7 =	smul.u32 $0x13C00, s11  }
0x6: {  	s1 =	rddreg [dreg:$0x2];
	s2 =	sand.u32 $0x1, s2;
	s16 =	smul.u32 $0xFFFFFF90, s11  }
0x7: {  	[smem:$0x7FF] =	sst s3;
	s4 =	sadd.s32 $0x16C00, s0;
	s9 =	smul.u32 $0x4F000, s11  }
0x8: {  	s5 =	sadd.s32 $0xCC00, s0;
	s8 =	sadd.s32 $0x3DE00, s0;
	s10 =	smul.u32 $0x88, s11  }
0x9: {  	s20 =	sshll.u32 s11, $0x6;
	s6 =	smul.u32 $0x13C000, s2;
	_ =	strace $0x8000004D  }
0xa: {  	[dreg:$0x5] =	wrdreg s8;
	s15 =	ssub.s32 $0x2, s2;
	s22 =	sor.u32 $0x1C03, s20  }
0xb: {  	s20 =	simm.s32 $0x2;
	s17 =	sshrl.u32 s15, $0x1;
	s18 =	sadd.s32 $0x880, s16  }
0xc: {  	s19 =	sshrl.u32 s9, $0x2;
	s16 =	simm.s32 $0x800;
	s21 =	smul.u32 s2, s18  }
0xd: {  	s6 =	sadd.s32 s7, s6;
	s8 =	sadd.s32 s19, s1;
	s2 =	smul.u32 $0xE, s2  }
0xe: {  	s18 =	simm.s32 $0x1;
	s19 =	simm.s32 $0x100;
	s6 =	sshrl.u32 s6, $0x3  }
0xf: {  	s0 =	sadd.s32 s6, s0;
	s6 =	ssub.s32 s15, s17;
	s23 =	sadd.s32 s10, s21  }
0x10: {  	s25 =	ssub.s32 $0x11, s2;
	s10 =	sshrl.u32 s8, $0x3;
	s8 =	smov.u32 s22  }
0x11: {  	s15 =	simm.s32 $0x80;
	s17 =	simm.s32 $0x4800;
	s21 =	simm.s32 $0x480  }
0x12: {  	s22 =	simm.s32 $0x180;
	s0 =	sadd.s32 $0x40600, s0;
	[dreg:$0x8] =	wrdreg s25  }
0x13: {  	s2 =	simm.s32 $0x780;
	s24 =	smax.u32 s6, $0x1;
	[dreg:$0x6] =	wrdreg s0  }
0x14: {  	s26 =	sshll.u32 s23, $0x4;
	s23 =	simm.s32 $0x500;
	[dreg:$0x7] =	wrdreg s24  }
0x15: {  	s25 =	simm.s32 $0x580;
	s6 =	simm.s32 $0x0;
	[dreg:$0x9] =	wrdreg s26  }
0x16: {  	s24 =	simm.s32 $0x200;
	s26 =	simm.s32 $0x280;
	s0 =	simm.s32 $0x700  }
.LBB2_1:
0x17: {  	s7 =	rddreg [dreg:$0x5]  }
0x18: {  	[spmem:s10], [sflag:s8] =	dma.local [hbm:s7], $0x2780  }
0x19: {  	_ =	swait.ge [sflag:s13], $0x2780  }
0x1a: {  	[sflag:s13] =	ssyncset.done $0x0  }
0x1b: {  	[sflag:s13] =	ssyncadd.s32 $0xFFFFD880  }
0x1c: {  	[bflag:$0x0] =	sbarrier.arrive $0xFFFF  }
0x1d: {  	s9 =	smov.u32 s10;
	s10 =	rddreg [dreg:$0x9]  }
0x1e: {  	s7 =	rddreg [dreg:$0x4];
	s11 =	sand.u32 $0x1FFFFF80, s10  }
0x1f: {  	s12 =	smov.u32 s8;
	s8 =	sadd.s32 s7, s11  }
0x20: {  	[tilespmem:s3], [sflag:$0x3] =	stream.linear.gather [hbm4b:s8+s3], $0x400, $0x38;
	[tilespmem:$0x1C400] =	vst v63  }
0x21: {  	_ =	swait.ge [sflag:s13], $0x400  }
0x22: {  	[sflag:s13] =	ssyncset.done $0x0  }
0x23: {  	s7 =	sadd.s32 s5, s11;
	[sflag:s13] =	ssyncadd.s32 $0xFFFFFC00  }
0x24: {  	[tilespmem:s14], [sflag:$0x3] =	stream.linear.gather [hbm4b:s7+s3], $0x400, $0x38;
	[tilespmem:$0x1C400] =	vst v63  }
0x25: {  	_ =	swait.ge [sflag:s13], $0x400  }
0x26: {  	[sflag:s13] =	ssyncset.done $0x0  }
0x27: {  	[sflag:s13] =	ssyncadd.s32 $0xFFFFFC00  }
0x28: {  	[tilespmem:s16], [sflag:$0x1] =	stream.indirect.gather [hbm4b:s4+s15], $0x80, s3, s15, $0xb8;
	[tilespmem:$0x1C400] =	vst v63  }
0x29: {  	_ = 	snop  }
0x2a: {  	[tilespmem:s17], [sflag:$0x2] =	stream.indirect.gather [hbm4b:s4+s15], $0x80, s15, s15, $0xb8;
	[tilespmem:$0x1C400] =	vst v63  }
0x2b: {  	_ =	swait.ge [sflag:s18], $0x4000  }
0x2c: {  	[sflag:s18] =	ssyncset.done $0x0  }
0x2d: {  	[sflag:s18] =	ssyncadd.s32 $0xFFFFC000  }
0x2e: {  	[spmem:s1] =	stream.indirect.scatter.add.f32 [tilespmem:s16], [sflag:$0x3], $0x80, s14, s15, $0xb8;
	[tilespmem:$0x1C400] =	vst v63  }
0x2f: {  	_ =	swait.ge [sflag:s13], $0x4000  }
0x30: {  	[sflag:s13] =	ssyncset.done $0x0  }
0x31: {  	[sflag:s13] =	ssyncadd.s32 $0xFFFFC000  }
0x32: {  	[tilespmem:s16], [sflag:$0x1] =	stream.indirect.gather [hbm4b:s4+s15], $0x80, s19, s15, $0xb8;
	[tilespmem:$0x1C400] =	vst v63  }
0x33: {  	_ =	swait.ge [sflag:s20], $0x4000  }
0x34: {  	[sflag:s20] =	ssyncset.done $0x0  }
0x35: {  	[sflag:s20] =	ssyncadd.s32 $0xFFFFC000  }
0x36: {  	[spmem:s1] =	stream.indirect.scatter.add.f32 [tilespmem:s17], [sflag:$0x3], $0x80, s21, s15, $0xb8;
	[tilespmem:$0x1C400] =	vst v63  }
0x37: {  	_ =	swait.ge [sflag:s13], $0x4000  }
0x38: {  	[sflag:s13] =	ssyncset.done $0x0  }
0x39: {  	[sflag:s13] =	ssyncadd.s32 $0xFFFFC000  }
0x3a: {  	[tilespmem:s17], [sflag:$0x2] =	stream.indirect.gather [hbm4b:s4+s15], $0x80, s22, s15, $0xb8;
	[tilespmem:$0x1C400] =	vst v63  }
0x3b: {  	_ =	swait.ge [sflag:s18], $0x4000  }
0x3c: {  	[sflag:s18] =	ssyncset.done $0x0  }
0x3d: {  	[sflag:s18] =	ssyncadd.s32 $0xFFFFC000  }
0x3e: {  	[spmem:s1] =	stream.indirect.scatter.add.f32 [tilespmem:s16], [sflag:$0x3], $0x80, s23, s15, $0xb8;
	[tilespmem:$0x1C400] =	vst v63  }
0x3f: {  	_ =	swait.ge [sflag:s13], $0x4000  }
0x40: {  	[sflag:s13] =	ssyncset.done $0x0  }
0x41: {  	[sflag:s13] =	ssyncadd.s32 $0xFFFFC000  }
0x42: {  	[tilespmem:s16], [sflag:$0x1] =	stream.indirect.gather [hbm4b:s4+s15], $0x80, s24, s15, $0xb8;
	[tilespmem:$0x1C400] =	vst v63  }
0x43: {  	_ =	swait.ge [sflag:s20], $0x4000  }
0x44: {  	[sflag:s20] =	ssyncset.done $0x0  }
0x45: {  	[sflag:s20] =	ssyncadd.s32 $0xFFFFC000  }
0x46: {  	[spmem:s1] =	stream.indirect.scatter.add.f32 [tilespmem:s17], [sflag:$0x3], $0x80, s25, s15, $0xb8;
	[tilespmem:$0x1C400] =	vst v63  }
0x47: {  	_ =	swait.ge [sflag:s13], $0x4000  }
0x48: {  	[sflag:s13] =	ssyncset.done $0x0  }
0x49: {  	[sflag:s13] =	ssyncadd.s32 $0xFFFFC000  }
0x4a: {  	[tilespmem:s17], [sflag:$0x2] =	stream.indirect.gather [hbm4b:s4+s15], $0x80, s26, s15, $0xb8;
	[tilespmem:$0x1C400] =	vst v63  }
0x4b: {  	_ =	swait.ge [sflag:s18], $0x4000  }
0x4c: {  	[sflag:s18] =	ssyncset.done $0x0  }
0x4d: {  	[sflag:s18] =	ssyncadd.s32 $0xFFFFC000  }
0x4e: {  	[spmem:s1] =	stream.indirect.scatter.add.f32 [tilespmem:s16], [sflag:$0x3], $0x80, s28, s15, $0xb8;
	[tilespmem:$0x1C400] =	vst v63  }
0x4f: {  	_ =	swait.ge [sflag:s13], $0x4000  }
0x50: {  	[sflag:s13] =	ssyncset.done $0x0  }
0x51: {  	[sflag:s13] =	ssyncadd.s32 $0xFFFFC000  }
0x52: {  	[tilespmem:s16], [sflag:$0x1] =	stream.indirect.gather [hbm4b:s4+s15], $0x80, s29, s15, $0xb8;
	[tilespmem:$0x1C400] =	vst v63  }
0x53: {  	_ =	swait.ge [sflag:s20], $0x4000  }
0x54: {  	[sflag:s20] =	ssyncset.done $0x0  }
0x55: {  	[sflag:s20] =	ssyncadd.s32 $0xFFFFC000  }
0x56: {  	[spmem:s1] =	stream.indirect.scatter.add.f32 [tilespmem:s17], [sflag:$0x3], $0x80, s30, s15, $0xb8;
	[tilespmem:$0x1C400] =	vst v63  }
0x57: {  	_ =	swait.ge [sflag:s13], $0x4000  }
0x58: {  	[sflag:s13] =	ssyncset.done $0x0  }
0x59: {  	[sflag:s13] =	ssyncadd.s32 $0xFFFFC000  }
0x5a: {  	[tilespmem:s17], [sflag:$0x2] =	stream.indirect.gather [hbm4b:s4+s15], $0x80, s31, s15, $0xb8;
	[tilespmem:$0x1C400] =	vst v63  }
0x5b: {  	_ =	swait.ge [sflag:s18], $0x4000  }
0x5c: {  	[sflag:s18] =	ssyncset.done $0x0  }
0x5d: {  	[sflag:s18] =	ssyncadd.s32 $0xFFFFC000  }
0x5e: {  	[spmem:s1] =	stream.indirect.scatter.add.f32 [tilespmem:s16], [sflag:$0x3], $0x80, s0, s15, $0xb8;
	[tilespmem:$0x1C400] =	vst v63  }
0x5f: {  	_ =	swait.ge [sflag:s13], $0x4000  }
0x60: {  	[sflag:s13] =	ssyncset.done $0x0  }
0x61: {  	[sflag:s13] =	ssyncadd.s32 $0xFFFFC000  }
0x62: {  	_ =	swait.ge [sflag:s20], $0x4000  }
0x63: {  	s11 =	rddreg [dreg:$0x8]  }
0x64: {  	p0 =	sne.s32 s11, $0x1  }
.Ltmp0:
0x65: {  	_ = 	snop;
	(pc) =	sbr.rel @!p0 .LBB2_3-.Ltmp0, $4  }
0x66: {  	[sflag:s20] =	ssyncset.done $0x0  }
0x67: {  	[sflag:s20] =	ssyncadd.s32 $0xFFFFC000  }
0x68: {  	[spmem:s1] =	stream.indirect.scatter.add.f32 [tilespmem:s17], [sflag:$0x3], $0x80, s2, s15, $0xb8;
	[tilespmem:$0x1C400] =	vst v63  }
0x69: {  	s8 =	sadd.s32 $0xFFFFFFFF, s11;
	s11 =	smov.u32 s10;
	_ =	swait.ge [sflag:s13], $0x4000  }
.LBB2_2:
0x6a: {  	s11 =	sadd.s32 $0x80, s11  }
0x6b: {  	s7 =	rddreg [dreg:$0x4];
	[sflag:s13] =	ssyncset.done $0x0;
	s10 =	sand.u32 $0x1FFFFF80, s11  }
0x6c: {  	[sflag:s13] =	ssyncadd.s32 $0xFFFFC000;
	s7 =	sadd.s32 s7, s10  }
0x6d: {  	[tilespmem:s3], [sflag:$0x3] =	stream.linear.gather [hbm4b:s7+s3], $0x400, $0x38;
	[tilespmem:$0x1C400] =	vst v63  }
0x6e: {  	_ =	swait.ge [sflag:s13], $0x400  }
0x6f: {  	[sflag:s13] =	ssyncset.done $0x0  }
0x70: {  	s10 =	sadd.s32 s5, s10;
	[sflag:s13] =	ssyncadd.s32 $0xFFFFFC00  }
0x71: {  	[tilespmem:s14], [sflag:$0x3] =	stream.linear.gather [hbm4b:s10+s3], $0x400, $0x38;
	[tilespmem:$0x1C400] =	vst v63  }
0x72: {  	_ =	swait.ge [sflag:s13], $0x400  }
0x73: {  	[sflag:s13] =	ssyncset.done $0x0  }
0x74: {  	[sflag:s13] =	ssyncadd.s32 $0xFFFFFC00  }
0x75: {  	[tilespmem:s16], [sflag:$0x1] =	stream.indirect.gather [hbm4b:s4+s15], $0x80, s3, s15, $0xb8;
	[tilespmem:$0x1C400] =	vst v63  }
0x76: {  	_ = 	snop  }
0x77: {  	[tilespmem:s17], [sflag:$0x2] =	stream.indirect.gather [hbm4b:s4+s15], $0x80, s15, s15, $0xb8;
	[tilespmem:$0x1C400] =	vst v63  }
0x78: {  	_ =	swait.ge [sflag:s18], $0x4000  }
0x79: {  	[sflag:s18] =	ssyncset.done $0x0  }
0x7a: {  	[sflag:s18] =	ssyncadd.s32 $0xFFFFC000  }
0x7b: {  	[spmem:s1] =	stream.indirect.scatter.add.f32 [tilespmem:s16], [sflag:$0x3], $0x80, s14, s15, $0xb8;
	[tilespmem:$0x1C400] =	vst v63  }
0x7c: {  	_ =	swait.ge [sflag:s13], $0x4000  }
0x7d: {  	[sflag:s13] =	ssyncset.done $0x0  }
0x7e: {  	[sflag:s13] =	ssyncadd.s32 $0xFFFFC000  }
0x7f: {  	[tilespmem:s16], [sflag:$0x1] =	stream.indirect.gather [hbm4b:s4+s15], $0x80, s19, s15, $0xb8;
	[tilespmem:$0x1C400] =	vst v63  }
0x80: {  	_ =	swait.ge [sflag:s20], $0x4000  }
0x81: {  	[sflag:s20] =	ssyncset.done $0x0  }
0x82: {  	[sflag:s20] =	ssyncadd.s32 $0xFFFFC000  }
0x83: {  	[spmem:s1] =	stream.indirect.scatter.add.f32 [tilespmem:s17], [sflag:$0x3], $0x80, s21, s15, $0xb8;
	[tilespmem:$0x1C400] =	vst v63  }
0x84: {  	_ =	swait.ge [sflag:s13], $0x4000  }
0x85: {  	[sflag:s13] =	ssyncset.done $0x0  }
0x86: {  	[sflag:s13] =	ssyncadd.s32 $0xFFFFC000  }
0x87: {  	[tilespmem:s17], [sflag:$0x2] =	stream.indirect.gather [hbm4b:s4+s15], $0x80, s22, s15, $0xb8;
	[tilespmem:$0x1C400] =	vst v63  }
0x88: {  	_ =	swait.ge [sflag:s18], $0x4000  }
0x89: {  	[sflag:s18] =	ssyncset.done $0x0  }
0x8a: {  	[sflag:s18] =	ssyncadd.s32 $0xFFFFC000  }
0x8b: {  	[spmem:s1] =	stream.indirect.scatter.add.f32 [tilespmem:s16], [sflag:$0x3], $0x80, s23, s15, $0xb8;
	[tilespmem:$0x1C400] =	vst v63  }
0x8c: {  	_ =	swait.ge [sflag:s13], $0x4000  }
0x8d: {  	[sflag:s13] =	ssyncset.done $0x0  }
0x8e: {  	[sflag:s13] =	ssyncadd.s32 $0xFFFFC000  }
0x8f: {  	[tilespmem:s16], [sflag:$0x1] =	stream.indirect.gather [hbm4b:s4+s15], $0x80, s24, s15, $0xb8;
	[tilespmem:$0x1C400] =	vst v63  }
0x90: {  	_ =	swait.ge [sflag:s20], $0x4000  }
0x91: {  	[sflag:s20] =	ssyncset.done $0x0  }
0x92: {  	[sflag:s20] =	ssyncadd.s32 $0xFFFFC000  }
0x93: {  	[spmem:s1] =	stream.indirect.scatter.add.f32 [tilespmem:s17], [sflag:$0x3], $0x80, s25, s15, $0xb8;
	[tilespmem:$0x1C400] =	vst v63  }
0x94: {  	_ =	swait.ge [sflag:s13], $0x4000  }
0x95: {  	[sflag:s13] =	ssyncset.done $0x0  }
0x96: {  	[sflag:s13] =	ssyncadd.s32 $0xFFFFC000  }
0x97: {  	[tilespmem:s17], [sflag:$0x2] =	stream.indirect.gather [hbm4b:s4+s15], $0x80, s26, s15, $0xb8;
	[tilespmem:$0x1C400] =	vst v63  }
0x98: {  	_ =	swait.ge [sflag:s18], $0x4000  }
0x99: {  	[sflag:s18] =	ssyncset.done $0x0  }
0x9a: {  	[sflag:s18] =	ssyncadd.s32 $0xFFFFC000  }
0x9b: {  	[spmem:s1] =	stream.indirect.scatter.add.f32 [tilespmem:s16], [sflag:$0x3], $0x80, s28, s15, $0xb8;
	[tilespmem:$0x1C400] =	vst v63  }
0x9c: {  	_ =	swait.ge [sflag:s13], $0x4000  }
0x9d: {  	[sflag:s13] =	ssyncset.done $0x0  }
0x9e: {  	[sflag:s13] =	ssyncadd.s32 $0xFFFFC000  }
0x9f: {  	[tilespmem:s16], [sflag:$0x1] =	stream.indirect.gather [hbm4b:s4+s15], $0x80, s29, s15, $0xb8;
	[tilespmem:$0x1C400] =	vst v63  }
0xa0: {  	_ =	swait.ge [sflag:s20], $0x4000  }
0xa1: {  	[sflag:s20] =	ssyncset.done $0x0  }
0xa2: {  	[sflag:s20] =	ssyncadd.s32 $0xFFFFC000  }
0xa3: {  	[spmem:s1] =	stream.indirect.scatter.add.f32 [tilespmem:s17], [sflag:$0x3], $0x80, s30, s15, $0xb8;
	[tilespmem:$0x1C400] =	vst v63  }
0xa4: {  	_ =	swait.ge [sflag:s13], $0x4000  }
0xa5: {  	[sflag:s13] =	ssyncset.done $0x0  }
0xa6: {  	[sflag:s13] =	ssyncadd.s32 $0xFFFFC000  }
0xa7: {  	[tilespmem:s17], [sflag:$0x2] =	stream.indirect.gather [hbm4b:s4+s15], $0x80, s31, s15, $0xb8;
	[tilespmem:$0x1C400] =	vst v63  }
0xa8: {  	_ =	swait.ge [sflag:s18], $0x4000  }
0xa9: {  	[sflag:s18] =	ssyncset.done $0x0  }
0xaa: {  	[sflag:s18] =	ssyncadd.s32 $0xFFFFC000  }
0xab: {  	[spmem:s1] =	stream.indirect.scatter.add.f32 [tilespmem:s16], [sflag:$0x3], $0x80, s0, s15, $0xb8;
	[tilespmem:$0x1C400] =	vst v63  }
0xac: {  	_ =	swait.ge [sflag:s13], $0x4000  }
0xad: {  	[sflag:s13] =	ssyncset.done $0x0  }
0xae: {  	p0 =	sne.s32 s8, $0x1;
	[sflag:s13] =	ssyncadd.s32 $0xFFFFC000  }
.Ltmp1:
0xaf: {  	_ =	swait.ge [sflag:s20], $0x4000;
	(pc) =	sbr.rel @p0 .LBB2_2-.Ltmp1, $4  }
0xb0: {  	[sflag:s20] =	ssyncset.done $0x0  }
0xb1: {  	[sflag:s20] =	ssyncadd.s32 $0xFFFFC000  }
0xb2: {  	[spmem:s1] =	stream.indirect.scatter.add.f32 [tilespmem:s17], [sflag:$0x3], $0x80, s2, s15, $0xb8;
	[tilespmem:$0x1C400] =	vst v63  }
0xb3: {  	s8 =	sadd.s32 $0xFFFFFFFF, s8;
	_ =	swait.ge [sflag:s13], $0x4000  }
.LBB2_3:
0xb4: {  	[sflag:s13] =	ssyncset.done $0x0  }
0xb5: {  	[sflag:s13] =	ssyncadd.s32 $0xFFFFC000  }
0xb6: {  	[bflag:$0x0] =	sbarrier.arrive $0xFFFF  }
0xb7: {  	s7 =	rddreg [dreg:$0x6]  }
0xb8: {  	[hbm:s7], [sflag:s12] =	dma.local [spmem:s9], $0x2780  }
0xb9: {  	_ =	swait.ge [sflag:s13], $0x2780  }
0xba: {  	s8 =	smov.u32 s12;
	s6 =	sadd.s32 $0x1, s6;
	s12 =	rddreg [dreg:$0x7]  }
0xbb: {  	p0 =	sne.s32 s6, s12  }
.Ltmp2:
0xbc: {  	_ = 	snop;
	(pc) =	sbr.rel @p0 .LBB2_1-.Ltmp2, $3  }
0xbd: {  	_ =	sdelay $0x1  }
0xbe: {  	[sflag:s13] =	ssyncset.done $0x0  }
0xbf: {  	s10 =	smov.u32 s9;
	[sflag:s13] =	ssyncadd.s32 $0xFFFFD880  }
0xc0: {  	_ =	sfence.sel $0x180000  }
0xc1: {  	[bflag:$0x0] =	sbarrier.arrive $0xFFFF  }
0xc2: {  	_ =	strace $0x9000004D  }
0xc3: {  	s0 =	stileid.u32;
	[bflag:$0x2] =	sbarrier.arrive $0xFFFF  }
0xc4: {  	p0 =	sne.s32 s0, $0x0;
	s0 =	rddreg [dreg:$0x3]  }
0xc5: {  	s0 =	sadd.s32 @!p0 $0x100000, s0  }
0xc6: {  	[sflag:s0] =	ssyncadd.tile.s32 @!p0 $0x1;
	_ =	shalt  }
.Lfunc_end2:
_tile_overlayer_lowered:
.L_overlay_start_2:
0xc7: {  	(tag) =	ssettag $0x2  }
0xc8: {  	s0 =	rddreg [dreg:$0x0];
	s2 =	stileid.u32  }
0xc9: {  	s1 =	rddreg [dreg:$0x1];
	p0 =	sne.s32 s2, $0x0  }
0xca: {  	s3 =	rddreg [dreg:$0x2];
	[bflag:$0x3] =	sbarrier.arrive $0xFFFF;
	s2 =	simm.s32 @!p0 $0x1C03  }
0xcb: {  	[timem:s3], [sflag:s2] =	dma.local @!p0 [hbm:s0], s1  }
0xcc: {  	s0 =	simm.s32 @!p0 $0x3  }
0xcd: {  	_ =	swait.ge @!p0 [sflag:s0], s1  }
0xce: {  	s1 =	ssub.s32 @!p0 $0x0, s1;
	[sflag:s0] =	ssyncset.done @!p0 $0x0  }
0xcf: {  	[sflag:s0] =	ssyncadd.s32 @!p0 s1  }
0xd0: {  	[bflag:$0x3] =	sbarrier.arrive $0xFFFF  }
0xd1: {  	_ =	shalt  }

// kernel: kernel.19.cloned.1.call-start
scs
__scs_entry_jumppad:
0x0: {  	(pc) =	sbr.rel $0x88, $3  }
0x1: {  	(tag) =	ssettag $0x0;
	lr =	simm.s32 $0x1  }
0x2: {  	[smem:$0x3F96] =	sst lr;
	_ =	strace $0xD0000000  }
0x3: {  	_ = 	snop  }
0x4: {  	_ = 	snop  }
0x5: {  	_ = 	snop  }
0x6: {  	_ = 	snop  }
0x7: {  	_ = 	snop  }
__scs_overlays_trampoline_lowered:
0x8: {  	[smem:$0x3FA5] =	sst s0  }
0x9: {  	[smem:$0x3FA6] =	sst s1  }
0xa: {  	[smem:$0x3FA7] =	sst s2  }
0xb: {  	[smem:$0x3FA8] =	sst s3  }
0xc: {  	[smem:$0x3FA9] =	sst s4  }
0xd: {  	[smem:$0x3FAA] =	sst s5  }
0xe: {  	[smem:$0x3FAB] =	sst s6  }
0xf: {  	[smem:$0x3FAC] =	sst s7  }
0x10: {  	[smem:$0x3FAD] =	sst s8  }
0x11: {  	[smem:$0x3FAE] =	sst s9;
	s0 =	simm.s32 @!p0 $0x0  }
0x12: {  	s1 =	sld [smem:$0x3F94];
	s0 =	simm.s32 @p0 $0x1  }
0x13: {  	[smem:$0x3FAF] =	sst s0;
	s0 =	simm.s32 @!p1 $0x0  }
0x14: {  	s2 =	sld [smem:$0x3F93];
	s0 =	simm.s32 @p1 $0x1  }
0x15: {  	[smem:$0x3FB0] =	sst s0;
	s0 =	simm.s32 @!p2 $0x0  }
0x16: {  	s3 =	sld [smem:$0x3FDB];
	s0 =	simm.s32 @p2 $0x1  }
0x17: {  	s4 =	simm.s32 $0x1BF5;
	[smem:$0x3FB2] =	sst s0  }
0x18: {  	s0 =	sld [smem:$0x3F95];
	_ =	swait.ge [sflag:s4], $0x0  }
0x19: {  	s7 =	sld [smem:$0x3F96]  }
0x1a: {  	s8 =	sadd.s32 $0xFFFFE003, lr  }
0x1b: {  	s9 =	sadd.s32 $0xFFFFFEF7, lr;
	s5 =	simm.s32 $0xFFFFFFFF;
	p2 =	slt.u32 s8, $0xFFFFF086  }
0x1c: {  	p1 =	slt.u32 s9, $0xF7A;
	s5 =	simm.s32 @!p2 $0x0  }
0x1d: {  	s5 =	simm.s32 @p1 $0x1;
	p0 =	seq.s32 s7, s2  }
0x1e: {  	s7 =	smul.u32 @!p0 $0xF7A, s2;
	p2 =	seq.s32 @!p0 s5, $0x0  }
0x1f: {  	s9 =	smul.u32 $0xF7A, s1;
	s8 =	simm.s32 @!p0 $0x1BF5;
	p2 =	por !p2, p0  }
0x20: {  	[sflag:s8] =	ssyncset.s32 @!p0 $0xFFFFF086;
	s6 =	sadd.s32 @!p0 s3, s7;
	s7 =	simm.s32 @!p0 $0x108  }
0x21: {  	s3 =	sadd.s32 s3, s9;
	s6 =	sadd.s32 @!p0 $0x88, s6;
	s7 =	simm.s32 @p2 $0x1082  }
0x22: {  	[simem:s7], [sflag:s8] =	dma.local @!p0 [hbm:s6], $0xF7A  }
0x23: {  	s9 =	sor.u32 $0xD0000000, s2;
	s6 =	simm.s32 $0x108;
	_ =	swait.ge @!p0 [sflag:s8], $0x0  }
0x24: {  	s3 =	sadd.s32 $0x88, s3;
	s6 =	simm.s32 @!p1 $0x1082;
	[sflag:s4] =	ssyncset.s32 $0xFFFFF086  }
0x25: {  	[simem:s6], [sflag:s4] =	dma.local [hbm:s3], $0xF7A  }
0x26: {  	[smem:$0x3F96] =	sst s1;
	(tag) =	ssettag s2;
	_ =	strace s9  }
0x27: {  	s1 =	sld [smem:$0x3FA6]  }
0x28: {  	s2 =	sld [smem:$0x3FA7]  }
0x29: {  	s4 =	sld [smem:$0x3FA9]  }
0x2a: {  	p0 =	seq.s32 s5, $0x0;
	s5 =	sld [smem:$0x3FAA]  }
0x2b: {  	s6 =	sld [smem:$0x3FAB]  }
0x2c: {  	s7 =	sld [smem:$0x3FAC]  }
0x2d: {  	s3 =	simm.s32 $0x108;
	s8 =	sld [smem:$0x3FAD]  }
0x2e: {  	s3 =	simm.s32 @!p0 $0x1082;
	s9 =	sld [smem:$0x3FAE]  }
0x2f: {  	lr =	sadd.s32 s0, s3;
	s0 =	sld [smem:$0x3FA5]  }
0x30: {  	s3 =	sld [smem:$0x3FA8]  }
0x31: {  	[smem:$0x3FB1] =	sst s10  }
0x32: {  	s10 =	sld [smem:$0x3FAF];
	_ =	sdelay $0x3  }
0x33: {  	p0 =	seq.s32 s10, $0x1;
	s10 =	sld [smem:$0x3FB1];
	_ =	sdelay $0x3  }
0x34: {  	[smem:$0x3FB1] =	sst s10  }
0x35: {  	s10 =	sld [smem:$0x3FB0];
	_ =	sdelay $0x3  }
0x36: {  	p1 =	seq.s32 s10, $0x1;
	s10 =	sld [smem:$0x3FB1];
	_ =	sdelay $0x3  }
0x37: {  	[smem:$0x3FB1] =	sst s10  }
0x38: {  	s10 =	sld [smem:$0x3FB2]  }
0x39: {  	_ = 	snop;
	(pc) =	sbr.ind lr, $3  }
0x3a: {  	_ = 	snop  }
0x3b: {  	_ = 	snop  }
0x3c: {  	p2 =	seq.s32 s10, $0x1;
	s10 =	sld [smem:$0x3FB1]  }
0x3d: {  	_ =	shalt  }
0x3e: {  	_ =	shalt  }
0x3f: {  	_ =	shalt  }
0x40: {  	_ =	shalt  }
0x41: {  	_ =	shalt  }
0x42: {  	_ =	shalt  }
0x43: {  	_ =	shalt  }
0x44: {  	_ =	shalt  }
0x45: {  	_ =	shalt  }
0x46: {  	_ =	shalt  }
0x47: {  	_ =	shalt  }
0x48: {  	_ =	shalt  }
0x49: {  	_ =	shalt  }
0x4a: {  	_ =	shalt  }
0x4b: {  	_ =	shalt  }
0x4c: {  	_ =	shalt  }
0x4d: {  	_ =	shalt  }
0x4e: {  	_ =	shalt  }
0x4f: {  	_ =	shalt  }
0x50: {  	_ =	shalt  }
0x51: {  	_ =	shalt  }
0x52: {  	_ =	shalt  }
0x53: {  	_ =	shalt  }
0x54: {  	_ =	shalt  }
0x55: {  	_ =	shalt  }
0x56: {  	_ =	shalt  }
0x57: {  	_ =	shalt  }
0x58: {  	_ =	shalt  }
0x59: {  	_ =	shalt  }
0x5a: {  	_ =	shalt  }
0x5b: {  	_ =	shalt  }
0x5c: {  	_ =	shalt  }
0x5d: {  	_ =	shalt  }
0x5e: {  	_ =	shalt  }
0x5f: {  	_ =	shalt  }
0x60: {  	_ =	shalt  }
0x61: {  	_ =	shalt  }
0x62: {  	_ =	shalt  }
0x63: {  	_ =	shalt  }
0x64: {  	_ =	shalt  }
0x65: {  	_ =	shalt  }
0x66: {  	_ =	shalt  }
0x67: {  	_ =	shalt  }
0x68: {  	_ =	shalt  }
0x69: {  	_ =	shalt  }
0x6a: {  	_ =	shalt  }
0x6b: {  	_ =	shalt  }
0x6c: {  	_ =	shalt  }
0x6d: {  	_ =	shalt  }
0x6e: {  	_ =	shalt  }
0x6f: {  	_ =	shalt  }
0x70: {  	_ =	shalt  }
0x71: {  	_ =	shalt  }
0x72: {  	_ =	shalt  }
0x73: {  	_ =	shalt  }
0x74: {  	_ =	shalt  }
0x75: {  	_ =	shalt  }
0x76: {  	_ =	shalt  }
0x77: {  	_ =	shalt  }
0x78: {  	_ =	shalt  }
0x79: {  	_ =	shalt  }
0x7a: {  	_ =	shalt  }
0x7b: {  	_ =	shalt  }
0x7c: {  	_ =	shalt  }
0x7d: {  	_ =	shalt  }
0x7e: {  	_ =	shalt  }
0x7f: {  	_ =	shalt  }
0x80: {  	_ =	shalt  }
0x81: {  	_ =	shalt  }
0x82: {  	_ =	shalt  }
0x83: {  	_ =	shalt  }
0x84: {  	_ =	shalt  }
0x85: {  	_ =	shalt  }
0x86: {  	_ =	shalt  }
0x87: {  	_ =	shalt  }
.Lfunc_end0:
.L_simem_size_0:
called_computation.3_lowered:
.L_overlay_start_0:
0x88: {  	s2 =	sld [smem:$0x3FD9]  }
0x89: {  	s3 =	sld [smem:$0x3FFE];
	_ =	sdelay $0x1  }
0x8a: {  	s1 =	srdreg.scid  }
0x8b: {  	s0 =	sand.u32 $0x1, s1  }
0x8c: {  	s17 =	sshll.u32 s0, $0xA;
	s2 =	sadd.s32 s3, s2  }
0x8d: {  	s2 =	sadd.s32 s2, s17  }
0x8e: {  	[smem:$0x3FBD] =	sst s2  }
0x8f: {  	_ = 	snop  }
0x90: {  	s2 =	sld [smem:$0x3FD0];
	(tm) =	ssettm $0x1  }
0x91: {  	s18 =	sld [smem:$0x3FFB];
	_ =	sdelay $0x3  }
0x92: {  	_ =	strace s18  }
0x93: {  	s3 =	sld [smem:$0x3FFC];
	_ =	sdelay $0x3  }
0x94: {  	_ =	strace s3  }
0x95: {  	s3 =	sld [smem:$0x3FFD];
	_ =	sdelay $0x3  }
0x96: {  	_ =	strace s3  }
0x97: {  	_ =	strace $0x8FFFFFFF  }
0x98: {  	s19 =	sld [smem:$0x3FDB];
	_ =	sdelay $0x1  }
0x99: {  	s4 =	simm.s32 $_scs_section_size  }
0x9a: {  	s5 =	simm.s32 $_size__tile_overlayer_lowered;
	s6 =	simm.s32 $_tile_overlayer_lowered  }
0x9b: {  	s22 =	simm.s32 $0x1BFF;
	s21 =	sshll.u32 s6, $0x1;
	s3 =	sadd.s32 s4, s19  }
0x9c: {  	s7 =	simm.s32 $0x0;
	s20 =	sshll.u32 s5, $0x1;
	s5 =	sadd.s32 s21, s3  }
0x9d: {  	[timem:s7], [sflag:s22] =	dma.local [hbm:s5], s20  }
0x9e: {  	_ =	swait.ge [sflag:s22], s20  }
0x9f: {  	s4 =	ssub.s32 $0x0, s20;
	[sflag:s22] =	ssyncset.done $0x0  }
0xa0: {  	[sflag:s22] =	ssyncadd.s32 s4;
	_ =	sdelay $0x1  }
0xa1: {  	s23 =	simm.s32 $0x1B8B  }
0xa2: {  	_ =	swait.ge [sflag:s23], $0x1  }
0xa3: {  	[sflag:s23] =	ssyncset.done $0x0  }
0xa4: {  	s25 =	simm.s32 $0x1B8E;
	s24 =	sld [smem:$0x3FFE];
	[sflag:s23] =	ssyncadd.s32 $0xFFFFFFFF  }
0xa5: {  	s26 =	simm.s32 $execute0_lowered;
	[smem:$0x3FD2] =	sst s25  }
0xa6: {  	s5 =	sshll.u32 s26, $0x1;
	_ =	strace $0x8000004F;
	[dreg:$0x1] =	wrdreg $0xFFFFFFFF  }
0xa7: {  	s28 =	simm.s32 $_size_execute0_lowered;
	s3 =	sadd.s32 s3, s5;
	[dreg:$0x0] =	wrdreg $0x0  }
0xa8: {  	s5 =	sshll.u32 s28, $0x1;
	[dreg:$0x2] =	wrdreg s3  }
0xa9: {  	[dreg:$0x3] =	wrdreg s5  }
0xaa: {  	[dreg:$0x4] =	wrdreg $0xC0  }
0xab: {  	_ =	task [dreg:s7], $0x5FFFF  }
0xac: {  	[dreg:$0x1] =	wrdreg $0xFFFFFFFF  }
0xad: {  	[dreg:$0x0] =	wrdreg $0x60  }
0xae: {  	[dreg:$0x2] =	wrdreg s24  }
0xaf: {  	[dreg:$0x3] =	wrdreg s2  }
0xb0: {  	[dreg:$0x4] =	wrdreg $0x88000  }
0xb1: {  	[dreg:$0x5] =	wrdreg $0x9  }
0xb2: {  	_ =	task.clear_ibuf [dreg:s7], $0x6FFFF;
	_ =	strace $0x9000004F  }
0xb3: {  	s29 =	simm.s32 $0x9;
	_ =	strace $0x80000051  }
0xb4: {  	_ =	swait.ge [sflag:s29], $0x1  }
0xb5: {  	[sflag:s29] =	ssyncadd.s32 $0xFFFFFFFF  }
0xb6: {  	_ =	strace $0x90000051  }
0xb7: {  	_ =	sfence  }
0xb8: {  	s30 =	sld [smem:$0x0];
	_ =	sdelay $0x2  }
0xb9: {  	s31 =	sshll.u32 s1, $0xD;
	s1 =	sshrl.u32 s1, $0x2  }
0xba: {  	s3 =	sand.u32 $0x4000, s31;
	s1 =	sadd.s32 s1, s30  }
0xbb: {  	s0 =	sor.u32 s3, s0;
	s1 =	sshll.u32 s1, $0x11  }
0xbc: {  	s0 =	sor.u32 s1, s0  }
0xbd: {  	s0 =	sadd.s32 $0x8F2B, s0  }
0xbe: {  	[sflag:s0] =	ssyncadd.remote.s32 $0x1  }
0xbf: {  	_ =	sfence.sel $0xFFFF  }
0xc0: {  	[dreg:$0x0] =	wrdreg $0xFFFFFFFF;
	(pc) =	sbr.abs _section_cstart, $3  }
0xc1: {  	[dreg:$0x1] =	wrdreg $0xFFFFFFFF  }
0xc2: {  	_ =	task.clear_ibuf [dreg:s7], $0x2FFFF;
	_ =	strace $0x9FFFFFFF  }
0xc3: {  	(tm) =	ssettm $0x7FFFFFFF  }
tec
execute0_lowered:
.L_overlay_start_1:
0x0: {  	(tag) =	ssettag $0x1  }
0x1: {  	s0 =	rddreg [dreg:$0x0]  }
0x2: {  	s1 =	rddreg [dreg:$0x1];
	s2 =	srdreg.scid;
	s3 =	simm.s32 $0x0  }
0x3: {  	s11 =	stileid.u32;
	s13 =	simm.s32 $0x3;
	s14 =	simm.s32 $0x400  }
0x4: {  	s28 =	simm.s32 $0x600;
	s29 =	simm.s32 $0x300;
	s30 =	simm.s32 $0x680  }
0x5: {  	s31 =	simm.s32 $0x380;
	[dreg:$0x4] =	wrdreg s1;
	s7 =	smul.u32 $0x13C00, s11  }
0x6: {  	s1 =	rddreg [dreg:$0x2];
	s2 =	sand.u32 $0x1, s2;
	s16 =	smul.u32 $0xFFFFFF90, s11  }
0x7: {  	[smem:$0x7FF] =	sst s3;
	s4 =	sadd.s32 $0x16C00, s0;
	s9 =	smul.u32 $0x4F000, s11  }
0x8: {  	s5 =	sadd.s32 $0xCC00, s0;
	s8 =	sadd.s32 $0x3DE00, s0;
	s10 =	smul.u32 $0x88, s11  }
0x9: {  	s20 =	sshll.u32 s11, $0x6;
	s6 =	smul.u32 $0x13C000, s2;
	_ =	strace $0x80000050  }
0xa: {  	[dreg:$0x5] =	wrdreg s8;
	s15 =	ssub.s32 $0x2, s2;
	s22 =	sor.u32 $0x1C03, s20  }
0xb: {  	s20 =	simm.s32 $0x2;
	s17 =	sshrl.u32 s15, $0x1;
	s18 =	sadd.s32 $0x880, s16  }
0xc: {  	s19 =	sshrl.u32 s9, $0x2;
	s16 =	simm.s32 $0x800;
	s21 =	smul.u32 s2, s18  }
0xd: {  	s6 =	sadd.s32 s7, s6;
	s8 =	sadd.s32 s19, s1;
	s2 =	smul.u32 $0xE, s2  }
0xe: {  	s18 =	simm.s32 $0x1;
	s19 =	simm.s32 $0x100;
	s6 =	sshrl.u32 s6, $0x3  }
0xf: {  	s0 =	sadd.s32 s6, s0;
	s6 =	ssub.s32 s15, s17;
	s23 =	sadd.s32 s10, s21  }
0x10: {  	s25 =	ssub.s32 $0x11, s2;
	s10 =	sshrl.u32 s8, $0x3;
	s8 =	smov.u32 s22  }
0x11: {  	s15 =	simm.s32 $0x80;
	s17 =	simm.s32 $0x4800;
	s21 =	simm.s32 $0x480  }
0x12: {  	s22 =	simm.s32 $0x180;
	s0 =	sadd.s32 $0x40600, s0;
	[dreg:$0x8] =	wrdreg s25  }
0x13: {  	s2 =	simm.s32 $0x780;
	s24 =	smax.u32 s6, $0x1;
	[dreg:$0x6] =	wrdreg s0  }
0x14: {  	s26 =	sshll.u32 s23, $0x4;
	s23 =	simm.s32 $0x500;
	[dreg:$0x7] =	wrdreg s24  }
0x15: {  	s25 =	simm.s32 $0x580;
	s6 =	simm.s32 $0x0;
	[dreg:$0x9] =	wrdreg s26  }
0x16: {  	s24 =	simm.s32 $0x200;
	s26 =	simm.s32 $0x280;
	s0 =	simm.s32 $0x700  }
.LBB2_1:
0x17: {  	s7 =	rddreg [dreg:$0x5]  }
0x18: {  	[spmem:s10], [sflag:s8] =	dma.local [hbm:s7], $0x2780  }
0x19: {  	_ =	swait.ge [sflag:s13], $0x2780  }
0x1a: {  	[sflag:s13] =	ssyncset.done $0x0  }
0x1b: {  	[sflag:s13] =	ssyncadd.s32 $0xFFFFD880  }
0x1c: {  	[bflag:$0x0] =	sbarrier.arrive $0xFFFF  }
0x1d: {  	s9 =	smov.u32 s10;
	s10 =	rddreg [dreg:$0x9]  }
0x1e: {  	s7 =	rddreg [dreg:$0x4];
	s11 =	sand.u32 $0x1FFFFF80, s10  }
0x1f: {  	s12 =	smov.u32 s8;
	s8 =	sadd.s32 s7, s11  }
0x20: {  	[tilespmem:s3], [sflag:$0x3] =	stream.linear.gather [hbm4b:s8+s3], $0x400, $0x38;
	[tilespmem:$0x1C400] =	vst v63  }
0x21: {  	_ =	swait.ge [sflag:s13], $0x400  }
0x22: {  	[sflag:s13] =	ssyncset.done $0x0  }
0x23: {  	s7 =	sadd.s32 s5, s11;
	[sflag:s13] =	ssyncadd.s32 $0xFFFFFC00  }
0x24: {  	[tilespmem:s14], [sflag:$0x3] =	stream.linear.gather [hbm4b:s7+s3], $0x400, $0x38;
	[tilespmem:$0x1C400] =	vst v63  }
0x25: {  	_ =	swait.ge [sflag:s13], $0x400  }
0x26: {  	[sflag:s13] =	ssyncset.done $0x0  }
0x27: {  	[sflag:s13] =	ssyncadd.s32 $0xFFFFFC00  }
0x28: {  	[tilespmem:s16], [sflag:$0x1] =	stream.indirect.gather [hbm4b:s4+s15], $0x80, s3, s15, $0xb8;
	[tilespmem:$0x1C400] =	vst v63  }
0x29: {  	_ = 	snop  }
0x2a: {  	[tilespmem:s17], [sflag:$0x2] =	stream.indirect.gather [hbm4b:s4+s15], $0x80, s15, s15, $0xb8;
	[tilespmem:$0x1C400] =	vst v63  }
0x2b: {  	_ =	swait.ge [sflag:s18], $0x4000  }
0x2c: {  	[sflag:s18] =	ssyncset.done $0x0  }
0x2d: {  	[sflag:s18] =	ssyncadd.s32 $0xFFFFC000  }
0x2e: {  	[spmem:s1] =	stream.indirect.scatter.add.f32 [tilespmem:s16], [sflag:$0x3], $0x80, s14, s15, $0xb8;
	[tilespmem:$0x1C400] =	vst v63  }
0x2f: {  	_ =	swait.ge [sflag:s13], $0x4000  }
0x30: {  	[sflag:s13] =	ssyncset.done $0x0  }
0x31: {  	[sflag:s13] =	ssyncadd.s32 $0xFFFFC000  }
0x32: {  	[tilespmem:s16], [sflag:$0x1] =	stream.indirect.gather [hbm4b:s4+s15], $0x80, s19, s15, $0xb8;
	[tilespmem:$0x1C400] =	vst v63  }
0x33: {  	_ =	swait.ge [sflag:s20], $0x4000  }
0x34: {  	[sflag:s20] =	ssyncset.done $0x0  }
0x35: {  	[sflag:s20] =	ssyncadd.s32 $0xFFFFC000  }
0x36: {  	[spmem:s1] =	stream.indirect.scatter.add.f32 [tilespmem:s17], [sflag:$0x3], $0x80, s21, s15, $0xb8;
	[tilespmem:$0x1C400] =	vst v63  }
0x37: {  	_ =	swait.ge [sflag:s13], $0x4000  }
0x38: {  	[sflag:s13] =	ssyncset.done $0x0  }
0x39: {  	[sflag:s13] =	ssyncadd.s32 $0xFFFFC000  }
0x3a: {  	[tilespmem:s17], [sflag:$0x2] =	stream.indirect.gather [hbm4b:s4+s15], $0x80, s22, s15, $0xb8;
	[tilespmem:$0x1C400] =	vst v63  }
0x3b: {  	_ =	swait.ge [sflag:s18], $0x4000  }
0x3c: {  	[sflag:s18] =	ssyncset.done $0x0  }
0x3d: {  	[sflag:s18] =	ssyncadd.s32 $0xFFFFC000  }
0x3e: {  	[spmem:s1] =	stream.indirect.scatter.add.f32 [tilespmem:s16], [sflag:$0x3], $0x80, s23, s15, $0xb8;
	[tilespmem:$0x1C400] =	vst v63  }
0x3f: {  	_ =	swait.ge [sflag:s13], $0x4000  }
0x40: {  	[sflag:s13] =	ssyncset.done $0x0  }
0x41: {  	[sflag:s13] =	ssyncadd.s32 $0xFFFFC000  }
0x42: {  	[tilespmem:s16], [sflag:$0x1] =	stream.indirect.gather [hbm4b:s4+s15], $0x80, s24, s15, $0xb8;
	[tilespmem:$0x1C400] =	vst v63  }
0x43: {  	_ =	swait.ge [sflag:s20], $0x4000  }
0x44: {  	[sflag:s20] =	ssyncset.done $0x0  }
0x45: {  	[sflag:s20] =	ssyncadd.s32 $0xFFFFC000  }
0x46: {  	[spmem:s1] =	stream.indirect.scatter.add.f32 [tilespmem:s17], [sflag:$0x3], $0x80, s25, s15, $0xb8;
	[tilespmem:$0x1C400] =	vst v63  }
0x47: {  	_ =	swait.ge [sflag:s13], $0x4000  }
0x48: {  	[sflag:s13] =	ssyncset.done $0x0  }
0x49: {  	[sflag:s13] =	ssyncadd.s32 $0xFFFFC000  }
0x4a: {  	[tilespmem:s17], [sflag:$0x2] =	stream.indirect.gather [hbm4b:s4+s15], $0x80, s26, s15, $0xb8;
	[tilespmem:$0x1C400] =	vst v63  }
0x4b: {  	_ =	swait.ge [sflag:s18], $0x4000  }
0x4c: {  	[sflag:s18] =	ssyncset.done $0x0  }
0x4d: {  	[sflag:s18] =	ssyncadd.s32 $0xFFFFC000  }
0x4e: {  	[spmem:s1] =	stream.indirect.scatter.add.f32 [tilespmem:s16], [sflag:$0x3], $0x80, s28, s15, $0xb8;
	[tilespmem:$0x1C400] =	vst v63  }
0x4f: {  	_ =	swait.ge [sflag:s13], $0x4000  }
0x50: {  	[sflag:s13] =	ssyncset.done $0x0  }
0x51: {  	[sflag:s13] =	ssyncadd.s32 $0xFFFFC000  }
0x52: {  	[tilespmem:s16], [sflag:$0x1] =	stream.indirect.gather [hbm4b:s4+s15], $0x80, s29, s15, $0xb8;
	[tilespmem:$0x1C400] =	vst v63  }
0x53: {  	_ =	swait.ge [sflag:s20], $0x4000  }
0x54: {  	[sflag:s20] =	ssyncset.done $0x0  }
0x55: {  	[sflag:s20] =	ssyncadd.s32 $0xFFFFC000  }
0x56: {  	[spmem:s1] =	stream.indirect.scatter.add.f32 [tilespmem:s17], [sflag:$0x3], $0x80, s30, s15, $0xb8;
	[tilespmem:$0x1C400] =	vst v63  }
0x57: {  	_ =	swait.ge [sflag:s13], $0x4000  }
0x58: {  	[sflag:s13] =	ssyncset.done $0x0  }
0x59: {  	[sflag:s13] =	ssyncadd.s32 $0xFFFFC000  }
0x5a: {  	[tilespmem:s17], [sflag:$0x2] =	stream.indirect.gather [hbm4b:s4+s15], $0x80, s31, s15, $0xb8;
	[tilespmem:$0x1C400] =	vst v63  }
0x5b: {  	_ =	swait.ge [sflag:s18], $0x4000  }
0x5c: {  	[sflag:s18] =	ssyncset.done $0x0  }
0x5d: {  	[sflag:s18] =	ssyncadd.s32 $0xFFFFC000  }
0x5e: {  	[spmem:s1] =	stream.indirect.scatter.add.f32 [tilespmem:s16], [sflag:$0x3], $0x80, s0, s15, $0xb8;
	[tilespmem:$0x1C400] =	vst v63  }
0x5f: {  	_ =	swait.ge [sflag:s13], $0x4000  }
0x60: {  	[sflag:s13] =	ssyncset.done $0x0  }
0x61: {  	[sflag:s13] =	ssyncadd.s32 $0xFFFFC000  }
0x62: {  	_ =	swait.ge [sflag:s20], $0x4000  }
0x63: {  	s11 =	rddreg [dreg:$0x8]  }
0x64: {  	p0 =	sne.s32 s11, $0x1  }
.Ltmp0:
0x65: {  	_ = 	snop;
	(pc) =	sbr.rel @!p0 .LBB2_3-.Ltmp0, $4  }
0x66: {  	[sflag:s20] =	ssyncset.done $0x0  }
0x67: {  	[sflag:s20] =	ssyncadd.s32 $0xFFFFC000  }
0x68: {  	[spmem:s1] =	stream.indirect.scatter.add.f32 [tilespmem:s17], [sflag:$0x3], $0x80, s2, s15, $0xb8;
	[tilespmem:$0x1C400] =	vst v63  }
0x69: {  	s8 =	sadd.s32 $0xFFFFFFFF, s11;
	s11 =	smov.u32 s10;
	_ =	swait.ge [sflag:s13], $0x4000  }
.LBB2_2:
0x6a: {  	s11 =	sadd.s32 $0x80, s11  }
0x6b: {  	s7 =	rddreg [dreg:$0x4];
	[sflag:s13] =	ssyncset.done $0x0;
	s10 =	sand.u32 $0x1FFFFF80, s11  }
0x6c: {  	[sflag:s13] =	ssyncadd.s32 $0xFFFFC000;
	s7 =	sadd.s32 s7, s10  }
0x6d: {  	[tilespmem:s3], [sflag:$0x3] =	stream.linear.gather [hbm4b:s7+s3], $0x400, $0x38;
	[tilespmem:$0x1C400] =	vst v63  }
0x6e: {  	_ =	swait.ge [sflag:s13], $0x400  }
0x6f: {  	[sflag:s13] =	ssyncset.done $0x0  }
0x70: {  	s10 =	sadd.s32 s5, s10;
	[sflag:s13] =	ssyncadd.s32 $0xFFFFFC00  }
0x71: {  	[tilespmem:s14], [sflag:$0x3] =	stream.linear.gather [hbm4b:s10+s3], $0x400, $0x38;
	[tilespmem:$0x1C400] =	vst v63  }
0x72: {  	_ =	swait.ge [sflag:s13], $0x400  }
0x73: {  	[sflag:s13] =	ssyncset.done $0x0  }
0x74: {  	[sflag:s13] =	ssyncadd.s32 $0xFFFFFC00  }
0x75: {  	[tilespmem:s16], [sflag:$0x1] =	stream.indirect.gather [hbm4b:s4+s15], $0x80, s3, s15, $0xb8;
	[tilespmem:$0x1C400] =	vst v63  }
0x76: {  	_ = 	snop  }
0x77: {  	[tilespmem:s17], [sflag:$0x2] =	stream.indirect.gather [hbm4b:s4+s15], $0x80, s15, s15, $0xb8;
	[tilespmem:$0x1C400] =	vst v63  }
0x78: {  	_ =	swait.ge [sflag:s18], $0x4000  }
0x79: {  	[sflag:s18] =	ssyncset.done $0x0  }
0x7a: {  	[sflag:s18] =	ssyncadd.s32 $0xFFFFC000  }
0x7b: {  	[spmem:s1] =	stream.indirect.scatter.add.f32 [tilespmem:s16], [sflag:$0x3], $0x80, s14, s15, $0xb8;
	[tilespmem:$0x1C400] =	vst v63  }
0x7c: {  	_ =	swait.ge [sflag:s13], $0x4000  }
0x7d: {  	[sflag:s13] =	ssyncset.done $0x0  }
0x7e: {  	[sflag:s13] =	ssyncadd.s32 $0xFFFFC000  }
0x7f: {  	[tilespmem:s16], [sflag:$0x1] =	stream.indirect.gather [hbm4b:s4+s15], $0x80, s19, s15, $0xb8;
	[tilespmem:$0x1C400] =	vst v63  }
0x80: {  	_ =	swait.ge [sflag:s20], $0x4000  }
0x81: {  	[sflag:s20] =	ssyncset.done $0x0  }
0x82: {  	[sflag:s20] =	ssyncadd.s32 $0xFFFFC000  }
0x83: {  	[spmem:s1] =	stream.indirect.scatter.add.f32 [tilespmem:s17], [sflag:$0x3], $0x80, s21, s15, $0xb8;
	[tilespmem:$0x1C400] =	vst v63  }
0x84: {  	_ =	swait.ge [sflag:s13], $0x4000  }
0x85: {  	[sflag:s13] =	ssyncset.done $0x0  }
0x86: {  	[sflag:s13] =	ssyncadd.s32 $0xFFFFC000  }
0x87: {  	[tilespmem:s17], [sflag:$0x2] =	stream.indirect.gather [hbm4b:s4+s15], $0x80, s22, s15, $0xb8;
	[tilespmem:$0x1C400] =	vst v63  }
0x88: {  	_ =	swait.ge [sflag:s18], $0x4000  }
0x89: {  	[sflag:s18] =	ssyncset.done $0x0  }
0x8a: {  	[sflag:s18] =	ssyncadd.s32 $0xFFFFC000  }
0x8b: {  	[spmem:s1] =	stream.indirect.scatter.add.f32 [tilespmem:s16], [sflag:$0x3], $0x80, s23, s15, $0xb8;
	[tilespmem:$0x1C400] =	vst v63  }
0x8c: {  	_ =	swait.ge [sflag:s13], $0x4000  }
0x8d: {  	[sflag:s13] =	ssyncset.done $0x0  }
0x8e: {  	[sflag:s13] =	ssyncadd.s32 $0xFFFFC000  }
0x8f: {  	[tilespmem:s16], [sflag:$0x1] =	stream.indirect.gather [hbm4b:s4+s15], $0x80, s24, s15, $0xb8;
	[tilespmem:$0x1C400] =	vst v63  }
0x90: {  	_ =	swait.ge [sflag:s20], $0x4000  }
0x91: {  	[sflag:s20] =	ssyncset.done $0x0  }
0x92: {  	[sflag:s20] =	ssyncadd.s32 $0xFFFFC000  }
0x93: {  	[spmem:s1] =	stream.indirect.scatter.add.f32 [tilespmem:s17], [sflag:$0x3], $0x80, s25, s15, $0xb8;
	[tilespmem:$0x1C400] =	vst v63  }
0x94: {  	_ =	swait.ge [sflag:s13], $0x4000  }
0x95: {  	[sflag:s13] =	ssyncset.done $0x0  }
0x96: {  	[sflag:s13] =	ssyncadd.s32 $0xFFFFC000  }
0x97: {  	[tilespmem:s17], [sflag:$0x2] =	stream.indirect.gather [hbm4b:s4+s15], $0x80, s26, s15, $0xb8;
	[tilespmem:$0x1C400] =	vst v63  }
0x98: {  	_ =	swait.ge [sflag:s18], $0x4000  }
0x99: {  	[sflag:s18] =	ssyncset.done $0x0  }
0x9a: {  	[sflag:s18] =	ssyncadd.s32 $0xFFFFC000  }
0x9b: {  	[spmem:s1] =	stream.indirect.scatter.add.f32 [tilespmem:s16], [sflag:$0x3], $0x80, s28, s15, $0xb8;
	[tilespmem:$0x1C400] =	vst v63  }
0x9c: {  	_ =	swait.ge [sflag:s13], $0x4000  }
0x9d: {  	[sflag:s13] =	ssyncset.done $0x0  }
0x9e: {  	[sflag:s13] =	ssyncadd.s32 $0xFFFFC000  }
0x9f: {  	[tilespmem:s16], [sflag:$0x1] =	stream.indirect.gather [hbm4b:s4+s15], $0x80, s29, s15, $0xb8;
	[tilespmem:$0x1C400] =	vst v63  }
0xa0: {  	_ =	swait.ge [sflag:s20], $0x4000  }
0xa1: {  	[sflag:s20] =	ssyncset.done $0x0  }
0xa2: {  	[sflag:s20] =	ssyncadd.s32 $0xFFFFC000  }
0xa3: {  	[spmem:s1] =	stream.indirect.scatter.add.f32 [tilespmem:s17], [sflag:$0x3], $0x80, s30, s15, $0xb8;
	[tilespmem:$0x1C400] =	vst v63  }
0xa4: {  	_ =	swait.ge [sflag:s13], $0x4000  }
0xa5: {  	[sflag:s13] =	ssyncset.done $0x0  }
0xa6: {  	[sflag:s13] =	ssyncadd.s32 $0xFFFFC000  }
0xa7: {  	[tilespmem:s17], [sflag:$0x2] =	stream.indirect.gather [hbm4b:s4+s15], $0x80, s31, s15, $0xb8;
	[tilespmem:$0x1C400] =	vst v63  }
0xa8: {  	_ =	swait.ge [sflag:s18], $0x4000  }
0xa9: {  	[sflag:s18] =	ssyncset.done $0x0  }
0xaa: {  	[sflag:s18] =	ssyncadd.s32 $0xFFFFC000  }
0xab: {  	[spmem:s1] =	stream.indirect.scatter.add.f32 [tilespmem:s16], [sflag:$0x3], $0x80, s0, s15, $0xb8;
	[tilespmem:$0x1C400] =	vst v63  }
0xac: {  	_ =	swait.ge [sflag:s13], $0x4000  }
0xad: {  	[sflag:s13] =	ssyncset.done $0x0  }
0xae: {  	p0 =	sne.s32 s8, $0x1;
	[sflag:s13] =	ssyncadd.s32 $0xFFFFC000  }
.Ltmp1:
0xaf: {  	_ =	swait.ge [sflag:s20], $0x4000;
	(pc) =	sbr.rel @p0 .LBB2_2-.Ltmp1, $4  }
0xb0: {  	[sflag:s20] =	ssyncset.done $0x0  }
0xb1: {  	[sflag:s20] =	ssyncadd.s32 $0xFFFFC000  }
0xb2: {  	[spmem:s1] =	stream.indirect.scatter.add.f32 [tilespmem:s17], [sflag:$0x3], $0x80, s2, s15, $0xb8;
	[tilespmem:$0x1C400] =	vst v63  }
0xb3: {  	s8 =	sadd.s32 $0xFFFFFFFF, s8;
	_ =	swait.ge [sflag:s13], $0x4000  }
.LBB2_3:
0xb4: {  	[sflag:s13] =	ssyncset.done $0x0  }
0xb5: {  	[sflag:s13] =	ssyncadd.s32 $0xFFFFC000  }
0xb6: {  	[bflag:$0x0] =	sbarrier.arrive $0xFFFF  }
0xb7: {  	s7 =	rddreg [dreg:$0x6]  }
0xb8: {  	[hbm:s7], [sflag:s12] =	dma.local [spmem:s9], $0x2780  }
0xb9: {  	_ =	swait.ge [sflag:s13], $0x2780  }
0xba: {  	s8 =	smov.u32 s12;
	s6 =	sadd.s32 $0x1, s6;
	s12 =	rddreg [dreg:$0x7]  }
0xbb: {  	p0 =	sne.s32 s6, s12  }
.Ltmp2:
0xbc: {  	_ = 	snop;
	(pc) =	sbr.rel @p0 .LBB2_1-.Ltmp2, $3  }
0xbd: {  	_ =	sdelay $0x1  }
0xbe: {  	[sflag:s13] =	ssyncset.done $0x0  }
0xbf: {  	s10 =	smov.u32 s9;
	[sflag:s13] =	ssyncadd.s32 $0xFFFFD880  }
0xc0: {  	_ =	sfence.sel $0x180000  }
0xc1: {  	[bflag:$0x0] =	sbarrier.arrive $0xFFFF  }
0xc2: {  	_ =	strace $0x90000050  }
0xc3: {  	s0 =	stileid.u32;
	[bflag:$0x2] =	sbarrier.arrive $0xFFFF  }
0xc4: {  	p0 =	sne.s32 s0, $0x0;
	s0 =	rddreg [dreg:$0x3]  }
0xc5: {  	s0 =	sadd.s32 @!p0 $0x100000, s0  }
0xc6: {  	[sflag:s0] =	ssyncadd.tile.s32 @!p0 $0x1;
	_ =	shalt  }
.Lfunc_end2:
_tile_overlayer_lowered:
.L_overlay_start_2:
0xc7: {  	(tag) =	ssettag $0x2  }
0xc8: {  	s0 =	rddreg [dreg:$0x0];
	s2 =	stileid.u32  }
0xc9: {  	s1 =	rddreg [dreg:$0x1];
	p0 =	sne.s32 s2, $0x0  }
0xca: {  	s3 =	rddreg [dreg:$0x2];
	[bflag:$0x3] =	sbarrier.arrive $0xFFFF;
	s2 =	simm.s32 @!p0 $0x1C03  }
0xcb: {  	[timem:s3], [sflag:s2] =	dma.local @!p0 [hbm:s0], s1  }
0xcc: {  	s0 =	simm.s32 @!p0 $0x3  }
0xcd: {  	_ =	swait.ge @!p0 [sflag:s0], s1  }
0xce: {  	s1 =	ssub.s32 @!p0 $0x0, s1;
	[sflag:s0] =	ssyncset.done @!p0 $0x0  }
0xcf: {  	[sflag:s0] =	ssyncadd.s32 @!p0 s1  }
0xd0: {  	[bflag:$0x3] =	sbarrier.arrive $0xFFFF  }
0xd1: {  	_ =	shalt  }

</sc_bundles>
